<compile_context>
chip_gen: v7x
topology: tpu7x:2x2x1
jax: 0.10.2.dev20260603
libtpu: 0.0.44.dev20260713+nightly
codegen_flags: <defaults>
</compile_context>

<pallas_src>
import functools

import jax
import jax.numpy as jnp
from jax import lax
from jax.experimental import pallas as pl
from jax.experimental.pallas import tpu as pltpu
from jax.experimental.pallas import tpu_sc as plsc

VOCAB = 100000
EMBED = 64
B = 1024
L = 50

NW = 32
EX_PER_W = B // NW
LANES = 16

RB = 32
NB = B // RB
VS = 4096
NV = pl.cdiv(VOCAB, VS)
VPAD = NV * VS
TAIL = VOCAB - (NV - 1) * VS


def _sc_pool_body(ctx_hbm, emb_hbm, out_hbm, idx_v, rows_v, pooled_v, sem):
    wid = lax.axis_index("s") * 2 + lax.axis_index("c")
    pltpu.sync_copy(ctx_hbm.at[pl.ds(wid * EX_PER_W, EX_PER_W), :], idx_v)
    copies = [
        pltpu.async_copy(
            emb_hbm.at[idx_v.at[e]],
            rows_v.at[pl.ds(e * L, L), :],
            sem,
        )
        for e in range(EX_PER_W)
    ]
    for cp in copies:
        cp.wait()

    def body(e, carry):
        base = e * L
        for c in range(EMBED // LANES):
            acc = rows_v[base, pl.ds(c * LANES, LANES)]
            for l in range(1, L):
                acc = acc + rows_v[base + l, pl.ds(c * LANES, LANES)]
            pooled_v[e, pl.ds(c * LANES, LANES)] = acc
        return carry

    lax.fori_loop(0, EX_PER_W, body, 0)
    pltpu.sync_copy(pooled_v, out_hbm.at[pl.ds(wid * EX_PER_W, EX_PER_W), :])


_sc_pool = functools.partial(
    pl.kernel,
    out_type=jax.ShapeDtypeStruct((B, EMBED), jnp.float32),
    mesh=plsc.VectorSubcoreMesh(core_axis_name="c", subcore_axis_name="s"),
    scratch_types=[
        pltpu.VMEM((EX_PER_W, L), jnp.int32),
        pltpu.VMEM((EX_PER_W * L, EMBED), jnp.float32),
        pltpu.VMEM((EX_PER_W, EMBED), jnp.float32),
        pltpu.SemaphoreType.DMA,
    ],
    compiler_params=pltpu.CompilerParams(use_tc_tiling_on_sc=False),
)(_sc_pool_body)


def _mm_body(c_ref, p_ref, wt_ref, bt_ref, o_ref):
    x = p_ref[:] / c_ref[:]
    o_ref[:] = (
        lax.dot_general(
            wt_ref[:], x, (((0,), (1,)), ((), ())),
            preferred_element_type=jnp.float32,
        )
        + bt_ref[:]
    )


def kernel(context_indices, actual_C, embedding, W, b):
    pooled = _sc_pool(context_indices, embedding)

    c2d = actual_C.astype(jnp.float32).reshape(B, 1)
    bt2d = b.reshape(VOCAB, 1)
    wt = W.T
    scores_t = pl.pallas_call(
        _mm_body,
        grid=(NV,),
        in_specs=[
            pl.BlockSpec((B, 1), lambda vi: (0, 0)),
            pl.BlockSpec((B, EMBED), lambda vi: (0, 0)),
            pl.BlockSpec((EMBED, VS), lambda vi: (0, vi)),
            pl.BlockSpec((VS, 1), lambda vi: (vi, 0)),
        ],
        out_specs=pl.BlockSpec((VS, B), lambda vi: (vi, 0)),
        out_shape=jax.ShapeDtypeStruct((VOCAB, B), jnp.float32),
        compiler_params=pltpu.CompilerParams(
            vmem_limit_bytes=63 * 1024 * 1024,
        ),
    )(c2d, pooled, wt, bt2d)
    return scores_t.T

# --- scband reference (transcript-rebuilt; emitter-appended) ---
"""Pipeline reference for scband-cbow-42185168781754 (READ-ONLY COPY).

The authoritative reference and input builder live on the scoring server;
editing this copy changes nothing except your own understanding.
"""

import jax, jax.numpy as jnp
import numpy as np

VOCAB = 100000
EMBED = 64
B = 1024
L = 50


def setup_inputs(seed: int = 0) -> dict:
    key = jax.random.key(seed)
    k1, k2, k3 = jax.random.split(key, 3)
    context_indices = jax.random.randint(k1, (B, L), 0, VOCAB, dtype=jnp.int32)
    # actual_C: number of real (non-pad) context tokens per example; use ones-scaled
    # (filled with 1s per harness spec; divides safely, matching fill='ones')
    actual_C = jnp.ones((B,), dtype=jnp.int32)
    embedding = jax.random.normal(k2, (VOCAB, EMBED), dtype=jnp.float32)
    embedding = embedding.at[0].set(0.0)  # padding_idx=0
    W = jax.random.normal(k3, (VOCAB, EMBED), dtype=jnp.float32) * 0.02  # Linear weight [out=vocab, in=embed]
    b = jnp.zeros((VOCAB,), dtype=jnp.float32)
    return {
        "context_indices": context_indices,
        "actual_C": actual_C,
        "embedding": embedding,
        "W": W,
        "b": b,
    }


def reference(context_indices, actual_C, embedding, W, b):
    # nn.Embedding gather (padding row 0 is zeroed in the table)
    emb = jnp.take(embedding, context_indices, axis=0)          # [B, L, EMBED]
    sum_emb = emb.sum(axis=1)                                   # [B, EMBED]
    avg = sum_emb / actual_C[:, None].astype(jnp.float32)       # [B, EMBED]
    scores = avg @ W.T + b                                      # [B, VOCAB]
    return scores

if __name__ == "__main__":
    import jax
    _d = setup_inputs()
    print(jax.jit(kernel)(*tuple(_d.values())))

</pallas_src>

<mosaic_0001>
#map = affine_map<(d0, d1) -> (0, 0)>
module attributes {stable_mosaic.version = 14 : i64} {
  func.func @_sc_pool_body(%arg0: i32, %arg1: i32, %arg2: memref<1024x50xi32, #tpu.memory_space<hbm>>, %arg3: memref<100000x64xf32, #tpu.memory_space<hbm>>, %arg4: memref<1024x64xf32, #tpu.memory_space<hbm>>, %arg5: memref<32x50xi32, #tpu.memory_space<vmem>>, %arg6: memref<1600x64xf32, #tpu.memory_space<vmem>>, %arg7: memref<32x64xf32, #tpu.memory_space<vmem>>, %arg8: memref<!tpu.dma_semaphore, #tpu.memory_space<semaphore_mem>>) attributes {dimension_semantics = [#tpu.dimension_semantics<core_parallel>, #tpu.dimension_semantics<subcore_parallel>], iteration_bounds = array<i64: 2, 16>, scalar_prefetch = 0 : i64, scratch_operands = 4 : i64, tpu.core_type = #tpu.core_type<sc_vector_subcore>, window_params = [{transform_indices = #map}, {transform_indices = #map}, {transform_indices = #map}]} {
    %mul3A = arith.constant 2 : i32
    %mul3A_0 = arith.muli %arg1, %mul3A : i32
    %add3A = arith.addi %mul3A_0, %arg0 : i32
    %mul3A_1 = arith.constant 32 : i32
    %mul3A_2 = arith.muli %add3A, %mul3A_1 : i32
    "tpu.region"() ({
      %run_scoped3A = tpu.sem_alloc : memref<!tpu.dma_semaphore, #tpu.memory_space<semaphore_mem>>
      %dma_start3A_648 = arith.constant 0 : i32
      %dma_start3A_649 = tpu.memref_slice %arg2[%mul3A_2, %dma_start3A_648] : memref<1024x50xi32, #tpu.memory_space<hbm>> -> memref<32x50xi32, #tpu.memory_space<hbm>>
      %dma_start3A_650 = arith.constant 0 : i32
      %dma_start3A_651 = tpu.memref_slice %arg2[%mul3A_2, %dma_start3A_650] : memref<1024x50xi32, #tpu.memory_space<hbm>> -> memref<32x50xi32, #tpu.memory_space<hbm>>
      tpu.enqueue_dma source(%dma_start3A_651 : memref<32x50xi32, #tpu.memory_space<hbm>>) target(%arg5 : memref<32x50xi32, #tpu.memory_space<vmem>>) target_semaphore(%run_scoped3A : memref<!tpu.dma_semaphore, #tpu.memory_space<semaphore_mem>>)
      %dma_wait3A_652 = arith.constant 0 : i32
      %dma_wait3A_653 = tpu.memref_slice %arg2[%mul3A_2, %dma_wait3A_652] : memref<1024x50xi32, #tpu.memory_space<hbm>> -> memref<32x50xi32, #tpu.memory_space<hbm>>
      %dma_wait3A_654 = arith.constant 0 : i32
      %dma_wait3A_655 = tpu.memref_slice %arg2[%mul3A_2, %dma_wait3A_654] : memref<1024x50xi32, #tpu.memory_space<hbm>> -> memref<32x50xi32, #tpu.memory_space<hbm>>
      tpu.wait_dma2 semaphore(%run_scoped3A : memref<!tpu.dma_semaphore, #tpu.memory_space<semaphore_mem>>) src(%dma_wait3A_655 : memref<32x50xi32, #tpu.memory_space<hbm>>) dst(%arg5 : memref<32x50xi32, #tpu.memory_space<vmem>>)
      tpu.yield
    }) : () -> ()
    %dma_start3A = arith.constant 0 : i32
    %dma_start3A_3 = arith.constant 0 : i32
    %dma_start3A_4 = arith.constant 0 : i32
    %dma_start3A_5 = tpu.memref_slice %arg6[%dma_start3A_3, %dma_start3A_4] : memref<1600x64xf32, #tpu.memory_space<vmem>> -> memref<50x64xf32, #tpu.memory_space<vmem>>
    %dma_start3A_6 = arith.constant 0 : i32
    %dma_start3A_7 = tpu.memref_slice %arg5[%dma_start3A, %dma_start3A_6] : memref<32x50xi32, #tpu.memory_space<vmem>> -> memref<1x50xi32, #tpu.memory_space<vmem>>
    %dma_start3A_8 = tpu.memref_squeeze %dma_start3A_7 : memref<1x50xi32, #tpu.memory_space<vmem>> -> memref<50xi32, #tpu.memory_space<vmem>>
    %dma_start3A_9 = arith.constant 0 : i32
    %dma_start3A_10 = arith.constant 0 : i32
    %dma_start3A_11 = tpu.memref_slice %arg3[%dma_start3A_9, %dma_start3A_10] : memref<100000x64xf32, #tpu.memory_space<hbm>> -> memref<100000x64xf32, #tpu.memory_space<hbm>>
    tpu.enqueue_indirect_dma source(%dma_start3A_11 : memref<100000x64xf32, #tpu.memory_space<hbm>>) target(%dma_start3A_5 : memref<50x64xf32, #tpu.memory_space<vmem>>) offsets(%dma_start3A_8 : memref<50xi32, #tpu.memory_space<vmem>>) semaphore(%arg8 : memref<!tpu.dma_semaphore, #tpu.memory_space<semaphore_mem>>)
    %dma_start3A_12 = arith.constant 1 : i32
    %dma_start3A_13 = arith.constant 50 : i32
    %dma_start3A_14 = arith.constant 0 : i32
    %dma_start3A_15 = tpu.memref_slice %arg6[%dma_start3A_13, %dma_start3A_14] : memref<1600x64xf32, #tpu.memory_space<vmem>> -> memref<50x64xf32, #tpu.memory_space<vmem>>
    %dma_start3A_16 = arith.constant 0 : i32
    %dma_start3A_17 = tpu.memref_slice %arg5[%dma_start3A_12, %dma_start3A_16] : memref<32x50xi32, #tpu.memory_space<vmem>> -> memref<1x50xi32, #tpu.memory_space<vmem>>
    %dma_start3A_18 = tpu.memref_squeeze %dma_start3A_17 : memref<1x50xi32, #tpu.memory_space<vmem>> -> memref<50xi32, #tpu.memory_space<vmem>>
    %dma_start3A_19 = arith.constant 0 : i32
    %dma_start3A_20 = arith.constant 0 : i32
    %dma_start3A_21 = tpu.memref_slice %arg3[%dma_start3A_19, %dma_start3A_20] : memref<100000x64xf32, #tpu.memory_space<hbm>> -> memref<100000x64xf32, #tpu.memory_space<hbm>>
    tpu.enqueue_indirect_dma source(%dma_start3A_21 : memref<100000x64xf32, #tpu.memory_space<hbm>>) target(%dma_start3A_15 : memref<50x64xf32, #tpu.memory_space<vmem>>) offsets(%dma_start3A_18 : memref<50xi32, #tpu.memory_space<vmem>>) semaphore(%arg8 : memref<!tpu.dma_semaphore, #tpu.memory_space<semaphore_mem>>)
    %dma_start3A_22 = arith.constant 2 : i32
    %dma_start3A_23 = arith.constant 100 : i32
    %dma_start3A_24 = arith.constant 0 : i32
    %dma_start3A_25 = tpu.memref_slice %arg6[%dma_start3A_23, %dma_start3A_24] : memref<1600x64xf32, #tpu.memory_space<vmem>> -> memref<50x64xf32, #tpu.memory_space<vmem>>
    %dma_start3A_26 = arith.constant 0 : i32
    %dma_start3A_27 = tpu.memref_slice %arg5[%dma_start3A_22, %dma_start3A_26] : memref<32x50xi32, #tpu.memory_space<vmem>> -> memref<1x50xi32, #tpu.memory_space<vmem>>
    %dma_start3A_28 = tpu.memref_squeeze %dma_start3A_27 : memref<1x50xi32, #tpu.memory_space<vmem>> -> memref<50xi32, #tpu.memory_space<vmem>>
    %dma_start3A_29 = arith.constant 0 : i32
    %dma_start3A_30 = arith.constant 0 : i32
    %dma_start3A_31 = tpu.memref_slice %arg3[%dma_start3A_29, %dma_start3A_30] : memref<100000x64xf32, #tpu.memory_space<hbm>> -> memref<100000x64xf32, #tpu.memory_space<hbm>>
    tpu.enqueue_indirect_dma source(%dma_start3A_31 : memref<100000x64xf32, #tpu.memory_space<hbm>>) target(%dma_start3A_25 : memref<50x64xf32, #tpu.memory_space<vmem>>) offsets(%dma_start3A_28 : memref<50xi32, #tpu.memory_space<vmem>>) semaphore(%arg8 : memref<!tpu.dma_semaphore, #tpu.memory_space<semaphore_mem>>)
    %dma_start3A_32 = arith.constant 3 : i32
    %dma_start3A_33 = arith.constant 150 : i32
    %dma_start3A_34 = arith.constant 0 : i32
    %dma_start3A_35 = tpu.memref_slice %arg6[%dma_start3A_33, %dma_start3A_34] : memref<1600x64xf32, #tpu.memory_space<vmem>> -> memref<50x64xf32, #tpu.memory_space<vmem>>
    %dma_start3A_36 = arith.constant 0 : i32
    %dma_start3A_37 = tpu.memref_slice %arg5[%dma_start3A_32, %dma_start3A_36] : memref<32x50xi32, #tpu.memory_space<vmem>> -> memref<1x50xi32, #tpu.memory_space<vmem>>
    %dma_start3A_38 = tpu.memref_squeeze %dma_start3A_37 : memref<1x50xi32, #tpu.memory_space<vmem>> -> memref<50xi32, #tpu.memory_space<vmem>>
    %dma_start3A_39 = arith.constant 0 : i32
    %dma_start3A_40 = arith.constant 0 : i32
    %dma_start3A_41 = tpu.memref_slice %arg3[%dma_start3A_39, %dma_start3A_40] : memref<100000x64xf32, #tpu.memory_space<hbm>> -> memref<100000x64xf32, #tpu.memory_space<hbm>>
    tpu.enqueue_indirect_dma source(%dma_start3A_41 : memref<100000x64xf32, #tpu.memory_space<hbm>>) target(%dma_start3A_35 : memref<50x64xf32, #tpu.memory_space<vmem>>) offsets(%dma_start3A_38 : memref<50xi32, #tpu.memory_space<vmem>>) semaphore(%arg8 : memref<!tpu.dma_semaphore, #tpu.memory_space<semaphore_mem>>)
    %dma_start3A_42 = arith.constant 4 : i32
    %dma_start3A_43 = arith.constant 200 : i32
    %dma_start3A_44 = arith.constant 0 : i32
    %dma_start3A_45 = tpu.memref_slice %arg6[%dma_start3A_43, %dma_start3A_44] : memref<1600x64xf32, #tpu.memory_space<vmem>> -> memref<50x64xf32, #tpu.memory_space<vmem>>
    %dma_start3A_46 = arith.constant 0 : i32
    %dma_start3A_47 = tpu.memref_slice %arg5[%dma_start3A_42, %dma_start3A_46] : memref<32x50xi32, #tpu.memory_space<vmem>> -> memref<1x50xi32, #tpu.memory_space<vmem>>
    %dma_start3A_48 = tpu.memref_squeeze %dma_start3A_47 : memref<1x50xi32, #tpu.memory_space<vmem>> -> memref<50xi32, #tpu.memory_space<vmem>>
    %dma_start3A_49 = arith.constant 0 : i32
    %dma_start3A_50 = arith.constant 0 : i32
    %dma_start3A_51 = tpu.memref_slice %arg3[%dma_start3A_49, %dma_start3A_50] : memref<100000x64xf32, #tpu.memory_space<hbm>> -> memref<100000x64xf32, #tpu.memory_space<hbm>>
    tpu.enqueue_indirect_dma source(%dma_start3A_51 : memref<100000x64xf32, #tpu.memory_space<hbm>>) target(%dma_start3A_45 : memref<50x64xf32, #tpu.memory_space<vmem>>) offsets(%dma_start3A_48 : memref<50xi32, #tpu.memory_space<vmem>>) semaphore(%arg8 : memref<!tpu.dma_semaphore, #tpu.memory_space<semaphore_mem>>)
    %dma_start3A_52 = arith.constant 5 : i32
    %dma_start3A_53 = arith.constant 250 : i32
    %dma_start3A_54 = arith.constant 0 : i32
    %dma_start3A_55 = tpu.memref_slice %arg6[%dma_start3A_53, %dma_start3A_54] : memref<1600x64xf32, #tpu.memory_space<vmem>> -> memref<50x64xf32, #tpu.memory_space<vmem>>
    %dma_start3A_56 = arith.constant 0 : i32
    %dma_start3A_57 = tpu.memref_slice %arg5[%dma_start3A_52, %dma_start3A_56] : memref<32x50xi32, #tpu.memory_space<vmem>> -> memref<1x50xi32, #tpu.memory_space<vmem>>
    %dma_start3A_58 = tpu.memref_squeeze %dma_start3A_57 : memref<1x50xi32, #tpu.memory_space<vmem>> -> memref<50xi32, #tpu.memory_space<vmem>>
    %dma_start3A_59 = arith.constant 0 : i32
    %dma_start3A_60 = arith.constant 0 : i32
    %dma_start3A_61 = tpu.memref_slice %arg3[%dma_start3A_59, %dma_start3A_60] : memref<100000x64xf32, #tpu.memory_space<hbm>> -> memref<100000x64xf32, #tpu.memory_space<hbm>>
    tpu.enqueue_indirect_dma source(%dma_start3A_61 : memref<100000x64xf32, #tpu.memory_space<hbm>>) target(%dma_start3A_55 : memref<50x64xf32, #tpu.memory_space<vmem>>) offsets(%dma_start3A_58 : memref<50xi32, #tpu.memory_space<vmem>>) semaphore(%arg8 : memref<!tpu.dma_semaphore, #tpu.memory_space<semaphore_mem>>)
    %dma_start3A_62 = arith.constant 6 : i32
    %dma_start3A_63 = arith.constant 300 : i32
    %dma_start3A_64 = arith.constant 0 : i32
    %dma_start3A_65 = tpu.memref_slice %arg6[%dma_start3A_63, %dma_start3A_64] : memref<1600x64xf32, #tpu.memory_space<vmem>> -> memref<50x64xf32, #tpu.memory_space<vmem>>
    %dma_start3A_66 = arith.constant 0 : i32
    %dma_start3A_67 = tpu.memref_slice %arg5[%dma_start3A_62, %dma_start3A_66] : memref<32x50xi32, #tpu.memory_space<vmem>> -> memref<1x50xi32, #tpu.memory_space<vmem>>
    %dma_start3A_68 = tpu.memref_squeeze %dma_start3A_67 : memref<1x50xi32, #tpu.memory_space<vmem>> -> memref<50xi32, #tpu.memory_space<vmem>>
    %dma_start3A_69 = arith.constant 0 : i32
    %dma_start3A_70 = arith.constant 0 : i32
    %dma_start3A_71 = tpu.memref_slice %arg3[%dma_start3A_69, %dma_start3A_70] : memref<100000x64xf32, #tpu.memory_space<hbm>> -> memref<100000x64xf32, #tpu.memory_space<hbm>>
    tpu.enqueue_indirect_dma source(%dma_start3A_71 : memref<100000x64xf32, #tpu.memory_space<hbm>>) target(%dma_start3A_65 : memref<50x64xf32, #tpu.memory_space<vmem>>) offsets(%dma_start3A_68 : memref<50xi32, #tpu.memory_space<vmem>>) semaphore(%arg8 : memref<!tpu.dma_semaphore, #tpu.memory_space<semaphore_mem>>)
    %dma_start3A_72 = arith.constant 7 : i32
    %dma_start3A_73 = arith.constant 350 : i32
    %dma_start3A_74 = arith.constant 0 : i32
    %dma_start3A_75 = tpu.memref_slice %arg6[%dma_start3A_73, %dma_start3A_74] : memref<1600x64xf32, #tpu.memory_space<vmem>> -> memref<50x64xf32, #tpu.memory_space<vmem>>
    %dma_start3A_76 = arith.constant 0 : i32
    %dma_start3A_77 = tpu.memref_slice %arg5[%dma_start3A_72, %dma_start3A_76] : memref<32x50xi32, #tpu.memory_space<vmem>> -> memref<1x50xi32, #tpu.memory_space<vmem>>
    %dma_start3A_78 = tpu.memref_squeeze %dma_start3A_77 : memref<1x50xi32, #tpu.memory_space<vmem>> -> memref<50xi32, #tpu.memory_space<vmem>>
    %dma_start3A_79 = arith.constant 0 : i32
    %dma_start3A_80 = arith.constant 0 : i32
    %dma_start3A_81 = tpu.memref_slice %arg3[%dma_start3A_79, %dma_start3A_80] : memref<100000x64xf32, #tpu.memory_space<hbm>> -> memref<100000x64xf32, #tpu.memory_space<hbm>>
    tpu.enqueue_indirect_dma source(%dma_start3A_81 : memref<100000x64xf32, #tpu.memory_space<hbm>>) target(%dma_start3A_75 : memref<50x64xf32, #tpu.memory_space<vmem>>) offsets(%dma_start3A_78 : memref<50xi32, #tpu.memory_space<vmem>>) semaphore(%arg8 : memref<!tpu.dma_semaphore, #tpu.memory_space<semaphore_mem>>)
    %dma_start3A_82 = arith.constant 8 : i32
    %dma_start3A_83 = arith.constant 400 : i32
    %dma_start3A_84 = arith.constant 0 : i32
    %dma_start3A_85 = tpu.memref_slice %arg6[%dma_start3A_83, %dma_start3A_84] : memref<1600x64xf32, #tpu.memory_space<vmem>> -> memref<50x64xf32, #tpu.memory_space<vmem>>
    %dma_start3A_86 = arith.constant 0 : i32
    %dma_start3A_87 = tpu.memref_slice %arg5[%dma_start3A_82, %dma_start3A_86] : memref<32x50xi32, #tpu.memory_space<vmem>> -> memref<1x50xi32, #tpu.memory_space<vmem>>
    %dma_start3A_88 = tpu.memref_squeeze %dma_start3A_87 : memref<1x50xi32, #tpu.memory_space<vmem>> -> memref<50xi32, #tpu.memory_space<vmem>>
    %dma_start3A_89 = arith.constant 0 : i32
    %dma_start3A_90 = arith.constant 0 : i32
    %dma_start3A_91 = tpu.memref_slice %arg3[%dma_start3A_89, %dma_start3A_90] : memref<100000x64xf32, #tpu.memory_space<hbm>> -> memref<100000x64xf32, #tpu.memory_space<hbm>>
    tpu.enqueue_indirect_dma source(%dma_start3A_91 : memref<100000x64xf32, #tpu.memory_space<hbm>>) target(%dma_start3A_85 : memref<50x64xf32, #tpu.memory_space<vmem>>) offsets(%dma_start3A_88 : memref<50xi32, #tpu.memory_space<vmem>>) semaphore(%arg8 : memref<!tpu.dma_semaphore, #tpu.memory_space<semaphore_mem>>)
    %dma_start3A_92 = arith.constant 9 : i32
    %dma_start3A_93 = arith.constant 450 : i32
    %dma_start3A_94 = arith.constant 0 : i32
    %dma_start3A_95 = tpu.memref_slice %arg6[%dma_start3A_93, %dma_start3A_94] : memref<1600x64xf32, #tpu.memory_space<vmem>> -> memref<50x64xf32, #tpu.memory_space<vmem>>
    %dma_start3A_96 = arith.constant 0 : i32
    %dma_start3A_97 = tpu.memref_slice %arg5[%dma_start3A_92, %dma_start3A_96] : memref<32x50xi32, #tpu.memory_space<vmem>> -> memref<1x50xi32, #tpu.memory_space<vmem>>
    %dma_start3A_98 = tpu.memref_squeeze %dma_start3A_97 : memref<1x50xi32, #tpu.memory_space<vmem>> -> memref<50xi32, #tpu.memory_space<vmem>>
    %dma_start3A_99 = arith.constant 0 : i32
    %dma_start3A_100 = arith.constant 0 : i32
    %dma_start3A_101 = tpu.memref_slice %arg3[%dma_start3A_99, %dma_start3A_100] : memref<100000x64xf32, #tpu.memory_space<hbm>> -> memref<100000x64xf32, #tpu.memory_space<hbm>>
    tpu.enqueue_indirect_dma source(%dma_start3A_101 : memref<100000x64xf32, #tpu.memory_space<hbm>>) target(%dma_start3A_95 : memref<50x64xf32, #tpu.memory_space<vmem>>) offsets(%dma_start3A_98 : memref<50xi32, #tpu.memory_space<vmem>>) semaphore(%arg8 : memref<!tpu.dma_semaphore, #tpu.memory_space<semaphore_mem>>)
    %dma_start3A_102 = arith.constant 10 : i32
    %dma_start3A_103 = arith.constant 500 : i32
    %dma_start3A_104 = arith.constant 0 : i32
    %dma_start3A_105 = tpu.memref_slice %arg6[%dma_start3A_103, %dma_start3A_104] : memref<1600x64xf32, #tpu.memory_space<vmem>> -> memref<50x64xf32, #tpu.memory_space<vmem>>
    %dma_start3A_106 = arith.constant 0 : i32
    %dma_start3A_107 = tpu.memref_slice %arg5[%dma_start3A_102, %dma_start3A_106] : memref<32x50xi32, #tpu.memory_space<vmem>> -> memref<1x50xi32, #tpu.memory_space<vmem>>
    %dma_start3A_108 = tpu.memref_squeeze %dma_start3A_107 : memref<1x50xi32, #tpu.memory_space<vmem>> -> memref<50xi32, #tpu.memory_space<vmem>>
    %dma_start3A_109 = arith.constant 0 : i32
    %dma_start3A_110 = arith.constant 0 : i32
    %dma_start3A_111 = tpu.memref_slice %arg3[%dma_start3A_109, %dma_start3A_110] : memref<100000x64xf32, #tpu.memory_space<hbm>> -> memref<100000x64xf32, #tpu.memory_space<hbm>>
    tpu.enqueue_indirect_dma source(%dma_start3A_111 : memref<100000x64xf32, #tpu.memory_space<hbm>>) target(%dma_start3A_105 : memref<50x64xf32, #tpu.memory_space<vmem>>) offsets(%dma_start3A_108 : memref<50xi32, #tpu.memory_space<vmem>>) semaphore(%arg8 : memref<!tpu.dma_semaphore, #tpu.memory_space<semaphore_mem>>)
    %dma_start3A_112 = arith.constant 11 : i32
    %dma_start3A_113 = arith.constant 550 : i32
    %dma_start3A_114 = arith.constant 0 : i32
    %dma_start3A_115 = tpu.memref_slice %arg6[%dma_start3A_113, %dma_start3A_114] : memref<1600x64xf32, #tpu.memory_space<vmem>> -> memref<50x64xf32, #tpu.memory_space<vmem>>
    %dma_start3A_116 = arith.constant 0 : i32
    %dma_start3A_117 = tpu.memref_slice %arg5[%dma_start3A_112, %dma_start3A_116] : memref<32x50xi32, #tpu.memory_space<vmem>> -> memref<1x50xi32, #tpu.memory_space<vmem>>
    %dma_start3A_118 = tpu.memref_squeeze %dma_start3A_117 : memref<1x50xi32, #tpu.memory_space<vmem>> -> memref<50xi32, #tpu.memory_space<vmem>>
    %dma_start3A_119 = arith.constant 0 : i32
    %dma_start3A_120 = arith.constant 0 : i32
    %dma_start3A_121 = tpu.memref_slice %arg3[%dma_start3A_119, %dma_start3A_120] : memref<100000x64xf32, #tpu.memory_space<hbm>> -> memref<100000x64xf32, #tpu.memory_space<hbm>>
    tpu.enqueue_indirect_dma source(%dma_start3A_121 : memref<100000x64xf32, #tpu.memory_space<hbm>>) target(%dma_start3A_115 : memref<50x64xf32, #tpu.memory_space<vmem>>) offsets(%dma_start3A_118 : memref<50xi32, #tpu.memory_space<vmem>>) semaphore(%arg8 : memref<!tpu.dma_semaphore, #tpu.memory_space<semaphore_mem>>)
    %dma_start3A_122 = arith.constant 12 : i32
    %dma_start3A_123 = arith.constant 600 : i32
    %dma_start3A_124 = arith.constant 0 : i32
    %dma_start3A_125 = tpu.memref_slice %arg6[%dma_start3A_123, %dma_start3A_124] : memref<1600x64xf32, #tpu.memory_space<vmem>> -> memref<50x64xf32, #tpu.memory_space<vmem>>
    %dma_start3A_126 = arith.constant 0 : i32
    %dma_start3A_127 = tpu.memref_slice %arg5[%dma_start3A_122, %dma_start3A_126] : memref<32x50xi32, #tpu.memory_space<vmem>> -> memref<1x50xi32, #tpu.memory_space<vmem>>
    %dma_start3A_128 = tpu.memref_squeeze %dma_start3A_127 : memref<1x50xi32, #tpu.memory_space<vmem>> -> memref<50xi32, #tpu.memory_space<vmem>>
    %dma_start3A_129 = arith.constant 0 : i32
    %dma_start3A_130 = arith.constant 0 : i32
    %dma_start3A_131 = tpu.memref_slice %arg3[%dma_start3A_129, %dma_start3A_130] : memref<100000x64xf32, #tpu.memory_space<hbm>> -> memref<100000x64xf32, #tpu.memory_space<hbm>>
    tpu.enqueue_indirect_dma source(%dma_start3A_131 : memref<100000x64xf32, #tpu.memory_space<hbm>>) target(%dma_start3A_125 : memref<50x64xf32, #tpu.memory_space<vmem>>) offsets(%dma_start3A_128 : memref<50xi32, #tpu.memory_space<vmem>>) semaphore(%arg8 : memref<!tpu.dma_semaphore, #tpu.memory_space<semaphore_mem>>)
    %dma_start3A_132 = arith.constant 13 : i32
    %dma_start3A_133 = arith.constant 650 : i32
    %dma_start3A_134 = arith.constant 0 : i32
    %dma_start3A_135 = tpu.memref_slice %arg6[%dma_start3A_133, %dma_start3A_134] : memref<1600x64xf32, #tpu.memory_space<vmem>> -> memref<50x64xf32, #tpu.memory_space<vmem>>
    %dma_start3A_136 = arith.constant 0 : i32
    %dma_start3A_137 = tpu.memref_slice %arg5[%dma_start3A_132, %dma_start3A_136] : memref<32x50xi32, #tpu.memory_space<vmem>> -> memref<1x50xi32, #tpu.memory_space<vmem>>
    %dma_start3A_138 = tpu.memref_squeeze %dma_start3A_137 : memref<1x50xi32, #tpu.memory_space<vmem>> -> memref<50xi32, #tpu.memory_space<vmem>>
    %dma_start3A_139 = arith.constant 0 : i32
    %dma_start3A_140 = arith.constant 0 : i32
    %dma_start3A_141 = tpu.memref_slice %arg3[%dma_start3A_139, %dma_start3A_140] : memref<100000x64xf32, #tpu.memory_space<hbm>> -> memref<100000x64xf32, #tpu.memory_space<hbm>>
    tpu.enqueue_indirect_dma source(%dma_start3A_141 : memref<100000x64xf32, #tpu.memory_space<hbm>>) target(%dma_start3A_135 : memref<50x64xf32, #tpu.memory_space<vmem>>) offsets(%dma_start3A_138 : memref<50xi32, #tpu.memory_space<vmem>>) semaphore(%arg8 : memref<!tpu.dma_semaphore, #tpu.memory_space<semaphore_mem>>)
    %dma_start3A_142 = arith.constant 14 : i32
    %dma_start3A_143 = arith.constant 700 : i32
    %dma_start3A_144 = arith.constant 0 : i32
    %dma_start3A_145 = tpu.memref_slice %arg6[%dma_start3A_143, %dma_start3A_144] : memref<1600x64xf32, #tpu.memory_space<vmem>> -> memref<50x64xf32, #tpu.memory_space<vmem>>
    %dma_start3A_146 = arith.constant 0 : i32
    %dma_start3A_147 = tpu.memref_slice %arg5[%dma_start3A_142, %dma_start3A_146] : memref<32x50xi32, #tpu.memory_space<vmem>> -> memref<1x50xi32, #tpu.memory_space<vmem>>
    %dma_start3A_148 = tpu.memref_squeeze %dma_start3A_147 : memref<1x50xi32, #tpu.memory_space<vmem>> -> memref<50xi32, #tpu.memory_space<vmem>>
    %dma_start3A_149 = arith.constant 0 : i32
    %dma_start3A_150 = arith.constant 0 : i32
    %dma_start3A_151 = tpu.memref_slice %arg3[%dma_start3A_149, %dma_start3A_150] : memref<100000x64xf32, #tpu.memory_space<hbm>> -> memref<100000x64xf32, #tpu.memory_space<hbm>>
    tpu.enqueue_indirect_dma source(%dma_start3A_151 : memref<100000x64xf32, #tpu.memory_space<hbm>>) target(%dma_start3A_145 : memref<50x64xf32, #tpu.memory_space<vmem>>) offsets(%dma_start3A_148 : memref<50xi32, #tpu.memory_space<vmem>>) semaphore(%arg8 : memref<!tpu.dma_semaphore, #tpu.memory_space<semaphore_mem>>)
    %dma_start3A_152 = arith.constant 15 : i32
    %dma_start3A_153 = arith.constant 750 : i32
    %dma_start3A_154 = arith.constant 0 : i32
    %dma_start3A_155 = tpu.memref_slice %arg6[%dma_start3A_153, %dma_start3A_154] : memref<1600x64xf32, #tpu.memory_space<vmem>> -> memref<50x64xf32, #tpu.memory_space<vmem>>
    %dma_start3A_156 = arith.constant 0 : i32
    %dma_start3A_157 = tpu.memref_slice %arg5[%dma_start3A_152, %dma_start3A_156] : memref<32x50xi32, #tpu.memory_space<vmem>> -> memref<1x50xi32, #tpu.memory_space<vmem>>
    %dma_start3A_158 = tpu.memref_squeeze %dma_start3A_157 : memref<1x50xi32, #tpu.memory_space<vmem>> -> memref<50xi32, #tpu.memory_space<vmem>>
    %dma_start3A_159 = arith.constant 0 : i32
    %dma_start3A_160 = arith.constant 0 : i32
    %dma_start3A_161 = tpu.memref_slice %arg3[%dma_start3A_159, %dma_start3A_160] : memref<100000x64xf32, #tpu.memory_space<hbm>> -> memref<100000x64xf32, #tpu.memory_space<hbm>>
    tpu.enqueue_indirect_dma source(%dma_start3A_161 : memref<100000x64xf32, #tpu.memory_space<hbm>>) target(%dma_start3A_155 : memref<50x64xf32, #tpu.memory_space<vmem>>) offsets(%dma_start3A_158 : memref<50xi32, #tpu.memory_space<vmem>>) semaphore(%arg8 : memref<!tpu.dma_semaphore, #tpu.memory_space<semaphore_mem>>)
    %dma_start3A_162 = arith.constant 16 : i32
    %dma_start3A_163 = arith.constant 800 : i32
    %dma_start3A_164 = arith.constant 0 : i32
    %dma_start3A_165 = tpu.memref_slice %arg6[%dma_start3A_163, %dma_start3A_164] : memref<1600x64xf32, #tpu.memory_space<vmem>> -> memref<50x64xf32, #tpu.memory_space<vmem>>
    %dma_start3A_166 = arith.constant 0 : i32
    %dma_start3A_167 = tpu.memref_slice %arg5[%dma_start3A_162, %dma_start3A_166] : memref<32x50xi32, #tpu.memory_space<vmem>> -> memref<1x50xi32, #tpu.memory_space<vmem>>
    %dma_start3A_168 = tpu.memref_squeeze %dma_start3A_167 : memref<1x50xi32, #tpu.memory_space<vmem>> -> memref<50xi32, #tpu.memory_space<vmem>>
    %dma_start3A_169 = arith.constant 0 : i32
    %dma_start3A_170 = arith.constant 0 : i32
    %dma_start3A_171 = tpu.memref_slice %arg3[%dma_start3A_169, %dma_start3A_170] : memref<100000x64xf32, #tpu.memory_space<hbm>> -> memref<100000x64xf32, #tpu.memory_space<hbm>>
    tpu.enqueue_indirect_dma source(%dma_start3A_171 : memref<100000x64xf32, #tpu.memory_space<hbm>>) target(%dma_start3A_165 : memref<50x64xf32, #tpu.memory_space<vmem>>) offsets(%dma_start3A_168 : memref<50xi32, #tpu.memory_space<vmem>>) semaphore(%arg8 : memref<!tpu.dma_semaphore, #tpu.memory_space<semaphore_mem>>)
    %dma_start3A_172 = arith.constant 17 : i32
    %dma_start3A_173 = arith.constant 850 : i32
    %dma_start3A_174 = arith.constant 0 : i32
    %dma_start3A_175 = tpu.memref_slice %arg6[%dma_start3A_173, %dma_start3A_174] : memref<1600x64xf32, #tpu.memory_space<vmem>> -> memref<50x64xf32, #tpu.memory_space<vmem>>
    %dma_start3A_176 = arith.constant 0 : i32
    %dma_start3A_177 = tpu.memref_slice %arg5[%dma_start3A_172, %dma_start3A_176] : memref<32x50xi32, #tpu.memory_space<vmem>> -> memref<1x50xi32, #tpu.memory_space<vmem>>
    %dma_start3A_178 = tpu.memref_squeeze %dma_start3A_177 : memref<1x50xi32, #tpu.memory_space<vmem>> -> memref<50xi32, #tpu.memory_space<vmem>>
    %dma_start3A_179 = arith.constant 0 : i32
    %dma_start3A_180 = arith.constant 0 : i32
    %dma_start3A_181 = tpu.memref_slice %arg3[%dma_start3A_179, %dma_start3A_180] : memref<100000x64xf32, #tpu.memory_space<hbm>> -> memref<100000x64xf32, #tpu.memory_space<hbm>>
    tpu.enqueue_indirect_dma source(%dma_start3A_181 : memref<100000x64xf32, #tpu.memory_space<hbm>>) target(%dma_start3A_175 : memref<50x64xf32, #tpu.memory_space<vmem>>) offsets(%dma_start3A_178 : memref<50xi32, #tpu.memory_space<vmem>>) semaphore(%arg8 : memref<!tpu.dma_semaphore, #tpu.memory_space<semaphore_mem>>)
    %dma_start3A_182 = arith.constant 18 : i32
    %dma_start3A_183 = arith.constant 900 : i32
    %dma_start3A_184 = arith.constant 0 : i32
    %dma_start3A_185 = tpu.memref_slice %arg6[%dma_start3A_183, %dma_start3A_184] : memref<1600x64xf32, #tpu.memory_space<vmem>> -> memref<50x64xf32, #tpu.memory_space<vmem>>
    %dma_start3A_186 = arith.constant 0 : i32
    %dma_start3A_187 = tpu.memref_slice %arg5[%dma_start3A_182, %dma_start3A_186] : memref<32x50xi32, #tpu.memory_space<vmem>> -> memref<1x50xi32, #tpu.memory_space<vmem>>
    %dma_start3A_188 = tpu.memref_squeeze %dma_start3A_187 : memref<1x50xi32, #tpu.memory_space<vmem>> -> memref<50xi32, #tpu.memory_space<vmem>>
    %dma_start3A_189 = arith.constant 0 : i32
    %dma_start3A_190 = arith.constant 0 : i32
    %dma_start3A_191 = tpu.memref_slice %arg3[%dma_start3A_189, %dma_start3A_190] : memref<100000x64xf32, #tpu.memory_space<hbm>> -> memref<100000x64xf32, #tpu.memory_space<hbm>>
    tpu.enqueue_indirect_dma source(%dma_start3A_191 : memref<100000x64xf32, #tpu.memory_space<hbm>>) target(%dma_start3A_185 : memref<50x64xf32, #tpu.memory_space<vmem>>) offsets(%dma_start3A_188 : memref<50xi32, #tpu.memory_space<vmem>>) semaphore(%arg8 : memref<!tpu.dma_semaphore, #tpu.memory_space<semaphore_mem>>)
    %dma_start3A_192 = arith.constant 19 : i32
    %dma_start3A_193 = arith.constant 950 : i32
    %dma_start3A_194 = arith.constant 0 : i32
    %dma_start3A_195 = tpu.memref_slice %arg6[%dma_start3A_193, %dma_start3A_194] : memref<1600x64xf32, #tpu.memory_space<vmem>> -> memref<50x64xf32, #tpu.memory_space<vmem>>
    %dma_start3A_196 = arith.constant 0 : i32
    %dma_start3A_197 = tpu.memref_slice %arg5[%dma_start3A_192, %dma_start3A_196] : memref<32x50xi32, #tpu.memory_space<vmem>> -> memref<1x50xi32, #tpu.memory_space<vmem>>
    %dma_start3A_198 = tpu.memref_squeeze %dma_start3A_197 : memref<1x50xi32, #tpu.memory_space<vmem>> -> memref<50xi32, #tpu.memory_space<vmem>>
    %dma_start3A_199 = arith.constant 0 : i32
    %dma_start3A_200 = arith.constant 0 : i32
    %dma_start3A_201 = tpu.memref_slice %arg3[%dma_start3A_199, %dma_start3A_200] : memref<100000x64xf32, #tpu.memory_space<hbm>> -> memref<100000x64xf32, #tpu.memory_space<hbm>>
    tpu.enqueue_indirect_dma source(%dma_start3A_201 : memref<100000x64xf32, #tpu.memory_space<hbm>>) target(%dma_start3A_195 : memref<50x64xf32, #tpu.memory_space<vmem>>) offsets(%dma_start3A_198 : memref<50xi32, #tpu.memory_space<vmem>>) semaphore(%arg8 : memref<!tpu.dma_semaphore, #tpu.memory_space<semaphore_mem>>)
    %dma_start3A_202 = arith.constant 20 : i32
    %dma_start3A_203 = arith.constant 1000 : i32
    %dma_start3A_204 = arith.constant 0 : i32
    %dma_start3A_205 = tpu.memref_slice %arg6[%dma_start3A_203, %dma_start3A_204] : memref<1600x64xf32, #tpu.memory_space<vmem>> -> memref<50x64xf32, #tpu.memory_space<vmem>>
    %dma_start3A_206 = arith.constant 0 : i32
    %dma_start3A_207 = tpu.memref_slice %arg5[%dma_start3A_202, %dma_start3A_206] : memref<32x50xi32, #tpu.memory_space<vmem>> -> memref<1x50xi32, #tpu.memory_space<vmem>>
    %dma_start3A_208 = tpu.memref_squeeze %dma_start3A_207 : memref<1x50xi32, #tpu.memory_space<vmem>> -> memref<50xi32, #tpu.memory_space<vmem>>
    %dma_start3A_209 = arith.constant 0 : i32
    %dma_start3A_210 = arith.constant 0 : i32
    %dma_start3A_211 = tpu.memref_slice %arg3[%dma_start3A_209, %dma_start3A_210] : memref<100000x64xf32, #tpu.memory_space<hbm>> -> memref<100000x64xf32, #tpu.memory_space<hbm>>
    tpu.enqueue_indirect_dma source(%dma_start3A_211 : memref<100000x64xf32, #tpu.memory_space<hbm>>) target(%dma_start3A_205 : memref<50x64xf32, #tpu.memory_space<vmem>>) offsets(%dma_start3A_208 : memref<50xi32, #tpu.memory_space<vmem>>) semaphore(%arg8 : memref<!tpu.dma_semaphore, #tpu.memory_space<semaphore_mem>>)
    %dma_start3A_212 = arith.constant 21 : i32
    %dma_start3A_213 = arith.constant 1050 : i32
    %dma_start3A_214 = arith.constant 0 : i32
    %dma_start3A_215 = tpu.memref_slice %arg6[%dma_start3A_213, %dma_start3A_214] : memref<1600x64xf32, #tpu.memory_space<vmem>> -> memref<50x64xf32, #tpu.memory_space<vmem>>
    %dma_start3A_216 = arith.constant 0 : i32
    %dma_start3A_217 = tpu.memref_slice %arg5[%dma_start3A_212, %dma_start3A_216] : memref<32x50xi32, #tpu.memory_space<vmem>> -> memref<1x50xi32, #tpu.memory_space<vmem>>
    %dma_start3A_218 = tpu.memref_squeeze %dma_start3A_217 : memref<1x50xi32, #tpu.memory_space<vmem>> -> memref<50xi32, #tpu.memory_space<vmem>>
    %dma_start3A_219 = arith.constant 0 : i32
    %dma_start3A_220 = arith.constant 0 : i32
    %dma_start3A_221 = tpu.memref_slice %arg3[%dma_start3A_219, %dma_start3A_220] : memref<100000x64xf32, #tpu.memory_space<hbm>> -> memref<100000x64xf32, #tpu.memory_space<hbm>>
    tpu.enqueue_indirect_dma source(%dma_start3A_221 : memref<100000x64xf32, #tpu.memory_space<hbm>>) target(%dma_start3A_215 : memref<50x64xf32, #tpu.memory_space<vmem>>) offsets(%dma_start3A_218 : memref<50xi32, #tpu.memory_space<vmem>>) semaphore(%arg8 : memref<!tpu.dma_semaphore, #tpu.memory_space<semaphore_mem>>)
    %dma_start3A_222 = arith.constant 22 : i32
    %dma_start3A_223 = arith.constant 1100 : i32
    %dma_start3A_224 = arith.constant 0 : i32
    %dma_start3A_225 = tpu.memref_slice %arg6[%dma_start3A_223, %dma_start3A_224] : memref<1600x64xf32, #tpu.memory_space<vmem>> -> memref<50x64xf32, #tpu.memory_space<vmem>>
    %dma_start3A_226 = arith.constant 0 : i32
    %dma_start3A_227 = tpu.memref_slice %arg5[%dma_start3A_222, %dma_start3A_226] : memref<32x50xi32, #tpu.memory_space<vmem>> -> memref<1x50xi32, #tpu.memory_space<vmem>>
    %dma_start3A_228 = tpu.memref_squeeze %dma_start3A_227 : memref<1x50xi32, #tpu.memory_space<vmem>> -> memref<50xi32, #tpu.memory_space<vmem>>
    %dma_start3A_229 = arith.constant 0 : i32
    %dma_start3A_230 = arith.constant 0 : i32
    %dma_start3A_231 = tpu.memref_slice %arg3[%dma_start3A_229, %dma_start3A_230] : memref<100000x64xf32, #tpu.memory_space<hbm>> -> memref<100000x64xf32, #tpu.memory_space<hbm>>
    tpu.enqueue_indirect_dma source(%dma_start3A_231 : memref<100000x64xf32, #tpu.memory_space<hbm>>) target(%dma_start3A_225 : memref<50x64xf32, #tpu.memory_space<vmem>>) offsets(%dma_start3A_228 : memref<50xi32, #tpu.memory_space<vmem>>) semaphore(%arg8 : memref<!tpu.dma_semaphore, #tpu.memory_space<semaphore_mem>>)
    %dma_start3A_232 = arith.constant 23 : i32
    %dma_start3A_233 = arith.constant 1150 : i32
    %dma_start3A_234 = arith.constant 0 : i32
    %dma_start3A_235 = tpu.memref_slice %arg6[%dma_start3A_233, %dma_start3A_234] : memref<1600x64xf32, #tpu.memory_space<vmem>> -> memref<50x64xf32, #tpu.memory_space<vmem>>
    %dma_start3A_236 = arith.constant 0 : i32
    %dma_start3A_237 = tpu.memref_slice %arg5[%dma_start3A_232, %dma_start3A_236] : memref<32x50xi32, #tpu.memory_space<vmem>> -> memref<1x50xi32, #tpu.memory_space<vmem>>
    %dma_start3A_238 = tpu.memref_squeeze %dma_start3A_237 : memref<1x50xi32, #tpu.memory_space<vmem>> -> memref<50xi32, #tpu.memory_space<vmem>>
    %dma_start3A_239 = arith.constant 0 : i32
    %dma_start3A_240 = arith.constant 0 : i32
    %dma_start3A_241 = tpu.memref_slice %arg3[%dma_start3A_239, %dma_start3A_240] : memref<100000x64xf32, #tpu.memory_space<hbm>> -> memref<100000x64xf32, #tpu.memory_space<hbm>>
    tpu.enqueue_indirect_dma source(%dma_start3A_241 : memref<100000x64xf32, #tpu.memory_space<hbm>>) target(%dma_start3A_235 : memref<50x64xf32, #tpu.memory_space<vmem>>) offsets(%dma_start3A_238 : memref<50xi32, #tpu.memory_space<vmem>>) semaphore(%arg8 : memref<!tpu.dma_semaphore, #tpu.memory_space<semaphore_mem>>)
    %dma_start3A_242 = arith.constant 24 : i32
    %dma_start3A_243 = arith.constant 1200 : i32
    %dma_start3A_244 = arith.constant 0 : i32
    %dma_start3A_245 = tpu.memref_slice %arg6[%dma_start3A_243, %dma_start3A_244] : memref<1600x64xf32, #tpu.memory_space<vmem>> -> memref<50x64xf32, #tpu.memory_space<vmem>>
    %dma_start3A_246 = arith.constant 0 : i32
    %dma_start3A_247 = tpu.memref_slice %arg5[%dma_start3A_242, %dma_start3A_246] : memref<32x50xi32, #tpu.memory_space<vmem>> -> memref<1x50xi32, #tpu.memory_space<vmem>>
    %dma_start3A_248 = tpu.memref_squeeze %dma_start3A_247 : memref<1x50xi32, #tpu.memory_space<vmem>> -> memref<50xi32, #tpu.memory_space<vmem>>
    %dma_start3A_249 = arith.constant 0 : i32
    %dma_start3A_250 = arith.constant 0 : i32
    %dma_start3A_251 = tpu.memref_slice %arg3[%dma_start3A_249, %dma_start3A_250] : memref<100000x64xf32, #tpu.memory_space<hbm>> -> memref<100000x64xf32, #tpu.memory_space<hbm>>
    tpu.enqueue_indirect_dma source(%dma_start3A_251 : memref<100000x64xf32, #tpu.memory_space<hbm>>) target(%dma_start3A_245 : memref<50x64xf32, #tpu.memory_space<vmem>>) offsets(%dma_start3A_248 : memref<50xi32, #tpu.memory_space<vmem>>) semaphore(%arg8 : memref<!tpu.dma_semaphore, #tpu.memory_space<semaphore_mem>>)
    %dma_start3A_252 = arith.constant 25 : i32
    %dma_start3A_253 = arith.constant 1250 : i32
    %dma_start3A_254 = arith.constant 0 : i32
    %dma_start3A_255 = tpu.memref_slice %arg6[%dma_start3A_253, %dma_start3A_254] : memref<1600x64xf32, #tpu.memory_space<vmem>> -> memref<50x64xf32, #tpu.memory_space<vmem>>
    %dma_start3A_256 = arith.constant 0 : i32
    %dma_start3A_257 = tpu.memref_slice %arg5[%dma_start3A_252, %dma_start3A_256] : memref<32x50xi32, #tpu.memory_space<vmem>> -> memref<1x50xi32, #tpu.memory_space<vmem>>
    %dma_start3A_258 = tpu.memref_squeeze %dma_start3A_257 : memref<1x50xi32, #tpu.memory_space<vmem>> -> memref<50xi32, #tpu.memory_space<vmem>>
    %dma_start3A_259 = arith.constant 0 : i32
    %dma_start3A_260 = arith.constant 0 : i32
    %dma_start3A_261 = tpu.memref_slice %arg3[%dma_start3A_259, %dma_start3A_260] : memref<100000x64xf32, #tpu.memory_space<hbm>> -> memref<100000x64xf32, #tpu.memory_space<hbm>>
    tpu.enqueue_indirect_dma source(%dma_start3A_261 : memref<100000x64xf32, #tpu.memory_space<hbm>>) target(%dma_start3A_255 : memref<50x64xf32, #tpu.memory_space<vmem>>) offsets(%dma_start3A_258 : memref<50xi32, #tpu.memory_space<vmem>>) semaphore(%arg8 : memref<!tpu.dma_semaphore, #tpu.memory_space<semaphore_mem>>)
    %dma_start3A_262 = arith.constant 26 : i32
    %dma_start3A_263 = arith.constant 1300 : i32
    %dma_start3A_264 = arith.constant 0 : i32
    %dma_start3A_265 = tpu.memref_slice %arg6[%dma_start3A_263, %dma_start3A_264] : memref<1600x64xf32, #tpu.memory_space<vmem>> -> memref<50x64xf32, #tpu.memory_space<vmem>>
    %dma_start3A_266 = arith.constant 0 : i32
    %dma_start3A_267 = tpu.memref_slice %arg5[%dma_start3A_262, %dma_start3A_266] : memref<32x50xi32, #tpu.memory_space<vmem>> -> memref<1x50xi32, #tpu.memory_space<vmem>>
    %dma_start3A_268 = tpu.memref_squeeze %dma_start3A_267 : memref<1x50xi32, #tpu.memory_space<vmem>> -> memref<50xi32, #tpu.memory_space<vmem>>
    %dma_start3A_269 = arith.constant 0 : i32
    %dma_start3A_270 = arith.constant 0 : i32
    %dma_start3A_271 = tpu.memref_slice %arg3[%dma_start3A_269, %dma_start3A_270] : memref<100000x64xf32, #tpu.memory_space<hbm>> -> memref<100000x64xf32, #tpu.memory_space<hbm>>
    tpu.enqueue_indirect_dma source(%dma_start3A_271 : memref<100000x64xf32, #tpu.memory_space<hbm>>) target(%dma_start3A_265 : memref<50x64xf32, #tpu.memory_space<vmem>>) offsets(%dma_start3A_268 : memref<50xi32, #tpu.memory_space<vmem>>) semaphore(%arg8 : memref<!tpu.dma_semaphore, #tpu.memory_space<semaphore_mem>>)
    %dma_start3A_272 = arith.constant 27 : i32
    %dma_start3A_273 = arith.constant 1350 : i32
    %dma_start3A_274 = arith.constant 0 : i32
    %dma_start3A_275 = tpu.memref_slice %arg6[%dma_start3A_273, %dma_start3A_274] : memref<1600x64xf32, #tpu.memory_space<vmem>> -> memref<50x64xf32, #tpu.memory_space<vmem>>
    %dma_start3A_276 = arith.constant 0 : i32
    %dma_start3A_277 = tpu.memref_slice %arg5[%dma_start3A_272, %dma_start3A_276] : memref<32x50xi32, #tpu.memory_space<vmem>> -> memref<1x50xi32, #tpu.memory_space<vmem>>
    %dma_start3A_278 = tpu.memref_squeeze %dma_start3A_277 : memref<1x50xi32, #tpu.memory_space<vmem>> -> memref<50xi32, #tpu.memory_space<vmem>>
    %dma_start3A_279 = arith.constant 0 : i32
    %dma_start3A_280 = arith.constant 0 : i32
    %dma_start3A_281 = tpu.memref_slice %arg3[%dma_start3A_279, %dma_start3A_280] : memref<100000x64xf32, #tpu.memory_space<hbm>> -> memref<100000x64xf32, #tpu.memory_space<hbm>>
    tpu.enqueue_indirect_dma source(%dma_start3A_281 : memref<100000x64xf32, #tpu.memory_space<hbm>>) target(%dma_start3A_275 : memref<50x64xf32, #tpu.memory_space<vmem>>) offsets(%dma_start3A_278 : memref<50xi32, #tpu.memory_space<vmem>>) semaphore(%arg8 : memref<!tpu.dma_semaphore, #tpu.memory_space<semaphore_mem>>)
    %dma_start3A_282 = arith.constant 28 : i32
    %dma_start3A_283 = arith.constant 1400 : i32
    %dma_start3A_284 = arith.constant 0 : i32
    %dma_start3A_285 = tpu.memref_slice %arg6[%dma_start3A_283, %dma_start3A_284] : memref<1600x64xf32, #tpu.memory_space<vmem>> -> memref<50x64xf32, #tpu.memory_space<vmem>>
    %dma_start3A_286 = arith.constant 0 : i32
    %dma_start3A_287 = tpu.memref_slice %arg5[%dma_start3A_282, %dma_start3A_286] : memref<32x50xi32, #tpu.memory_space<vmem>> -> memref<1x50xi32, #tpu.memory_space<vmem>>
    %dma_start3A_288 = tpu.memref_squeeze %dma_start3A_287 : memref<1x50xi32, #tpu.memory_space<vmem>> -> memref<50xi32, #tpu.memory_space<vmem>>
    %dma_start3A_289 = arith.constant 0 : i32
    %dma_start3A_290 = arith.constant 0 : i32
    %dma_start3A_291 = tpu.memref_slice %arg3[%dma_start3A_289, %dma_start3A_290] : memref<100000x64xf32, #tpu.memory_space<hbm>> -> memref<100000x64xf32, #tpu.memory_space<hbm>>
    tpu.enqueue_indirect_dma source(%dma_start3A_291 : memref<100000x64xf32, #tpu.memory_space<hbm>>) target(%dma_start3A_285 : memref<50x64xf32, #tpu.memory_space<vmem>>) offsets(%dma_start3A_288 : memref<50xi32, #tpu.memory_space<vmem>>) semaphore(%arg8 : memref<!tpu.dma_semaphore, #tpu.memory_space<semaphore_mem>>)
    %dma_start3A_292 = arith.constant 29 : i32
    %dma_start3A_293 = arith.constant 1450 : i32
    %dma_start3A_294 = arith.constant 0 : i32
    %dma_start3A_295 = tpu.memref_slice %arg6[%dma_start3A_293, %dma_start3A_294] : memref<1600x64xf32, #tpu.memory_space<vmem>> -> memref<50x64xf32, #tpu.memory_space<vmem>>
    %dma_start3A_296 = arith.constant 0 : i32
    %dma_start3A_297 = tpu.memref_slice %arg5[%dma_start3A_292, %dma_start3A_296] : memref<32x50xi32, #tpu.memory_space<vmem>> -> memref<1x50xi32, #tpu.memory_space<vmem>>
    %dma_start3A_298 = tpu.memref_squeeze %dma_start3A_297 : memref<1x50xi32, #tpu.memory_space<vmem>> -> memref<50xi32, #tpu.memory_space<vmem>>
    %dma_start3A_299 = arith.constant 0 : i32
    %dma_start3A_300 = arith.constant 0 : i32
    %dma_start3A_301 = tpu.memref_slice %arg3[%dma_start3A_299, %dma_start3A_300] : memref<100000x64xf32, #tpu.memory_space<hbm>> -> memref<100000x64xf32, #tpu.memory_space<hbm>>
    tpu.enqueue_indirect_dma source(%dma_start3A_301 : memref<100000x64xf32, #tpu.memory_space<hbm>>) target(%dma_start3A_295 : memref<50x64xf32, #tpu.memory_space<vmem>>) offsets(%dma_start3A_298 : memref<50xi32, #tpu.memory_space<vmem>>) semaphore(%arg8 : memref<!tpu.dma_semaphore, #tpu.memory_space<semaphore_mem>>)
    %dma_start3A_302 = arith.constant 30 : i32
    %dma_start3A_303 = arith.constant 1500 : i32
    %dma_start3A_304 = arith.constant 0 : i32
    %dma_start3A_305 = tpu.memref_slice %arg6[%dma_start3A_303, %dma_start3A_304] : memref<1600x64xf32, #tpu.memory_space<vmem>> -> memref<50x64xf32, #tpu.memory_space<vmem>>
    %dma_start3A_306 = arith.constant 0 : i32
    %dma_start3A_307 = tpu.memref_slice %arg5[%dma_start3A_302, %dma_start3A_306] : memref<32x50xi32, #tpu.memory_space<vmem>> -> memref<1x50xi32, #tpu.memory_space<vmem>>
    %dma_start3A_308 = tpu.memref_squeeze %dma_start3A_307 : memref<1x50xi32, #tpu.memory_space<vmem>> -> memref<50xi32, #tpu.memory_space<vmem>>
    %dma_start3A_309 = arith.constant 0 : i32
    %dma_start3A_310 = arith.constant 0 : i32
    %dma_start3A_311 = tpu.memref_slice %arg3[%dma_start3A_309, %dma_start3A_310] : memref<100000x64xf32, #tpu.memory_space<hbm>> -> memref<100000x64xf32, #tpu.memory_space<hbm>>
    tpu.enqueue_indirect_dma source(%dma_start3A_311 : memref<100000x64xf32, #tpu.memory_space<hbm>>) target(%dma_start3A_305 : memref<50x64xf32, #tpu.memory_space<vmem>>) offsets(%dma_start3A_308 : memref<50xi32, #tpu.memory_space<vmem>>) semaphore(%arg8 : memref<!tpu.dma_semaphore, #tpu.memory_space<semaphore_mem>>)
    %dma_start3A_312 = arith.constant 31 : i32
    %dma_start3A_313 = arith.constant 1550 : i32
    %dma_start3A_314 = arith.constant 0 : i32
    %dma_start3A_315 = tpu.memref_slice %arg6[%dma_start3A_313, %dma_start3A_314] : memref<1600x64xf32, #tpu.memory_space<vmem>> -> memref<50x64xf32, #tpu.memory_space<vmem>>
    %dma_start3A_316 = arith.constant 0 : i32
    %dma_start3A_317 = tpu.memref_slice %arg5[%dma_start3A_312, %dma_start3A_316] : memref<32x50xi32, #tpu.memory_space<vmem>> -> memref<1x50xi32, #tpu.memory_space<vmem>>
    %dma_start3A_318 = tpu.memref_squeeze %dma_start3A_317 : memref<1x50xi32, #tpu.memory_space<vmem>> -> memref<50xi32, #tpu.memory_space<vmem>>
    %dma_start3A_319 = arith.constant 0 : i32
    %dma_start3A_320 = arith.constant 0 : i32
    %dma_start3A_321 = tpu.memref_slice %arg3[%dma_start3A_319, %dma_start3A_320] : memref<100000x64xf32, #tpu.memory_space<hbm>> -> memref<100000x64xf32, #tpu.memory_space<hbm>>
    tpu.enqueue_indirect_dma source(%dma_start3A_321 : memref<100000x64xf32, #tpu.memory_space<hbm>>) target(%dma_start3A_315 : memref<50x64xf32, #tpu.memory_space<vmem>>) offsets(%dma_start3A_318 : memref<50xi32, #tpu.memory_space<vmem>>) semaphore(%arg8 : memref<!tpu.dma_semaphore, #tpu.memory_space<semaphore_mem>>)
    %dma_wait3A = arith.constant 0 : i32
    %dma_wait3A_322 = arith.constant 0 : i32
    %dma_wait3A_323 = arith.constant 0 : i32
    %dma_wait3A_324 = tpu.memref_slice %arg6[%dma_wait3A_322, %dma_wait3A_323] : memref<1600x64xf32, #tpu.memory_space<vmem>> -> memref<50x64xf32, #tpu.memory_space<vmem>>
    %dma_wait3A_325 = arith.constant 0 : i32
    %dma_wait3A_326 = tpu.memref_slice %arg5[%dma_wait3A, %dma_wait3A_325] : memref<32x50xi32, #tpu.memory_space<vmem>> -> memref<1x50xi32, #tpu.memory_space<vmem>>
    %dma_wait3A_327 = tpu.memref_squeeze %dma_wait3A_326 : memref<1x50xi32, #tpu.memory_space<vmem>> -> memref<50xi32, #tpu.memory_space<vmem>>
    %dma_wait3A_328 = arith.constant 0 : i32
    %dma_wait3A_329 = arith.constant 0 : i32
    %dma_wait3A_330 = tpu.memref_slice %arg3[%dma_wait3A_328, %dma_wait3A_329] : memref<100000x64xf32, #tpu.memory_space<hbm>> -> memref<100000x64xf32, #tpu.memory_space<hbm>>
    tpu.wait_indirect_dma semaphore(%arg8 : memref<!tpu.dma_semaphore, #tpu.memory_space<semaphore_mem>>) src(%dma_wait3A_330 : memref<100000x64xf32, #tpu.memory_space<hbm>>) dst(%dma_wait3A_324 : memref<50x64xf32, #tpu.memory_space<vmem>>)
    %dma_wait3A_331 = arith.constant 1 : i32
    %dma_wait3A_332 = arith.constant 50 : i32
    %dma_wait3A_333 = arith.constant 0 : i32
    %dma_wait3A_334 = tpu.memref_slice %arg6[%dma_wait3A_332, %dma_wait3A_333] : memref<1600x64xf32, #tpu.memory_space<vmem>> -> memref<50x64xf32, #tpu.memory_space<vmem>>
    %dma_wait3A_335 = arith.constant 0 : i32
    %dma_wait3A_336 = tpu.memref_slice %arg5[%dma_wait3A_331, %dma_wait3A_335] : memref<32x50xi32, #tpu.memory_space<vmem>> -> memref<1x50xi32, #tpu.memory_space<vmem>>
    %dma_wait3A_337 = tpu.memref_squeeze %dma_wait3A_336 : memref<1x50xi32, #tpu.memory_space<vmem>> -> memref<50xi32, #tpu.memory_space<vmem>>
    %dma_wait3A_338 = arith.constant 0 : i32
    %dma_wait3A_339 = arith.constant 0 : i32
    %dma_wait3A_340 = tpu.memref_slice %arg3[%dma_wait3A_338, %dma_wait3A_339] : memref<100000x64xf32, #tpu.memory_space<hbm>> -> memref<100000x64xf32, #tpu.memory_space<hbm>>
    tpu.wait_indirect_dma semaphore(%arg8 : memref<!tpu.dma_semaphore, #tpu.memory_space<semaphore_mem>>) src(%dma_wait3A_340 : memref<100000x64xf32, #tpu.memory_space<hbm>>) dst(%dma_wait3A_334 : memref<50x64xf32, #tpu.memory_space<vmem>>)
    %dma_wait3A_341 = arith.constant 2 : i32
    %dma_wait3A_342 = arith.constant 100 : i32
    %dma_wait3A_343 = arith.constant 0 : i32
    %dma_wait3A_344 = tpu.memref_slice %arg6[%dma_wait3A_342, %dma_wait3A_343] : memref<1600x64xf32, #tpu.memory_space<vmem>> -> memref<50x64xf32, #tpu.memory_space<vmem>>
    %dma_wait3A_345 = arith.constant 0 : i32
    %dma_wait3A_346 = tpu.memref_slice %arg5[%dma_wait3A_341, %dma_wait3A_345] : memref<32x50xi32, #tpu.memory_space<vmem>> -> memref<1x50xi32, #tpu.memory_space<vmem>>
    %dma_wait3A_347 = tpu.memref_squeeze %dma_wait3A_346 : memref<1x50xi32, #tpu.memory_space<vmem>> -> memref<50xi32, #tpu.memory_space<vmem>>
    %dma_wait3A_348 = arith.constant 0 : i32
    %dma_wait3A_349 = arith.constant 0 : i32
    %dma_wait3A_350 = tpu.memref_slice %arg3[%dma_wait3A_348, %dma_wait3A_349] : memref<100000x64xf32, #tpu.memory_space<hbm>> -> memref<100000x64xf32, #tpu.memory_space<hbm>>
    tpu.wait_indirect_dma semaphore(%arg8 : memref<!tpu.dma_semaphore, #tpu.memory_space<semaphore_mem>>) src(%dma_wait3A_350 : memref<100000x64xf32, #tpu.memory_space<hbm>>) dst(%dma_wait3A_344 : memref<50x64xf32, #tpu.memory_space<vmem>>)
    %dma_wait3A_351 = arith.constant 3 : i32
    %dma_wait3A_352 = arith.constant 150 : i32
    %dma_wait3A_353 = arith.constant 0 : i32
    %dma_wait3A_354 = tpu.memref_slice %arg6[%dma_wait3A_352, %dma_wait3A_353] : memref<1600x64xf32, #tpu.memory_space<vmem>> -> memref<50x64xf32, #tpu.memory_space<vmem>>
    %dma_wait3A_355 = arith.constant 0 : i32
    %dma_wait3A_356 = tpu.memref_slice %arg5[%dma_wait3A_351, %dma_wait3A_355] : memref<32x50xi32, #tpu.memory_space<vmem>> -> memref<1x50xi32, #tpu.memory_space<vmem>>
    %dma_wait3A_357 = tpu.memref_squeeze %dma_wait3A_356 : memref<1x50xi32, #tpu.memory_space<vmem>> -> memref<50xi32, #tpu.memory_space<vmem>>
    %dma_wait3A_358 = arith.constant 0 : i32
    %dma_wait3A_359 = arith.constant 0 : i32
    %dma_wait3A_360 = tpu.memref_slice %arg3[%dma_wait3A_358, %dma_wait3A_359] : memref<100000x64xf32, #tpu.memory_space<hbm>> -> memref<100000x64xf32, #tpu.memory_space<hbm>>
    tpu.wait_indirect_dma semaphore(%arg8 : memref<!tpu.dma_semaphore, #tpu.memory_space<semaphore_mem>>) src(%dma_wait3A_360 : memref<100000x64xf32, #tpu.memory_space<hbm>>) dst(%dma_wait3A_354 : memref<50x64xf32, #tpu.memory_space<vmem>>)
    %dma_wait3A_361 = arith.constant 4 : i32
    %dma_wait3A_362 = arith.constant 200 : i32
    %dma_wait3A_363 = arith.constant 0 : i32
    %dma_wait3A_364 = tpu.memref_slice %arg6[%dma_wait3A_362, %dma_wait3A_363] : memref<1600x64xf32, #tpu.memory_space<vmem>> -> memref<50x64xf32, #tpu.memory_space<vmem>>
    %dma_wait3A_365 = arith.constant 0 : i32
    %dma_wait3A_366 = tpu.memref_slice %arg5[%dma_wait3A_361, %dma_wait3A_365] : memref<32x50xi32, #tpu.memory_space<vmem>> -> memref<1x50xi32, #tpu.memory_space<vmem>>
    %dma_wait3A_367 = tpu.memref_squeeze %dma_wait3A_366 : memref<1x50xi32, #tpu.memory_space<vmem>> -> memref<50xi32, #tpu.memory_space<vmem>>
    %dma_wait3A_368 = arith.constant 0 : i32
    %dma_wait3A_369 = arith.constant 0 : i32
    %dma_wait3A_370 = tpu.memref_slice %arg3[%dma_wait3A_368, %dma_wait3A_369] : memref<100000x64xf32, #tpu.memory_space<hbm>> -> memref<100000x64xf32, #tpu.memory_space<hbm>>
    tpu.wait_indirect_dma semaphore(%arg8 : memref<!tpu.dma_semaphore, #tpu.memory_space<semaphore_mem>>) src(%dma_wait3A_370 : memref<100000x64xf32, #tpu.memory_space<hbm>>) dst(%dma_wait3A_364 : memref<50x64xf32, #tpu.memory_space<vmem>>)
    %dma_wait3A_371 = arith.constant 5 : i32
    %dma_wait3A_372 = arith.constant 250 : i32
    %dma_wait3A_373 = arith.constant 0 : i32
    %dma_wait3A_374 = tpu.memref_slice %arg6[%dma_wait3A_372, %dma_wait3A_373] : memref<1600x64xf32, #tpu.memory_space<vmem>> -> memref<50x64xf32, #tpu.memory_space<vmem>>
    %dma_wait3A_375 = arith.constant 0 : i32
    %dma_wait3A_376 = tpu.memref_slice %arg5[%dma_wait3A_371, %dma_wait3A_375] : memref<32x50xi32, #tpu.memory_space<vmem>> -> memref<1x50xi32, #tpu.memory_space<vmem>>
    %dma_wait3A_377 = tpu.memref_squeeze %dma_wait3A_376 : memref<1x50xi32, #tpu.memory_space<vmem>> -> memref<50xi32, #tpu.memory_space<vmem>>
    %dma_wait3A_378 = arith.constant 0 : i32
    %dma_wait3A_379 = arith.constant 0 : i32
    %dma_wait3A_380 = tpu.memref_slice %arg3[%dma_wait3A_378, %dma_wait3A_379] : memref<100000x64xf32, #tpu.memory_space<hbm>> -> memref<100000x64xf32, #tpu.memory_space<hbm>>
    tpu.wait_indirect_dma semaphore(%arg8 : memref<!tpu.dma_semaphore, #tpu.memory_space<semaphore_mem>>) src(%dma_wait3A_380 : memref<100000x64xf32, #tpu.memory_space<hbm>>) dst(%dma_wait3A_374 : memref<50x64xf32, #tpu.memory_space<vmem>>)
    %dma_wait3A_381 = arith.constant 6 : i32
    %dma_wait3A_382 = arith.constant 300 : i32
    %dma_wait3A_383 = arith.constant 0 : i32
    %dma_wait3A_384 = tpu.memref_slice %arg6[%dma_wait3A_382, %dma_wait3A_383] : memref<1600x64xf32, #tpu.memory_space<vmem>> -> memref<50x64xf32, #tpu.memory_space<vmem>>
    %dma_wait3A_385 = arith.constant 0 : i32
    %dma_wait3A_386 = tpu.memref_slice %arg5[%dma_wait3A_381, %dma_wait3A_385] : memref<32x50xi32, #tpu.memory_space<vmem>> -> memref<1x50xi32, #tpu.memory_space<vmem>>
    %dma_wait3A_387 = tpu.memref_squeeze %dma_wait3A_386 : memref<1x50xi32, #tpu.memory_space<vmem>> -> memref<50xi32, #tpu.memory_space<vmem>>
    %dma_wait3A_388 = arith.constant 0 : i32
    %dma_wait3A_389 = arith.constant 0 : i32
    %dma_wait3A_390 = tpu.memref_slice %arg3[%dma_wait3A_388, %dma_wait3A_389] : memref<100000x64xf32, #tpu.memory_space<hbm>> -> memref<100000x64xf32, #tpu.memory_space<hbm>>
    tpu.wait_indirect_dma semaphore(%arg8 : memref<!tpu.dma_semaphore, #tpu.memory_space<semaphore_mem>>) src(%dma_wait3A_390 : memref<100000x64xf32, #tpu.memory_space<hbm>>) dst(%dma_wait3A_384 : memref<50x64xf32, #tpu.memory_space<vmem>>)
    %dma_wait3A_391 = arith.constant 7 : i32
    %dma_wait3A_392 = arith.constant 350 : i32
    %dma_wait3A_393 = arith.constant 0 : i32
    %dma_wait3A_394 = tpu.memref_slice %arg6[%dma_wait3A_392, %dma_wait3A_393] : memref<1600x64xf32, #tpu.memory_space<vmem>> -> memref<50x64xf32, #tpu.memory_space<vmem>>
    %dma_wait3A_395 = arith.constant 0 : i32
    %dma_wait3A_396 = tpu.memref_slice %arg5[%dma_wait3A_391, %dma_wait3A_395] : memref<32x50xi32, #tpu.memory_space<vmem>> -> memref<1x50xi32, #tpu.memory_space<vmem>>
    %dma_wait3A_397 = tpu.memref_squeeze %dma_wait3A_396 : memref<1x50xi32, #tpu.memory_space<vmem>> -> memref<50xi32, #tpu.memory_space<vmem>>
    %dma_wait3A_398 = arith.constant 0 : i32
    %dma_wait3A_399 = arith.constant 0 : i32
    %dma_wait3A_400 = tpu.memref_slice %arg3[%dma_wait3A_398, %dma_wait3A_399] : memref<100000x64xf32, #tpu.memory_space<hbm>> -> memref<100000x64xf32, #tpu.memory_space<hbm>>
    tpu.wait_indirect_dma semaphore(%arg8 : memref<!tpu.dma_semaphore, #tpu.memory_space<semaphore_mem>>) src(%dma_wait3A_400 : memref<100000x64xf32, #tpu.memory_space<hbm>>) dst(%dma_wait3A_394 : memref<50x64xf32, #tpu.memory_space<vmem>>)
    %dma_wait3A_401 = arith.constant 8 : i32
    %dma_wait3A_402 = arith.constant 400 : i32
    %dma_wait3A_403 = arith.constant 0 : i32
    %dma_wait3A_404 = tpu.memref_slice %arg6[%dma_wait3A_402, %dma_wait3A_403] : memref<1600x64xf32, #tpu.memory_space<vmem>> -> memref<50x64xf32, #tpu.memory_space<vmem>>
    %dma_wait3A_405 = arith.constant 0 : i32
    %dma_wait3A_406 = tpu.memref_slice %arg5[%dma_wait3A_401, %dma_wait3A_405] : memref<32x50xi32, #tpu.memory_space<vmem>> -> memref<1x50xi32, #tpu.memory_space<vmem>>
    %dma_wait3A_407 = tpu.memref_squeeze %dma_wait3A_406 : memref<1x50xi32, #tpu.memory_space<vmem>> -> memref<50xi32, #tpu.memory_space<vmem>>
    %dma_wait3A_408 = arith.constant 0 : i32
    %dma_wait3A_409 = arith.constant 0 : i32
    %dma_wait3A_410 = tpu.memref_slice %arg3[%dma_wait3A_408, %dma_wait3A_409] : memref<100000x64xf32, #tpu.memory_space<hbm>> -> memref<100000x64xf32, #tpu.memory_space<hbm>>
    tpu.wait_indirect_dma semaphore(%arg8 : memref<!tpu.dma_semaphore, #tpu.memory_space<semaphore_mem>>) src(%dma_wait3A_410 : memref<100000x64xf32, #tpu.memory_space<hbm>>) dst(%dma_wait3A_404 : memref<50x64xf32, #tpu.memory_space<vmem>>)
    %dma_wait3A_411 = arith.constant 9 : i32
    %dma_wait3A_412 = arith.constant 450 : i32
    %dma_wait3A_413 = arith.constant 0 : i32
    %dma_wait3A_414 = tpu.memref_slice %arg6[%dma_wait3A_412, %dma_wait3A_413] : memref<1600x64xf32, #tpu.memory_space<vmem>> -> memref<50x64xf32, #tpu.memory_space<vmem>>
    %dma_wait3A_415 = arith.constant 0 : i32
    %dma_wait3A_416 = tpu.memref_slice %arg5[%dma_wait3A_411, %dma_wait3A_415] : memref<32x50xi32, #tpu.memory_space<vmem>> -> memref<1x50xi32, #tpu.memory_space<vmem>>
    %dma_wait3A_417 = tpu.memref_squeeze %dma_wait3A_416 : memref<1x50xi32, #tpu.memory_space<vmem>> -> memref<50xi32, #tpu.memory_space<vmem>>
    %dma_wait3A_418 = arith.constant 0 : i32
    %dma_wait3A_419 = arith.constant 0 : i32
    %dma_wait3A_420 = tpu.memref_slice %arg3[%dma_wait3A_418, %dma_wait3A_419] : memref<100000x64xf32, #tpu.memory_space<hbm>> -> memref<100000x64xf32, #tpu.memory_space<hbm>>
    tpu.wait_indirect_dma semaphore(%arg8 : memref<!tpu.dma_semaphore, #tpu.memory_space<semaphore_mem>>) src(%dma_wait3A_420 : memref<100000x64xf32, #tpu.memory_space<hbm>>) dst(%dma_wait3A_414 : memref<50x64xf32, #tpu.memory_space<vmem>>)
    %dma_wait3A_421 = arith.constant 10 : i32
    %dma_wait3A_422 = arith.constant 500 : i32
    %dma_wait3A_423 = arith.constant 0 : i32
    %dma_wait3A_424 = tpu.memref_slice %arg6[%dma_wait3A_422, %dma_wait3A_423] : memref<1600x64xf32, #tpu.memory_space<vmem>> -> memref<50x64xf32, #tpu.memory_space<vmem>>
    %dma_wait3A_425 = arith.constant 0 : i32
    %dma_wait3A_426 = tpu.memref_slice %arg5[%dma_wait3A_421, %dma_wait3A_425] : memref<32x50xi32, #tpu.memory_space<vmem>> -> memref<1x50xi32, #tpu.memory_space<vmem>>
    %dma_wait3A_427 = tpu.memref_squeeze %dma_wait3A_426 : memref<1x50xi32, #tpu.memory_space<vmem>> -> memref<50xi32, #tpu.memory_space<vmem>>
    %dma_wait3A_428 = arith.constant 0 : i32
    %dma_wait3A_429 = arith.constant 0 : i32
    %dma_wait3A_430 = tpu.memref_slice %arg3[%dma_wait3A_428, %dma_wait3A_429] : memref<100000x64xf32, #tpu.memory_space<hbm>> -> memref<100000x64xf32, #tpu.memory_space<hbm>>
    tpu.wait_indirect_dma semaphore(%arg8 : memref<!tpu.dma_semaphore, #tpu.memory_space<semaphore_mem>>) src(%dma_wait3A_430 : memref<100000x64xf32, #tpu.memory_space<hbm>>) dst(%dma_wait3A_424 : memref<50x64xf32, #tpu.memory_space<vmem>>)
    %dma_wait3A_431 = arith.constant 11 : i32
    %dma_wait3A_432 = arith.constant 550 : i32
    %dma_wait3A_433 = arith.constant 0 : i32
    %dma_wait3A_434 = tpu.memref_slice %arg6[%dma_wait3A_432, %dma_wait3A_433] : memref<1600x64xf32, #tpu.memory_space<vmem>> -> memref<50x64xf32, #tpu.memory_space<vmem>>
    %dma_wait3A_435 = arith.constant 0 : i32
    %dma_wait3A_436 = tpu.memref_slice %arg5[%dma_wait3A_431, %dma_wait3A_435] : memref<32x50xi32, #tpu.memory_space<vmem>> -> memref<1x50xi32, #tpu.memory_space<vmem>>
    %dma_wait3A_437 = tpu.memref_squeeze %dma_wait3A_436 : memref<1x50xi32, #tpu.memory_space<vmem>> -> memref<50xi32, #tpu.memory_space<vmem>>
    %dma_wait3A_438 = arith.constant 0 : i32
    %dma_wait3A_439 = arith.constant 0 : i32
    %dma_wait3A_440 = tpu.memref_slice %arg3[%dma_wait3A_438, %dma_wait3A_439] : memref<100000x64xf32, #tpu.memory_space<hbm>> -> memref<100000x64xf32, #tpu.memory_space<hbm>>
    tpu.wait_indirect_dma semaphore(%arg8 : memref<!tpu.dma_semaphore, #tpu.memory_space<semaphore_mem>>) src(%dma_wait3A_440 : memref<100000x64xf32, #tpu.memory_space<hbm>>) dst(%dma_wait3A_434 : memref<50x64xf32, #tpu.memory_space<vmem>>)
    %dma_wait3A_441 = arith.constant 12 : i32
    %dma_wait3A_442 = arith.constant 600 : i32
    %dma_wait3A_443 = arith.constant 0 : i32
    %dma_wait3A_444 = tpu.memref_slice %arg6[%dma_wait3A_442, %dma_wait3A_443] : memref<1600x64xf32, #tpu.memory_space<vmem>> -> memref<50x64xf32, #tpu.memory_space<vmem>>
    %dma_wait3A_445 = arith.constant 0 : i32
    %dma_wait3A_446 = tpu.memref_slice %arg5[%dma_wait3A_441, %dma_wait3A_445] : memref<32x50xi32, #tpu.memory_space<vmem>> -> memref<1x50xi32, #tpu.memory_space<vmem>>
    %dma_wait3A_447 = tpu.memref_squeeze %dma_wait3A_446 : memref<1x50xi32, #tpu.memory_space<vmem>> -> memref<50xi32, #tpu.memory_space<vmem>>
    %dma_wait3A_448 = arith.constant 0 : i32
    %dma_wait3A_449 = arith.constant 0 : i32
    %dma_wait3A_450 = tpu.memref_slice %arg3[%dma_wait3A_448, %dma_wait3A_449] : memref<100000x64xf32, #tpu.memory_space<hbm>> -> memref<100000x64xf32, #tpu.memory_space<hbm>>
    tpu.wait_indirect_dma semaphore(%arg8 : memref<!tpu.dma_semaphore, #tpu.memory_space<semaphore_mem>>) src(%dma_wait3A_450 : memref<100000x64xf32, #tpu.memory_space<hbm>>) dst(%dma_wait3A_444 : memref<50x64xf32, #tpu.memory_space<vmem>>)
    %dma_wait3A_451 = arith.constant 13 : i32
    %dma_wait3A_452 = arith.constant 650 : i32
    %dma_wait3A_453 = arith.constant 0 : i32
    %dma_wait3A_454 = tpu.memref_slice %arg6[%dma_wait3A_452, %dma_wait3A_453] : memref<1600x64xf32, #tpu.memory_space<vmem>> -> memref<50x64xf32, #tpu.memory_space<vmem>>
    %dma_wait3A_455 = arith.constant 0 : i32
    %dma_wait3A_456 = tpu.memref_slice %arg5[%dma_wait3A_451, %dma_wait3A_455] : memref<32x50xi32, #tpu.memory_space<vmem>> -> memref<1x50xi32, #tpu.memory_space<vmem>>
    %dma_wait3A_457 = tpu.memref_squeeze %dma_wait3A_456 : memref<1x50xi32, #tpu.memory_space<vmem>> -> memref<50xi32, #tpu.memory_space<vmem>>
    %dma_wait3A_458 = arith.constant 0 : i32
    %dma_wait3A_459 = arith.constant 0 : i32
    %dma_wait3A_460 = tpu.memref_slice %arg3[%dma_wait3A_458, %dma_wait3A_459] : memref<100000x64xf32, #tpu.memory_space<hbm>> -> memref<100000x64xf32, #tpu.memory_space<hbm>>
    tpu.wait_indirect_dma semaphore(%arg8 : memref<!tpu.dma_semaphore, #tpu.memory_space<semaphore_mem>>) src(%dma_wait3A_460 : memref<100000x64xf32, #tpu.memory_space<hbm>>) dst(%dma_wait3A_454 : memref<50x64xf32, #tpu.memory_space<vmem>>)
    %dma_wait3A_461 = arith.constant 14 : i32
    %dma_wait3A_462 = arith.constant 700 : i32
    %dma_wait3A_463 = arith.constant 0 : i32
    %dma_wait3A_464 = tpu.memref_slice %arg6[%dma_wait3A_462, %dma_wait3A_463] : memref<1600x64xf32, #tpu.memory_space<vmem>> -> memref<50x64xf32, #tpu.memory_space<vmem>>
    %dma_wait3A_465 = arith.constant 0 : i32
    %dma_wait3A_466 = tpu.memref_slice %arg5[%dma_wait3A_461, %dma_wait3A_465] : memref<32x50xi32, #tpu.memory_space<vmem>> -> memref<1x50xi32, #tpu.memory_space<vmem>>
    %dma_wait3A_467 = tpu.memref_squeeze %dma_wait3A_466 : memref<1x50xi32, #tpu.memory_space<vmem>> -> memref<50xi32, #tpu.memory_space<vmem>>
    %dma_wait3A_468 = arith.constant 0 : i32
    %dma_wait3A_469 = arith.constant 0 : i32
    %dma_wait3A_470 = tpu.memref_slice %arg3[%dma_wait3A_468, %dma_wait3A_469] : memref<100000x64xf32, #tpu.memory_space<hbm>> -> memref<100000x64xf32, #tpu.memory_space<hbm>>
    tpu.wait_indirect_dma semaphore(%arg8 : memref<!tpu.dma_semaphore, #tpu.memory_space<semaphore_mem>>) src(%dma_wait3A_470 : memref<100000x64xf32, #tpu.memory_space<hbm>>) dst(%dma_wait3A_464 : memref<50x64xf32, #tpu.memory_space<vmem>>)
    %dma_wait3A_471 = arith.constant 15 : i32
    %dma_wait3A_472 = arith.constant 750 : i32
    %dma_wait3A_473 = arith.constant 0 : i32
    %dma_wait3A_474 = tpu.memref_slice %arg6[%dma_wait3A_472, %dma_wait3A_473] : memref<1600x64xf32, #tpu.memory_space<vmem>> -> memref<50x64xf32, #tpu.memory_space<vmem>>
    %dma_wait3A_475 = arith.constant 0 : i32
    %dma_wait3A_476 = tpu.memref_slice %arg5[%dma_wait3A_471, %dma_wait3A_475] : memref<32x50xi32, #tpu.memory_space<vmem>> -> memref<1x50xi32, #tpu.memory_space<vmem>>
    %dma_wait3A_477 = tpu.memref_squeeze %dma_wait3A_476 : memref<1x50xi32, #tpu.memory_space<vmem>> -> memref<50xi32, #tpu.memory_space<vmem>>
    %dma_wait3A_478 = arith.constant 0 : i32
    %dma_wait3A_479 = arith.constant 0 : i32
    %dma_wait3A_480 = tpu.memref_slice %arg3[%dma_wait3A_478, %dma_wait3A_479] : memref<100000x64xf32, #tpu.memory_space<hbm>> -> memref<100000x64xf32, #tpu.memory_space<hbm>>
    tpu.wait_indirect_dma semaphore(%arg8 : memref<!tpu.dma_semaphore, #tpu.memory_space<semaphore_mem>>) src(%dma_wait3A_480 : memref<100000x64xf32, #tpu.memory_space<hbm>>) dst(%dma_wait3A_474 : memref<50x64xf32, #tpu.memory_space<vmem>>)
    %dma_wait3A_481 = arith.constant 16 : i32
    %dma_wait3A_482 = arith.constant 800 : i32
    %dma_wait3A_483 = arith.constant 0 : i32
    %dma_wait3A_484 = tpu.memref_slice %arg6[%dma_wait3A_482, %dma_wait3A_483] : memref<1600x64xf32, #tpu.memory_space<vmem>> -> memref<50x64xf32, #tpu.memory_space<vmem>>
    %dma_wait3A_485 = arith.constant 0 : i32
    %dma_wait3A_486 = tpu.memref_slice %arg5[%dma_wait3A_481, %dma_wait3A_485] : memref<32x50xi32, #tpu.memory_space<vmem>> -> memref<1x50xi32, #tpu.memory_space<vmem>>
    %dma_wait3A_487 = tpu.memref_squeeze %dma_wait3A_486 : memref<1x50xi32, #tpu.memory_space<vmem>> -> memref<50xi32, #tpu.memory_space<vmem>>
    %dma_wait3A_488 = arith.constant 0 : i32
    %dma_wait3A_489 = arith.constant 0 : i32
    %dma_wait3A_490 = tpu.memref_slice %arg3[%dma_wait3A_488, %dma_wait3A_489] : memref<100000x64xf32, #tpu.memory_space<hbm>> -> memref<100000x64xf32, #tpu.memory_space<hbm>>
    tpu.wait_indirect_dma semaphore(%arg8 : memref<!tpu.dma_semaphore, #tpu.memory_space<semaphore_mem>>) src(%dma_wait3A_490 : memref<100000x64xf32, #tpu.memory_space<hbm>>) dst(%dma_wait3A_484 : memref<50x64xf32, #tpu.memory_space<vmem>>)
    %dma_wait3A_491 = arith.constant 17 : i32
    %dma_wait3A_492 = arith.constant 850 : i32
    %dma_wait3A_493 = arith.constant 0 : i32
    %dma_wait3A_494 = tpu.memref_slice %arg6[%dma_wait3A_492, %dma_wait3A_493] : memref<1600x64xf32, #tpu.memory_space<vmem>> -> memref<50x64xf32, #tpu.memory_space<vmem>>
    %dma_wait3A_495 = arith.constant 0 : i32
    %dma_wait3A_496 = tpu.memref_slice %arg5[%dma_wait3A_491, %dma_wait3A_495] : memref<32x50xi32, #tpu.memory_space<vmem>> -> memref<1x50xi32, #tpu.memory_space<vmem>>
    %dma_wait3A_497 = tpu.memref_squeeze %dma_wait3A_496 : memref<1x50xi32, #tpu.memory_space<vmem>> -> memref<50xi32, #tpu.memory_space<vmem>>
    %dma_wait3A_498 = arith.constant 0 : i32
    %dma_wait3A_499 = arith.constant 0 : i32
    %dma_wait3A_500 = tpu.memref_slice %arg3[%dma_wait3A_498, %dma_wait3A_499] : memref<100000x64xf32, #tpu.memory_space<hbm>> -> memref<100000x64xf32, #tpu.memory_space<hbm>>
    tpu.wait_indirect_dma semaphore(%arg8 : memref<!tpu.dma_semaphore, #tpu.memory_space<semaphore_mem>>) src(%dma_wait3A_500 : memref<100000x64xf32, #tpu.memory_space<hbm>>) dst(%dma_wait3A_494 : memref<50x64xf32, #tpu.memory_space<vmem>>)
    %dma_wait3A_501 = arith.constant 18 : i32
    %dma_wait3A_502 = arith.constant 900 : i32
    %dma_wait3A_503 = arith.constant 0 : i32
    %dma_wait3A_504 = tpu.memref_slice %arg6[%dma_wait3A_502, %dma_wait3A_503] : memref<1600x64xf32, #tpu.memory_space<vmem>> -> memref<50x64xf32, #tpu.memory_space<vmem>>
    %dma_wait3A_505 = arith.constant 0 : i32
    %dma_wait3A_506 = tpu.memref_slice %arg5[%dma_wait3A_501, %dma_wait3A_505] : memref<32x50xi32, #tpu.memory_space<vmem>> -> memref<1x50xi32, #tpu.memory_space<vmem>>
    %dma_wait3A_507 = tpu.memref_squeeze %dma_wait3A_506 : memref<1x50xi32, #tpu.memory_space<vmem>> -> memref<50xi32, #tpu.memory_space<vmem>>
    %dma_wait3A_508 = arith.constant 0 : i32
    %dma_wait3A_509 = arith.constant 0 : i32
    %dma_wait3A_510 = tpu.memref_slice %arg3[%dma_wait3A_508, %dma_wait3A_509] : memref<100000x64xf32, #tpu.memory_space<hbm>> -> memref<100000x64xf32, #tpu.memory_space<hbm>>
    tpu.wait_indirect_dma semaphore(%arg8 : memref<!tpu.dma_semaphore, #tpu.memory_space<semaphore_mem>>) src(%dma_wait3A_510 : memref<100000x64xf32, #tpu.memory_space<hbm>>) dst(%dma_wait3A_504 : memref<50x64xf32, #tpu.memory_space<vmem>>)
    %dma_wait3A_511 = arith.constant 19 : i32
    %dma_wait3A_512 = arith.constant 950 : i32
    %dma_wait3A_513 = arith.constant 0 : i32
    %dma_wait3A_514 = tpu.memref_slice %arg6[%dma_wait3A_512, %dma_wait3A_513] : memref<1600x64xf32, #tpu.memory_space<vmem>> -> memref<50x64xf32, #tpu.memory_space<vmem>>
    %dma_wait3A_515 = arith.constant 0 : i32
    %dma_wait3A_516 = tpu.memref_slice %arg5[%dma_wait3A_511, %dma_wait3A_515] : memref<32x50xi32, #tpu.memory_space<vmem>> -> memref<1x50xi32, #tpu.memory_space<vmem>>
    %dma_wait3A_517 = tpu.memref_squeeze %dma_wait3A_516 : memref<1x50xi32, #tpu.memory_space<vmem>> -> memref<50xi32, #tpu.memory_space<vmem>>
    %dma_wait3A_518 = arith.constant 0 : i32
    %dma_wait3A_519 = arith.constant 0 : i32
    %dma_wait3A_520 = tpu.memref_slice %arg3[%dma_wait3A_518, %dma_wait3A_519] : memref<100000x64xf32, #tpu.memory_space<hbm>> -> memref<100000x64xf32, #tpu.memory_space<hbm>>
    tpu.wait_indirect_dma semaphore(%arg8 : memref<!tpu.dma_semaphore, #tpu.memory_space<semaphore_mem>>) src(%dma_wait3A_520 : memref<100000x64xf32, #tpu.memory_space<hbm>>) dst(%dma_wait3A_514 : memref<50x64xf32, #tpu.memory_space<vmem>>)
    %dma_wait3A_521 = arith.constant 20 : i32
    %dma_wait3A_522 = arith.constant 1000 : i32
    %dma_wait3A_523 = arith.constant 0 : i32
    %dma_wait3A_524 = tpu.memref_slice %arg6[%dma_wait3A_522, %dma_wait3A_523] : memref<1600x64xf32, #tpu.memory_space<vmem>> -> memref<50x64xf32, #tpu.memory_space<vmem>>
    %dma_wait3A_525 = arith.constant 0 : i32
    %dma_wait3A_526 = tpu.memref_slice %arg5[%dma_wait3A_521, %dma_wait3A_525] : memref<32x50xi32, #tpu.memory_space<vmem>> -> memref<1x50xi32, #tpu.memory_space<vmem>>
    %dma_wait3A_527 = tpu.memref_squeeze %dma_wait3A_526 : memref<1x50xi32, #tpu.memory_space<vmem>> -> memref<50xi32, #tpu.memory_space<vmem>>
    %dma_wait3A_528 = arith.constant 0 : i32
    %dma_wait3A_529 = arith.constant 0 : i32
    %dma_wait3A_530 = tpu.memref_slice %arg3[%dma_wait3A_528, %dma_wait3A_529] : memref<100000x64xf32, #tpu.memory_space<hbm>> -> memref<100000x64xf32, #tpu.memory_space<hbm>>
    tpu.wait_indirect_dma semaphore(%arg8 : memref<!tpu.dma_semaphore, #tpu.memory_space<semaphore_mem>>) src(%dma_wait3A_530 : memref<100000x64xf32, #tpu.memory_space<hbm>>) dst(%dma_wait3A_524 : memref<50x64xf32, #tpu.memory_space<vmem>>)
    %dma_wait3A_531 = arith.constant 21 : i32
    %dma_wait3A_532 = arith.constant 1050 : i32
    %dma_wait3A_533 = arith.constant 0 : i32
    %dma_wait3A_534 = tpu.memref_slice %arg6[%dma_wait3A_532, %dma_wait3A_533] : memref<1600x64xf32, #tpu.memory_space<vmem>> -> memref<50x64xf32, #tpu.memory_space<vmem>>
    %dma_wait3A_535 = arith.constant 0 : i32
    %dma_wait3A_536 = tpu.memref_slice %arg5[%dma_wait3A_531, %dma_wait3A_535] : memref<32x50xi32, #tpu.memory_space<vmem>> -> memref<1x50xi32, #tpu.memory_space<vmem>>
    %dma_wait3A_537 = tpu.memref_squeeze %dma_wait3A_536 : memref<1x50xi32, #tpu.memory_space<vmem>> -> memref<50xi32, #tpu.memory_space<vmem>>
    %dma_wait3A_538 = arith.constant 0 : i32
    %dma_wait3A_539 = arith.constant 0 : i32
    %dma_wait3A_540 = tpu.memref_slice %arg3[%dma_wait3A_538, %dma_wait3A_539] : memref<100000x64xf32, #tpu.memory_space<hbm>> -> memref<100000x64xf32, #tpu.memory_space<hbm>>
    tpu.wait_indirect_dma semaphore(%arg8 : memref<!tpu.dma_semaphore, #tpu.memory_space<semaphore_mem>>) src(%dma_wait3A_540 : memref<100000x64xf32, #tpu.memory_space<hbm>>) dst(%dma_wait3A_534 : memref<50x64xf32, #tpu.memory_space<vmem>>)
    %dma_wait3A_541 = arith.constant 22 : i32
    %dma_wait3A_542 = arith.constant 1100 : i32
    %dma_wait3A_543 = arith.constant 0 : i32
    %dma_wait3A_544 = tpu.memref_slice %arg6[%dma_wait3A_542, %dma_wait3A_543] : memref<1600x64xf32, #tpu.memory_space<vmem>> -> memref<50x64xf32, #tpu.memory_space<vmem>>
    %dma_wait3A_545 = arith.constant 0 : i32
    %dma_wait3A_546 = tpu.memref_slice %arg5[%dma_wait3A_541, %dma_wait3A_545] : memref<32x50xi32, #tpu.memory_space<vmem>> -> memref<1x50xi32, #tpu.memory_space<vmem>>
    %dma_wait3A_547 = tpu.memref_squeeze %dma_wait3A_546 : memref<1x50xi32, #tpu.memory_space<vmem>> -> memref<50xi32, #tpu.memory_space<vmem>>
    %dma_wait3A_548 = arith.constant 0 : i32
    %dma_wait3A_549 = arith.constant 0 : i32
    %dma_wait3A_550 = tpu.memref_slice %arg3[%dma_wait3A_548, %dma_wait3A_549] : memref<100000x64xf32, #tpu.memory_space<hbm>> -> memref<100000x64xf32, #tpu.memory_space<hbm>>
    tpu.wait_indirect_dma semaphore(%arg8 : memref<!tpu.dma_semaphore, #tpu.memory_space<semaphore_mem>>) src(%dma_wait3A_550 : memref<100000x64xf32, #tpu.memory_space<hbm>>) dst(%dma_wait3A_544 : memref<50x64xf32, #tpu.memory_space<vmem>>)
    %dma_wait3A_551 = arith.constant 23 : i32
    %dma_wait3A_552 = arith.constant 1150 : i32
    %dma_wait3A_553 = arith.constant 0 : i32
    %dma_wait3A_554 = tpu.memref_slice %arg6[%dma_wait3A_552, %dma_wait3A_553] : memref<1600x64xf32, #tpu.memory_space<vmem>> -> memref<50x64xf32, #tpu.memory_space<vmem>>
    %dma_wait3A_555 = arith.constant 0 : i32
    %dma_wait3A_556 = tpu.memref_slice %arg5[%dma_wait3A_551, %dma_wait3A_555] : memref<32x50xi32, #tpu.memory_space<vmem>> -> memref<1x50xi32, #tpu.memory_space<vmem>>
    %dma_wait3A_557 = tpu.memref_squeeze %dma_wait3A_556 : memref<1x50xi32, #tpu.memory_space<vmem>> -> memref<50xi32, #tpu.memory_space<vmem>>
    %dma_wait3A_558 = arith.constant 0 : i32
    %dma_wait3A_559 = arith.constant 0 : i32
    %dma_wait3A_560 = tpu.memref_slice %arg3[%dma_wait3A_558, %dma_wait3A_559] : memref<100000x64xf32, #tpu.memory_space<hbm>> -> memref<100000x64xf32, #tpu.memory_space<hbm>>
    tpu.wait_indirect_dma semaphore(%arg8 : memref<!tpu.dma_semaphore, #tpu.memory_space<semaphore_mem>>) src(%dma_wait3A_560 : memref<100000x64xf32, #tpu.memory_space<hbm>>) dst(%dma_wait3A_554 : memref<50x64xf32, #tpu.memory_space<vmem>>)
    %dma_wait3A_561 = arith.constant 24 : i32
    %dma_wait3A_562 = arith.constant 1200 : i32
    %dma_wait3A_563 = arith.constant 0 : i32
    %dma_wait3A_564 = tpu.memref_slice %arg6[%dma_wait3A_562, %dma_wait3A_563] : memref<1600x64xf32, #tpu.memory_space<vmem>> -> memref<50x64xf32, #tpu.memory_space<vmem>>
    %dma_wait3A_565 = arith.constant 0 : i32
    %dma_wait3A_566 = tpu.memref_slice %arg5[%dma_wait3A_561, %dma_wait3A_565] : memref<32x50xi32, #tpu.memory_space<vmem>> -> memref<1x50xi32, #tpu.memory_space<vmem>>
    %dma_wait3A_567 = tpu.memref_squeeze %dma_wait3A_566 : memref<1x50xi32, #tpu.memory_space<vmem>> -> memref<50xi32, #tpu.memory_space<vmem>>
    %dma_wait3A_568 = arith.constant 0 : i32
    %dma_wait3A_569 = arith.constant 0 : i32
    %dma_wait3A_570 = tpu.memref_slice %arg3[%dma_wait3A_568, %dma_wait3A_569] : memref<100000x64xf32, #tpu.memory_space<hbm>> -> memref<100000x64xf32, #tpu.memory_space<hbm>>
    tpu.wait_indirect_dma semaphore(%arg8 : memref<!tpu.dma_semaphore, #tpu.memory_space<semaphore_mem>>) src(%dma_wait3A_570 : memref<100000x64xf32, #tpu.memory_space<hbm>>) dst(%dma_wait3A_564 : memref<50x64xf32, #tpu.memory_space<vmem>>)
    %dma_wait3A_571 = arith.constant 25 : i32
    %dma_wait3A_572 = arith.constant 1250 : i32
    %dma_wait3A_573 = arith.constant 0 : i32
    %dma_wait3A_574 = tpu.memref_slice %arg6[%dma_wait3A_572, %dma_wait3A_573] : memref<1600x64xf32, #tpu.memory_space<vmem>> -> memref<50x64xf32, #tpu.memory_space<vmem>>
    %dma_wait3A_575 = arith.constant 0 : i32
    %dma_wait3A_576 = tpu.memref_slice %arg5[%dma_wait3A_571, %dma_wait3A_575] : memref<32x50xi32, #tpu.memory_space<vmem>> -> memref<1x50xi32, #tpu.memory_space<vmem>>
    %dma_wait3A_577 = tpu.memref_squeeze %dma_wait3A_576 : memref<1x50xi32, #tpu.memory_space<vmem>> -> memref<50xi32, #tpu.memory_space<vmem>>
    %dma_wait3A_578 = arith.constant 0 : i32
    %dma_wait3A_579 = arith.constant 0 : i32
    %dma_wait3A_580 = tpu.memref_slice %arg3[%dma_wait3A_578, %dma_wait3A_579] : memref<100000x64xf32, #tpu.memory_space<hbm>> -> memref<100000x64xf32, #tpu.memory_space<hbm>>
    tpu.wait_indirect_dma semaphore(%arg8 : memref<!tpu.dma_semaphore, #tpu.memory_space<semaphore_mem>>) src(%dma_wait3A_580 : memref<100000x64xf32, #tpu.memory_space<hbm>>) dst(%dma_wait3A_574 : memref<50x64xf32, #tpu.memory_space<vmem>>)
    %dma_wait3A_581 = arith.constant 26 : i32
    %dma_wait3A_582 = arith.constant 1300 : i32
    %dma_wait3A_583 = arith.constant 0 : i32
    %dma_wait3A_584 = tpu.memref_slice %arg6[%dma_wait3A_582, %dma_wait3A_583] : memref<1600x64xf32, #tpu.memory_space<vmem>> -> memref<50x64xf32, #tpu.memory_space<vmem>>
    %dma_wait3A_585 = arith.constant 0 : i32
    %dma_wait3A_586 = tpu.memref_slice %arg5[%dma_wait3A_581, %dma_wait3A_585] : memref<32x50xi32, #tpu.memory_space<vmem>> -> memref<1x50xi32, #tpu.memory_space<vmem>>
    %dma_wait3A_587 = tpu.memref_squeeze %dma_wait3A_586 : memref<1x50xi32, #tpu.memory_space<vmem>> -> memref<50xi32, #tpu.memory_space<vmem>>
    %dma_wait3A_588 = arith.constant 0 : i32
    %dma_wait3A_589 = arith.constant 0 : i32
    %dma_wait3A_590 = tpu.memref_slice %arg3[%dma_wait3A_588, %dma_wait3A_589] : memref<100000x64xf32, #tpu.memory_space<hbm>> -> memref<100000x64xf32, #tpu.memory_space<hbm>>
    tpu.wait_indirect_dma semaphore(%arg8 : memref<!tpu.dma_semaphore, #tpu.memory_space<semaphore_mem>>) src(%dma_wait3A_590 : memref<100000x64xf32, #tpu.memory_space<hbm>>) dst(%dma_wait3A_584 : memref<50x64xf32, #tpu.memory_space<vmem>>)
    %dma_wait3A_591 = arith.constant 27 : i32
    %dma_wait3A_592 = arith.constant 1350 : i32
    %dma_wait3A_593 = arith.constant 0 : i32
    %dma_wait3A_594 = tpu.memref_slice %arg6[%dma_wait3A_592, %dma_wait3A_593] : memref<1600x64xf32, #tpu.memory_space<vmem>> -> memref<50x64xf32, #tpu.memory_space<vmem>>
    %dma_wait3A_595 = arith.constant 0 : i32
    %dma_wait3A_596 = tpu.memref_slice %arg5[%dma_wait3A_591, %dma_wait3A_595] : memref<32x50xi32, #tpu.memory_space<vmem>> -> memref<1x50xi32, #tpu.memory_space<vmem>>
    %dma_wait3A_597 = tpu.memref_squeeze %dma_wait3A_596 : memref<1x50xi32, #tpu.memory_space<vmem>> -> memref<50xi32, #tpu.memory_space<vmem>>
    %dma_wait3A_598 = arith.constant 0 : i32
    %dma_wait3A_599 = arith.constant 0 : i32
    %dma_wait3A_600 = tpu.memref_slice %arg3[%dma_wait3A_598, %dma_wait3A_599] : memref<100000x64xf32, #tpu.memory_space<hbm>> -> memref<100000x64xf32, #tpu.memory_space<hbm>>
    tpu.wait_indirect_dma semaphore(%arg8 : memref<!tpu.dma_semaphore, #tpu.memory_space<semaphore_mem>>) src(%dma_wait3A_600 : memref<100000x64xf32, #tpu.memory_space<hbm>>) dst(%dma_wait3A_594 : memref<50x64xf32, #tpu.memory_space<vmem>>)
    %dma_wait3A_601 = arith.constant 28 : i32
    %dma_wait3A_602 = arith.constant 1400 : i32
    %dma_wait3A_603 = arith.constant 0 : i32
    %dma_wait3A_604 = tpu.memref_slice %arg6[%dma_wait3A_602, %dma_wait3A_603] : memref<1600x64xf32, #tpu.memory_space<vmem>> -> memref<50x64xf32, #tpu.memory_space<vmem>>
    %dma_wait3A_605 = arith.constant 0 : i32
    %dma_wait3A_606 = tpu.memref_slice %arg5[%dma_wait3A_601, %dma_wait3A_605] : memref<32x50xi32, #tpu.memory_space<vmem>> -> memref<1x50xi32, #tpu.memory_space<vmem>>
    %dma_wait3A_607 = tpu.memref_squeeze %dma_wait3A_606 : memref<1x50xi32, #tpu.memory_space<vmem>> -> memref<50xi32, #tpu.memory_space<vmem>>
    %dma_wait3A_608 = arith.constant 0 : i32
    %dma_wait3A_609 = arith.constant 0 : i32
    %dma_wait3A_610 = tpu.memref_slice %arg3[%dma_wait3A_608, %dma_wait3A_609] : memref<100000x64xf32, #tpu.memory_space<hbm>> -> memref<100000x64xf32, #tpu.memory_space<hbm>>
    tpu.wait_indirect_dma semaphore(%arg8 : memref<!tpu.dma_semaphore, #tpu.memory_space<semaphore_mem>>) src(%dma_wait3A_610 : memref<100000x64xf32, #tpu.memory_space<hbm>>) dst(%dma_wait3A_604 : memref<50x64xf32, #tpu.memory_space<vmem>>)
    %dma_wait3A_611 = arith.constant 29 : i32
    %dma_wait3A_612 = arith.constant 1450 : i32
    %dma_wait3A_613 = arith.constant 0 : i32
    %dma_wait3A_614 = tpu.memref_slice %arg6[%dma_wait3A_612, %dma_wait3A_613] : memref<1600x64xf32, #tpu.memory_space<vmem>> -> memref<50x64xf32, #tpu.memory_space<vmem>>
    %dma_wait3A_615 = arith.constant 0 : i32
    %dma_wait3A_616 = tpu.memref_slice %arg5[%dma_wait3A_611, %dma_wait3A_615] : memref<32x50xi32, #tpu.memory_space<vmem>> -> memref<1x50xi32, #tpu.memory_space<vmem>>
    %dma_wait3A_617 = tpu.memref_squeeze %dma_wait3A_616 : memref<1x50xi32, #tpu.memory_space<vmem>> -> memref<50xi32, #tpu.memory_space<vmem>>
    %dma_wait3A_618 = arith.constant 0 : i32
    %dma_wait3A_619 = arith.constant 0 : i32
    %dma_wait3A_620 = tpu.memref_slice %arg3[%dma_wait3A_618, %dma_wait3A_619] : memref<100000x64xf32, #tpu.memory_space<hbm>> -> memref<100000x64xf32, #tpu.memory_space<hbm>>
    tpu.wait_indirect_dma semaphore(%arg8 : memref<!tpu.dma_semaphore, #tpu.memory_space<semaphore_mem>>) src(%dma_wait3A_620 : memref<100000x64xf32, #tpu.memory_space<hbm>>) dst(%dma_wait3A_614 : memref<50x64xf32, #tpu.memory_space<vmem>>)
    %dma_wait3A_621 = arith.constant 30 : i32
    %dma_wait3A_622 = arith.constant 1500 : i32
    %dma_wait3A_623 = arith.constant 0 : i32
    %dma_wait3A_624 = tpu.memref_slice %arg6[%dma_wait3A_622, %dma_wait3A_623] : memref<1600x64xf32, #tpu.memory_space<vmem>> -> memref<50x64xf32, #tpu.memory_space<vmem>>
    %dma_wait3A_625 = arith.constant 0 : i32
    %dma_wait3A_626 = tpu.memref_slice %arg5[%dma_wait3A_621, %dma_wait3A_625] : memref<32x50xi32, #tpu.memory_space<vmem>> -> memref<1x50xi32, #tpu.memory_space<vmem>>
    %dma_wait3A_627 = tpu.memref_squeeze %dma_wait3A_626 : memref<1x50xi32, #tpu.memory_space<vmem>> -> memref<50xi32, #tpu.memory_space<vmem>>
    %dma_wait3A_628 = arith.constant 0 : i32
    %dma_wait3A_629 = arith.constant 0 : i32
    %dma_wait3A_630 = tpu.memref_slice %arg3[%dma_wait3A_628, %dma_wait3A_629] : memref<100000x64xf32, #tpu.memory_space<hbm>> -> memref<100000x64xf32, #tpu.memory_space<hbm>>
    tpu.wait_indirect_dma semaphore(%arg8 : memref<!tpu.dma_semaphore, #tpu.memory_space<semaphore_mem>>) src(%dma_wait3A_630 : memref<100000x64xf32, #tpu.memory_space<hbm>>) dst(%dma_wait3A_624 : memref<50x64xf32, #tpu.memory_space<vmem>>)
    %dma_wait3A_631 = arith.constant 31 : i32
    %dma_wait3A_632 = arith.constant 1550 : i32
    %dma_wait3A_633 = arith.constant 0 : i32
    %dma_wait3A_634 = tpu.memref_slice %arg6[%dma_wait3A_632, %dma_wait3A_633] : memref<1600x64xf32, #tpu.memory_space<vmem>> -> memref<50x64xf32, #tpu.memory_space<vmem>>
    %dma_wait3A_635 = arith.constant 0 : i32
    %dma_wait3A_636 = tpu.memref_slice %arg5[%dma_wait3A_631, %dma_wait3A_635] : memref<32x50xi32, #tpu.memory_space<vmem>> -> memref<1x50xi32, #tpu.memory_space<vmem>>
    %dma_wait3A_637 = tpu.memref_squeeze %dma_wait3A_636 : memref<1x50xi32, #tpu.memory_space<vmem>> -> memref<50xi32, #tpu.memory_space<vmem>>
    %dma_wait3A_638 = arith.constant 0 : i32
    %dma_wait3A_639 = arith.constant 0 : i32
    %dma_wait3A_640 = tpu.memref_slice %arg3[%dma_wait3A_638, %dma_wait3A_639] : memref<100000x64xf32, #tpu.memory_space<hbm>> -> memref<100000x64xf32, #tpu.memory_space<hbm>>
    tpu.wait_indirect_dma semaphore(%arg8 : memref<!tpu.dma_semaphore, #tpu.memory_space<semaphore_mem>>) src(%dma_wait3A_640 : memref<100000x64xf32, #tpu.memory_space<hbm>>) dst(%dma_wait3A_634 : memref<50x64xf32, #tpu.memory_space<vmem>>)
    %scan3A = arith.constant 0 : i32
    %scan3A_641 = arith.constant 0 : i32
    %scan3A_642 = arith.constant 32 : i32
    %scan3A_643 = arith.addi %scan3A_641, %scan3A_642 : i32
    %scan3A_644 = arith.constant 1 : i32
    scf.for %scan3A_648 = %scan3A_641 to %scan3A_643 step %scan3A_644  : i32 {
      %mul3A_649 = arith.constant 50 : i32
      %mul3A_650 = arith.muli %scan3A_648, %mul3A_649 : i32
      %get3A = arith.index_cast %mul3A_650 : i32 to index
      %get3A_651 = arith.constant 0 : index
      %get3A_652 = tpu.vector_load %arg6[%get3A, %get3A_651] {strides = array<i32>} : memref<1600x64xf32, #tpu.memory_space<vmem>>, vector<1x16xf32>,
      %get3A_653 = vector.shape_cast %get3A_652 : vector<1x16xf32> to vector<16xf32>
      %add3A_654 = arith.constant 1 : i32
      %add3A_655 = arith.addi %mul3A_650, %add3A_654 : i32
      %get3A_656 = arith.index_cast %add3A_655 : i32 to index
      %get3A_657 = arith.constant 0 : index
      %get3A_658 = tpu.vector_load %arg6[%get3A_656, %get3A_657] {strides = array<i32>} : memref<1600x64xf32, #tpu.memory_space<vmem>>, vector<1x16xf32>,
      %get3A_659 = vector.shape_cast %get3A_658 : vector<1x16xf32> to vector<16xf32>
      %add3A_660 = arith.addf %get3A_653, %get3A_659 : vector<16xf32>
      %add3A_661 = arith.constant 2 : i32
      %add3A_662 = arith.addi %mul3A_650, %add3A_661 : i32
      %get3A_663 = arith.index_cast %add3A_662 : i32 to index
      %get3A_664 = arith.constant 0 : index
      %get3A_665 = tpu.vector_load %arg6[%get3A_663, %get3A_664] {strides = array<i32>} : memref<1600x64xf32, #tpu.memory_space<vmem>>, vector<1x16xf32>,
      %get3A_666 = vector.shape_cast %get3A_665 : vector<1x16xf32> to vector<16xf32>
      %add3A_667 = arith.addf %add3A_660, %get3A_666 : vector<16xf32>
      %add3A_668 = arith.constant 3 : i32
      %add3A_669 = arith.addi %mul3A_650, %add3A_668 : i32
      %get3A_670 = arith.index_cast %add3A_669 : i32 to index
      %get3A_671 = arith.constant 0 : index
      %get3A_672 = tpu.vector_load %arg6[%get3A_670, %get3A_671] {strides = array<i32>} : memref<1600x64xf32, #tpu.memory_space<vmem>>, vector<1x16xf32>,
      %get3A_673 = vector.shape_cast %get3A_672 : vector<1x16xf32> to vector<16xf32>
      %add3A_674 = arith.addf %add3A_667, %get3A_673 : vector<16xf32>
      %add3A_675 = arith.constant 4 : i32
      %add3A_676 = arith.addi %mul3A_650, %add3A_675 : i32
      %get3A_677 = arith.index_cast %add3A_676 : i32 to index
      %get3A_678 = arith.constant 0 : index
      %get3A_679 = tpu.vector_load %arg6[%get3A_677, %get3A_678] {strides = array<i32>} : memref<1600x64xf32, #tpu.memory_space<vmem>>, vector<1x16xf32>,
      %get3A_680 = vector.shape_cast %get3A_679 : vector<1x16xf32> to vector<16xf32>
      %add3A_681 = arith.addf %add3A_674, %get3A_680 : vector<16xf32>
      %add3A_682 = arith.constant 5 : i32
      %add3A_683 = arith.addi %mul3A_650, %add3A_682 : i32
      %get3A_684 = arith.index_cast %add3A_683 : i32 to index
      %get3A_685 = arith.constant 0 : index
      %get3A_686 = tpu.vector_load %arg6[%get3A_684, %get3A_685] {strides = array<i32>} : memref<1600x64xf32, #tpu.memory_space<vmem>>, vector<1x16xf32>,
      %get3A_687 = vector.shape_cast %get3A_686 : vector<1x16xf32> to vector<16xf32>
      %add3A_688 = arith.addf %add3A_681, %get3A_687 : vector<16xf32>
      %add3A_689 = arith.constant 6 : i32
      %add3A_690 = arith.addi %mul3A_650, %add3A_689 : i32
      %get3A_691 = arith.index_cast %add3A_690 : i32 to index
      %get3A_692 = arith.constant 0 : index
      %get3A_693 = tpu.vector_load %arg6[%get3A_691, %get3A_692] {strides = array<i32>} : memref<1600x64xf32, #tpu.memory_space<vmem>>, vector<1x16xf32>,
      %get3A_694 = vector.shape_cast %get3A_693 : vector<1x16xf32> to vector<16xf32>
      %add3A_695 = arith.addf %add3A_688, %get3A_694 : vector<16xf32>
      %add3A_696 = arith.constant 7 : i32
      %add3A_697 = arith.addi %mul3A_650, %add3A_696 : i32
      %get3A_698 = arith.index_cast %add3A_697 : i32 to index
      %get3A_699 = arith.constant 0 : index
      %get3A_700 = tpu.vector_load %arg6[%get3A_698, %get3A_699] {strides = array<i32>} : memref<1600x64xf32, #tpu.memory_space<vmem>>, vector<1x16xf32>,
      %get3A_701 = vector.shape_cast %get3A_700 : vector<1x16xf32> to vector<16xf32>
      %add3A_702 = arith.addf %add3A_695, %get3A_701 : vector<16xf32>
      %add3A_703 = arith.constant 8 : i32
      %add3A_704 = arith.addi %mul3A_650, %add3A_703 : i32
      %get3A_705 = arith.index_cast %add3A_704 : i32 to index
      %get3A_706 = arith.constant 0 : index
      %get3A_707 = tpu.vector_load %arg6[%get3A_705, %get3A_706] {strides = array<i32>} : memref<1600x64xf32, #tpu.memory_space<vmem>>, vector<1x16xf32>,
      %get3A_708 = vector.shape_cast %get3A_707 : vector<1x16xf32> to vector<16xf32>
      %add3A_709 = arith.addf %add3A_702, %get3A_708 : vector<16xf32>
      %add3A_710 = arith.constant 9 : i32
      %add3A_711 = arith.addi %mul3A_650, %add3A_710 : i32
      %get3A_712 = arith.index_cast %add3A_711 : i32 to index
      %get3A_713 = arith.constant 0 : index
      %get3A_714 = tpu.vector_load %arg6[%get3A_712, %get3A_713] {strides = array<i32>} : memref<1600x64xf32, #tpu.memory_space<vmem>>, vector<1x16xf32>,
      %get3A_715 = vector.shape_cast %get3A_714 : vector<1x16xf32> to vector<16xf32>
      %add3A_716 = arith.addf %add3A_709, %get3A_715 : vector<16xf32>
      %add3A_717 = arith.constant 10 : i32
      %add3A_718 = arith.addi %mul3A_650, %add3A_717 : i32
      %get3A_719 = arith.index_cast %add3A_718 : i32 to index
      %get3A_720 = arith.constant 0 : index
      %get3A_721 = tpu.vector_load %arg6[%get3A_719, %get3A_720] {strides = array<i32>} : memref<1600x64xf32, #tpu.memory_space<vmem>>, vector<1x16xf32>,
      %get3A_722 = vector.shape_cast %get3A_721 : vector<1x16xf32> to vector<16xf32>
      %add3A_723 = arith.addf %add3A_716, %get3A_722 : vector<16xf32>
      %add3A_724 = arith.constant 11 : i32
      %add3A_725 = arith.addi %mul3A_650, %add3A_724 : i32
      %get3A_726 = arith.index_cast %add3A_725 : i32 to index
      %get3A_727 = arith.constant 0 : index
      %get3A_728 = tpu.vector_load %arg6[%get3A_726, %get3A_727] {strides = array<i32>} : memref<1600x64xf32, #tpu.memory_space<vmem>>, vector<1x16xf32>,
      %get3A_729 = vector.shape_cast %get3A_728 : vector<1x16xf32> to vector<16xf32>
      %add3A_730 = arith.addf %add3A_723, %get3A_729 : vector<16xf32>
      %add3A_731 = arith.constant 12 : i32
      %add3A_732 = arith.addi %mul3A_650, %add3A_731 : i32
      %get3A_733 = arith.index_cast %add3A_732 : i32 to index
      %get3A_734 = arith.constant 0 : index
      %get3A_735 = tpu.vector_load %arg6[%get3A_733, %get3A_734] {strides = array<i32>} : memref<1600x64xf32, #tpu.memory_space<vmem>>, vector<1x16xf32>,
      %get3A_736 = vector.shape_cast %get3A_735 : vector<1x16xf32> to vector<16xf32>
      %add3A_737 = arith.addf %add3A_730, %get3A_736 : vector<16xf32>
      %add3A_738 = arith.constant 13 : i32
      %add3A_739 = arith.addi %mul3A_650, %add3A_738 : i32
      %get3A_740 = arith.index_cast %add3A_739 : i32 to index
      %get3A_741 = arith.constant 0 : index
      %get3A_742 = tpu.vector_load %arg6[%get3A_740, %get3A_741] {strides = array<i32>} : memref<1600x64xf32, #tpu.memory_space<vmem>>, vector<1x16xf32>,
      %get3A_743 = vector.shape_cast %get3A_742 : vector<1x16xf32> to vector<16xf32>
      %add3A_744 = arith.addf %add3A_737, %get3A_743 : vector<16xf32>
      %add3A_745 = arith.constant 14 : i32
      %add3A_746 = arith.addi %mul3A_650, %add3A_745 : i32
      %get3A_747 = arith.index_cast %add3A_746 : i32 to index
      %get3A_748 = arith.constant 0 : index
      %get3A_749 = tpu.vector_load %arg6[%get3A_747, %get3A_748] {strides = array<i32>} : memref<1600x64xf32, #tpu.memory_space<vmem>>, vector<1x16xf32>,
      %get3A_750 = vector.shape_cast %get3A_749 : vector<1x16xf32> to vector<16xf32>
      %add3A_751 = arith.addf %add3A_744, %get3A_750 : vector<16xf32>
      %add3A_752 = arith.constant 15 : i32
      %add3A_753 = arith.addi %mul3A_650, %add3A_752 : i32
      %get3A_754 = arith.index_cast %add3A_753 : i32 to index
      %get3A_755 = arith.constant 0 : index
      %get3A_756 = tpu.vector_load %arg6[%get3A_754, %get3A_755] {strides = array<i32>} : memref<1600x64xf32, #tpu.memory_space<vmem>>, vector<1x16xf32>,
      %get3A_757 = vector.shape_cast %get3A_756 : vector<1x16xf32> to vector<16xf32>
      %add3A_758 = arith.addf %add3A_751, %get3A_757 : vector<16xf32>
      %add3A_759 = arith.constant 16 : i32
      %add3A_760 = arith.addi %mul3A_650, %add3A_759 : i32
      %get3A_761 = arith.index_cast %add3A_760 : i32 to index
      %get3A_762 = arith.constant 0 : index
      %get3A_763 = tpu.vector_load %arg6[%get3A_761, %get3A_762] {strides = array<i32>} : memref<1600x64xf32, #tpu.memory_space<vmem>>, vector<1x16xf32>,
      %get3A_764 = vector.shape_cast %get3A_763 : vector<1x16xf32> to vector<16xf32>
      %add3A_765 = arith.addf %add3A_758, %get3A_764 : vector<16xf32>
      %add3A_766 = arith.constant 17 : i32
      %add3A_767 = arith.addi %mul3A_650, %add3A_766 : i32
      %get3A_768 = arith.index_cast %add3A_767 : i32 to index
      %get3A_769 = arith.constant 0 : index
      %get3A_770 = tpu.vector_load %arg6[%get3A_768, %get3A_769] {strides = array<i32>} : memref<1600x64xf32, #tpu.memory_space<vmem>>, vector<1x16xf32>,
      %get3A_771 = vector.shape_cast %get3A_770 : vector<1x16xf32> to vector<16xf32>
      %add3A_772 = arith.addf %add3A_765, %get3A_771 : vector<16xf32>
      %add3A_773 = arith.constant 18 : i32
      %add3A_774 = arith.addi %mul3A_650, %add3A_773 : i32
      %get3A_775 = arith.index_cast %add3A_774 : i32 to index
      %get3A_776 = arith.constant 0 : index
      %get3A_777 = tpu.vector_load %arg6[%get3A_775, %get3A_776] {strides = array<i32>} : memref<1600x64xf32, #tpu.memory_space<vmem>>, vector<1x16xf32>,
      %get3A_778 = vector.shape_cast %get3A_777 : vector<1x16xf32> to vector<16xf32>
      %add3A_779 = arith.addf %add3A_772, %get3A_778 : vector<16xf32>
      %add3A_780 = arith.constant 19 : i32
      %add3A_781 = arith.addi %mul3A_650, %add3A_780 : i32
      %get3A_782 = arith.index_cast %add3A_781 : i32 to index
      %get3A_783 = arith.constant 0 : index
      %get3A_784 = tpu.vector_load %arg6[%get3A_782, %get3A_783] {strides = array<i32>} : memref<1600x64xf32, #tpu.memory_space<vmem>>, vector<1x16xf32>,
      %get3A_785 = vector.shape_cast %get3A_784 : vector<1x16xf32> to vector<16xf32>
      %add3A_786 = arith.addf %add3A_779, %get3A_785 : vector<16xf32>
      %add3A_787 = arith.constant 20 : i32
      %add3A_788 = arith.addi %mul3A_650, %add3A_787 : i32
      %get3A_789 = arith.index_cast %add3A_788 : i32 to index
      %get3A_790 = arith.constant 0 : index
      %get3A_791 = tpu.vector_load %arg6[%get3A_789, %get3A_790] {strides = array<i32>} : memref<1600x64xf32, #tpu.memory_space<vmem>>, vector<1x16xf32>,
      %get3A_792 = vector.shape_cast %get3A_791 : vector<1x16xf32> to vector<16xf32>
      %add3A_793 = arith.addf %add3A_786, %get3A_792 : vector<16xf32>
      %add3A_794 = arith.constant 21 : i32
      %add3A_795 = arith.addi %mul3A_650, %add3A_794 : i32
      %get3A_796 = arith.index_cast %add3A_795 : i32 to index
      %get3A_797 = arith.constant 0 : index
      %get3A_798 = tpu.vector_load %arg6[%get3A_796, %get3A_797] {strides = array<i32>} : memref<1600x64xf32, #tpu.memory_space<vmem>>, vector<1x16xf32>,
      %get3A_799 = vector.shape_cast %get3A_798 : vector<1x16xf32> to vector<16xf32>
      %add3A_800 = arith.addf %add3A_793, %get3A_799 : vector<16xf32>
      %add3A_801 = arith.constant 22 : i32
      %add3A_802 = arith.addi %mul3A_650, %add3A_801 : i32
      %get3A_803 = arith.index_cast %add3A_802 : i32 to index
      %get3A_804 = arith.constant 0 : index
      %get3A_805 = tpu.vector_load %arg6[%get3A_803, %get3A_804] {strides = array<i32>} : memref<1600x64xf32, #tpu.memory_space<vmem>>, vector<1x16xf32>,
      %get3A_806 = vector.shape_cast %get3A_805 : vector<1x16xf32> to vector<16xf32>
      %add3A_807 = arith.addf %add3A_800, %get3A_806 : vector<16xf32>
      %add3A_808 = arith.constant 23 : i32
      %add3A_809 = arith.addi %mul3A_650, %add3A_808 : i32
      %get3A_810 = arith.index_cast %add3A_809 : i32 to index
      %get3A_811 = arith.constant 0 : index
      %get3A_812 = tpu.vector_load %arg6[%get3A_810, %get3A_811] {strides = array<i32>} : memref<1600x64xf32, #tpu.memory_space<vmem>>, vector<1x16xf32>,
      %get3A_813 = vector.shape_cast %get3A_812 : vector<1x16xf32> to vector<16xf32>
      %add3A_814 = arith.addf %add3A_807, %get3A_813 : vector<16xf32>
      %add3A_815 = arith.constant 24 : i32
      %add3A_816 = arith.addi %mul3A_650, %add3A_815 : i32
      %get3A_817 = arith.index_cast %add3A_816 : i32 to index
      %get3A_818 = arith.constant 0 : index
      %get3A_819 = tpu.vector_load %arg6[%get3A_817, %get3A_818] {strides = array<i32>} : memref<1600x64xf32, #tpu.memory_space<vmem>>, vector<1x16xf32>,
      %get3A_820 = vector.shape_cast %get3A_819 : vector<1x16xf32> to vector<16xf32>
      %add3A_821 = arith.addf %add3A_814, %get3A_820 : vector<16xf32>
      %add3A_822 = arith.constant 25 : i32
      %add3A_823 = arith.addi %mul3A_650, %add3A_822 : i32
      %get3A_824 = arith.index_cast %add3A_823 : i32 to index
      %get3A_825 = arith.constant 0 : index
      %get3A_826 = tpu.vector_load %arg6[%get3A_824, %get3A_825] {strides = array<i32>} : memref<1600x64xf32, #tpu.memory_space<vmem>>, vector<1x16xf32>,
      %get3A_827 = vector.shape_cast %get3A_826 : vector<1x16xf32> to vector<16xf32>
      %add3A_828 = arith.addf %add3A_821, %get3A_827 : vector<16xf32>
      %add3A_829 = arith.constant 26 : i32
      %add3A_830 = arith.addi %mul3A_650, %add3A_829 : i32
      %get3A_831 = arith.index_cast %add3A_830 : i32 to index
      %get3A_832 = arith.constant 0 : index
      %get3A_833 = tpu.vector_load %arg6[%get3A_831, %get3A_832] {strides = array<i32>} : memref<1600x64xf32, #tpu.memory_space<vmem>>, vector<1x16xf32>,
      %get3A_834 = vector.shape_cast %get3A_833 : vector<1x16xf32> to vector<16xf32>
      %add3A_835 = arith.addf %add3A_828, %get3A_834 : vector<16xf32>
      %add3A_836 = arith.constant 27 : i32
      %add3A_837 = arith.addi %mul3A_650, %add3A_836 : i32
      %get3A_838 = arith.index_cast %add3A_837 : i32 to index
      %get3A_839 = arith.constant 0 : index
      %get3A_840 = tpu.vector_load %arg6[%get3A_838, %get3A_839] {strides = array<i32>} : memref<1600x64xf32, #tpu.memory_space<vmem>>, vector<1x16xf32>,
      %get3A_841 = vector.shape_cast %get3A_840 : vector<1x16xf32> to vector<16xf32>
      %add3A_842 = arith.addf %add3A_835, %get3A_841 : vector<16xf32>
      %add3A_843 = arith.constant 28 : i32
      %add3A_844 = arith.addi %mul3A_650, %add3A_843 : i32
      %get3A_845 = arith.index_cast %add3A_844 : i32 to index
      %get3A_846 = arith.constant 0 : index
      %get3A_847 = tpu.vector_load %arg6[%get3A_845, %get3A_846] {strides = array<i32>} : memref<1600x64xf32, #tpu.memory_space<vmem>>, vector<1x16xf32>,
      %get3A_848 = vector.shape_cast %get3A_847 : vector<1x16xf32> to vector<16xf32>
      %add3A_849 = arith.addf %add3A_842, %get3A_848 : vector<16xf32>
      %add3A_850 = arith.constant 29 : i32
      %add3A_851 = arith.addi %mul3A_650, %add3A_850 : i32
      %get3A_852 = arith.index_cast %add3A_851 : i32 to index
      %get3A_853 = arith.constant 0 : index
      %get3A_854 = tpu.vector_load %arg6[%get3A_852, %get3A_853] {strides = array<i32>} : memref<1600x64xf32, #tpu.memory_space<vmem>>, vector<1x16xf32>,
      %get3A_855 = vector.shape_cast %get3A_854 : vector<1x16xf32> to vector<16xf32>
      %add3A_856 = arith.addf %add3A_849, %get3A_855 : vector<16xf32>
      %add3A_857 = arith.constant 30 : i32
      %add3A_858 = arith.addi %mul3A_650, %add3A_857 : i32
      %get3A_859 = arith.index_cast %add3A_858 : i32 to index
      %get3A_860 = arith.constant 0 : index
      %get3A_861 = tpu.vector_load %arg6[%get3A_859, %get3A_860] {strides = array<i32>} : memref<1600x64xf32, #tpu.memory_space<vmem>>, vector<1x16xf32>,
      %get3A_862 = vector.shape_cast %get3A_861 : vector<1x16xf32> to vector<16xf32>
      %add3A_863 = arith.addf %add3A_856, %get3A_862 : vector<16xf32>
      %add3A_864 = arith.constant 31 : i32
      %add3A_865 = arith.addi %mul3A_650, %add3A_864 : i32
      %get3A_866 = arith.index_cast %add3A_865 : i32 to index
      %get3A_867 = arith.constant 0 : index
      %get3A_868 = tpu.vector_load %arg6[%get3A_866, %get3A_867] {strides = array<i32>} : memref<1600x64xf32, #tpu.memory_space<vmem>>, vector<1x16xf32>,
      %get3A_869 = vector.shape_cast %get3A_868 : vector<1x16xf32> to vector<16xf32>
      %add3A_870 = arith.addf %add3A_863, %get3A_869 : vector<16xf32>
      %add3A_871 = arith.constant 32 : i32
      %add3A_872 = arith.addi %mul3A_650, %add3A_871 : i32
      %get3A_873 = arith.index_cast %add3A_872 : i32 to index
      %get3A_874 = arith.constant 0 : index
      %get3A_875 = tpu.vector_load %arg6[%get3A_873, %get3A_874] {strides = array<i32>} : memref<1600x64xf32, #tpu.memory_space<vmem>>, vector<1x16xf32>,
      %get3A_876 = vector.shape_cast %get3A_875 : vector<1x16xf32> to vector<16xf32>
      %add3A_877 = arith.addf %add3A_870, %get3A_876 : vector<16xf32>
      %add3A_878 = arith.constant 33 : i32
      %add3A_879 = arith.addi %mul3A_650, %add3A_878 : i32
      %get3A_880 = arith.index_cast %add3A_879 : i32 to index
      %get3A_881 = arith.constant 0 : index
      %get3A_882 = tpu.vector_load %arg6[%get3A_880, %get3A_881] {strides = array<i32>} : memref<1600x64xf32, #tpu.memory_space<vmem>>, vector<1x16xf32>,
      %get3A_883 = vector.shape_cast %get3A_882 : vector<1x16xf32> to vector<16xf32>
      %add3A_884 = arith.addf %add3A_877, %get3A_883 : vector<16xf32>
      %add3A_885 = arith.constant 34 : i32
      %add3A_886 = arith.addi %mul3A_650, %add3A_885 : i32
      %get3A_887 = arith.index_cast %add3A_886 : i32 to index
      %get3A_888 = arith.constant 0 : index
      %get3A_889 = tpu.vector_load %arg6[%get3A_887, %get3A_888] {strides = array<i32>} : memref<1600x64xf32, #tpu.memory_space<vmem>>, vector<1x16xf32>,
      %get3A_890 = vector.shape_cast %get3A_889 : vector<1x16xf32> to vector<16xf32>
      %add3A_891 = arith.addf %add3A_884, %get3A_890 : vector<16xf32>
      %add3A_892 = arith.constant 35 : i32
      %add3A_893 = arith.addi %mul3A_650, %add3A_892 : i32
      %get3A_894 = arith.index_cast %add3A_893 : i32 to index
      %get3A_895 = arith.constant 0 : index
      %get3A_896 = tpu.vector_load %arg6[%get3A_894, %get3A_895] {strides = array<i32>} : memref<1600x64xf32, #tpu.memory_space<vmem>>, vector<1x16xf32>,
      %get3A_897 = vector.shape_cast %get3A_896 : vector<1x16xf32> to vector<16xf32>
      %add3A_898 = arith.addf %add3A_891, %get3A_897 : vector<16xf32>
      %add3A_899 = arith.constant 36 : i32
      %add3A_900 = arith.addi %mul3A_650, %add3A_899 : i32
      %get3A_901 = arith.index_cast %add3A_900 : i32 to index
      %get3A_902 = arith.constant 0 : index
      %get3A_903 = tpu.vector_load %arg6[%get3A_901, %get3A_902] {strides = array<i32>} : memref<1600x64xf32, #tpu.memory_space<vmem>>, vector<1x16xf32>,
      %get3A_904 = vector.shape_cast %get3A_903 : vector<1x16xf32> to vector<16xf32>
      %add3A_905 = arith.addf %add3A_898, %get3A_904 : vector<16xf32>
      %add3A_906 = arith.constant 37 : i32
      %add3A_907 = arith.addi %mul3A_650, %add3A_906 : i32
      %get3A_908 = arith.index_cast %add3A_907 : i32 to index
      %get3A_909 = arith.constant 0 : index
      %get3A_910 = tpu.vector_load %arg6[%get3A_908, %get3A_909] {strides = array<i32>} : memref<1600x64xf32, #tpu.memory_space<vmem>>, vector<1x16xf32>,
      %get3A_911 = vector.shape_cast %get3A_910 : vector<1x16xf32> to vector<16xf32>
      %add3A_912 = arith.addf %add3A_905, %get3A_911 : vector<16xf32>
      %add3A_913 = arith.constant 38 : i32
      %add3A_914 = arith.addi %mul3A_650, %add3A_913 : i32
      %get3A_915 = arith.index_cast %add3A_914 : i32 to index
      %get3A_916 = arith.constant 0 : index
      %get3A_917 = tpu.vector_load %arg6[%get3A_915, %get3A_916] {strides = array<i32>} : memref<1600x64xf32, #tpu.memory_space<vmem>>, vector<1x16xf32>,
      %get3A_918 = vector.shape_cast %get3A_917 : vector<1x16xf32> to vector<16xf32>
      %add3A_919 = arith.addf %add3A_912, %get3A_918 : vector<16xf32>
      %add3A_920 = arith.constant 39 : i32
      %add3A_921 = arith.addi %mul3A_650, %add3A_920 : i32
      %get3A_922 = arith.index_cast %add3A_921 : i32 to index
      %get3A_923 = arith.constant 0 : index
      %get3A_924 = tpu.vector_load %arg6[%get3A_922, %get3A_923] {strides = array<i32>} : memref<1600x64xf32, #tpu.memory_space<vmem>>, vector<1x16xf32>,
      %get3A_925 = vector.shape_cast %get3A_924 : vector<1x16xf32> to vector<16xf32>
      %add3A_926 = arith.addf %add3A_919, %get3A_925 : vector<16xf32>
      %add3A_927 = arith.constant 40 : i32
      %add3A_928 = arith.addi %mul3A_650, %add3A_927 : i32
      %get3A_929 = arith.index_cast %add3A_928 : i32 to index
      %get3A_930 = arith.constant 0 : index
      %get3A_931 = tpu.vector_load %arg6[%get3A_929, %get3A_930] {strides = array<i32>} : memref<1600x64xf32, #tpu.memory_space<vmem>>, vector<1x16xf32>,
      %get3A_932 = vector.shape_cast %get3A_931 : vector<1x16xf32> to vector<16xf32>
      %add3A_933 = arith.addf %add3A_926, %get3A_932 : vector<16xf32>
      %add3A_934 = arith.constant 41 : i32
      %add3A_935 = arith.addi %mul3A_650, %add3A_934 : i32
      %get3A_936 = arith.index_cast %add3A_935 : i32 to index
      %get3A_937 = arith.constant 0 : index
      %get3A_938 = tpu.vector_load %arg6[%get3A_936, %get3A_937] {strides = array<i32>} : memref<1600x64xf32, #tpu.memory_space<vmem>>, vector<1x16xf32>,
      %get3A_939 = vector.shape_cast %get3A_938 : vector<1x16xf32> to vector<16xf32>
      %add3A_940 = arith.addf %add3A_933, %get3A_939 : vector<16xf32>
      %add3A_941 = arith.constant 42 : i32
      %add3A_942 = arith.addi %mul3A_650, %add3A_941 : i32
      %get3A_943 = arith.index_cast %add3A_942 : i32 to index
      %get3A_944 = arith.constant 0 : index
      %get3A_945 = tpu.vector_load %arg6[%get3A_943, %get3A_944] {strides = array<i32>} : memref<1600x64xf32, #tpu.memory_space<vmem>>, vector<1x16xf32>,
      %get3A_946 = vector.shape_cast %get3A_945 : vector<1x16xf32> to vector<16xf32>
      %add3A_947 = arith.addf %add3A_940, %get3A_946 : vector<16xf32>
      %add3A_948 = arith.constant 43 : i32
      %add3A_949 = arith.addi %mul3A_650, %add3A_948 : i32
      %get3A_950 = arith.index_cast %add3A_949 : i32 to index
      %get3A_951 = arith.constant 0 : index
      %get3A_952 = tpu.vector_load %arg6[%get3A_950, %get3A_951] {strides = array<i32>} : memref<1600x64xf32, #tpu.memory_space<vmem>>, vector<1x16xf32>,
      %get3A_953 = vector.shape_cast %get3A_952 : vector<1x16xf32> to vector<16xf32>
      %add3A_954 = arith.addf %add3A_947, %get3A_953 : vector<16xf32>
      %add3A_955 = arith.constant 44 : i32
      %add3A_956 = arith.addi %mul3A_650, %add3A_955 : i32
      %get3A_957 = arith.index_cast %add3A_956 : i32 to index
      %get3A_958 = arith.constant 0 : index
      %get3A_959 = tpu.vector_load %arg6[%get3A_957, %get3A_958] {strides = array<i32>} : memref<1600x64xf32, #tpu.memory_space<vmem>>, vector<1x16xf32>,
      %get3A_960 = vector.shape_cast %get3A_959 : vector<1x16xf32> to vector<16xf32>
      %add3A_961 = arith.addf %add3A_954, %get3A_960 : vector<16xf32>
      %add3A_962 = arith.constant 45 : i32
      %add3A_963 = arith.addi %mul3A_650, %add3A_962 : i32
      %get3A_964 = arith.index_cast %add3A_963 : i32 to index
      %get3A_965 = arith.constant 0 : index
      %get3A_966 = tpu.vector_load %arg6[%get3A_964, %get3A_965] {strides = array<i32>} : memref<1600x64xf32, #tpu.memory_space<vmem>>, vector<1x16xf32>,
      %get3A_967 = vector.shape_cast %get3A_966 : vector<1x16xf32> to vector<16xf32>
      %add3A_968 = arith.addf %add3A_961, %get3A_967 : vector<16xf32>
      %add3A_969 = arith.constant 46 : i32
      %add3A_970 = arith.addi %mul3A_650, %add3A_969 : i32
      %get3A_971 = arith.index_cast %add3A_970 : i32 to index
      %get3A_972 = arith.constant 0 : index
      %get3A_973 = tpu.vector_load %arg6[%get3A_971, %get3A_972] {strides = array<i32>} : memref<1600x64xf32, #tpu.memory_space<vmem>>, vector<1x16xf32>,
      %get3A_974 = vector.shape_cast %get3A_973 : vector<1x16xf32> to vector<16xf32>
      %add3A_975 = arith.addf %add3A_968, %get3A_974 : vector<16xf32>
      %add3A_976 = arith.constant 47 : i32
      %add3A_977 = arith.addi %mul3A_650, %add3A_976 : i32
      %get3A_978 = arith.index_cast %add3A_977 : i32 to index
      %get3A_979 = arith.constant 0 : index
      %get3A_980 = tpu.vector_load %arg6[%get3A_978, %get3A_979] {strides = array<i32>} : memref<1600x64xf32, #tpu.memory_space<vmem>>, vector<1x16xf32>,
      %get3A_981 = vector.shape_cast %get3A_980 : vector<1x16xf32> to vector<16xf32>
      %add3A_982 = arith.addf %add3A_975, %get3A_981 : vector<16xf32>
      %add3A_983 = arith.constant 48 : i32
      %add3A_984 = arith.addi %mul3A_650, %add3A_983 : i32
      %get3A_985 = arith.index_cast %add3A_984 : i32 to index
      %get3A_986 = arith.constant 0 : index
      %get3A_987 = tpu.vector_load %arg6[%get3A_985, %get3A_986] {strides = array<i32>} : memref<1600x64xf32, #tpu.memory_space<vmem>>, vector<1x16xf32>,
      %get3A_988 = vector.shape_cast %get3A_987 : vector<1x16xf32> to vector<16xf32>
      %add3A_989 = arith.addf %add3A_982, %get3A_988 : vector<16xf32>
      %add3A_990 = arith.constant 49 : i32
      %add3A_991 = arith.addi %mul3A_650, %add3A_990 : i32
      %get3A_992 = arith.index_cast %add3A_991 : i32 to index
      %get3A_993 = arith.constant 0 : index
      %get3A_994 = tpu.vector_load %arg6[%get3A_992, %get3A_993] {strides = array<i32>} : memref<1600x64xf32, #tpu.memory_space<vmem>>, vector<1x16xf32>,
      %get3A_995 = vector.shape_cast %get3A_994 : vector<1x16xf32> to vector<16xf32>
      %add3A_996 = arith.addf %add3A_989, %get3A_995 : vector<16xf32>
      %swap3A = arith.index_cast %scan3A_648 : i32 to index
      %swap3A_997 = arith.constant 0 : index
      %swap3A_998 = tpu.vector_load %arg7[%swap3A, %swap3A_997] {strides = array<i32>} : memref<32x64xf32, #tpu.memory_space<vmem>>, vector<1x16xf32>,
      %swap3A_999 = vector.shape_cast %swap3A_998 : vector<1x16xf32> to vector<16xf32>
      %swap3A_1000 = vector.shape_cast %add3A_996 : vector<16xf32> to vector<1x16xf32>
      tpu.vector_store %arg7[%swap3A, %swap3A_997], %swap3A_1000 {strides = array<i32>} : memref<32x64xf32, #tpu.memory_space<vmem>>, vector<1x16xf32>,
      %get3A_1001 = arith.index_cast %mul3A_650 : i32 to index
      %get3A_1002 = arith.constant 16 : index
      %get3A_1003 = tpu.vector_load %arg6[%get3A_1001, %get3A_1002] {strides = array<i32>} : memref<1600x64xf32, #tpu.memory_space<vmem>>, vector<1x16xf32>,
      %get3A_1004 = vector.shape_cast %get3A_1003 : vector<1x16xf32> to vector<16xf32>
      %add3A_1005 = arith.constant 1 : i32
      %add3A_1006 = arith.addi %mul3A_650, %add3A_1005 : i32
      %get3A_1007 = arith.index_cast %add3A_1006 : i32 to index
      %get3A_1008 = arith.constant 16 : index
      %get3A_1009 = tpu.vector_load %arg6[%get3A_1007, %get3A_1008] {strides = array<i32>} : memref<1600x64xf32, #tpu.memory_space<vmem>>, vector<1x16xf32>,
      %get3A_1010 = vector.shape_cast %get3A_1009 : vector<1x16xf32> to vector<16xf32>
      %add3A_1011 = arith.addf %get3A_1004, %get3A_1010 : vector<16xf32>
      %add3A_1012 = arith.constant 2 : i32
      %add3A_1013 = arith.addi %mul3A_650, %add3A_1012 : i32
      %get3A_1014 = arith.index_cast %add3A_1013 : i32 to index
      %get3A_1015 = arith.constant 16 : index
      %get3A_1016 = tpu.vector_load %arg6[%get3A_1014, %get3A_1015] {strides = array<i32>} : memref<1600x64xf32, #tpu.memory_space<vmem>>, vector<1x16xf32>,
      %get3A_1017 = vector.shape_cast %get3A_1016 : vector<1x16xf32> to vector<16xf32>
      %add3A_1018 = arith.addf %add3A_1011, %get3A_1017 : vector<16xf32>
      %add3A_1019 = arith.constant 3 : i32
      %add3A_1020 = arith.addi %mul3A_650, %add3A_1019 : i32
      %get3A_1021 = arith.index_cast %add3A_1020 : i32 to index
      %get3A_1022 = arith.constant 16 : index
      %get3A_1023 = tpu.vector_load %arg6[%get3A_1021, %get3A_1022] {strides = array<i32>} : memref<1600x64xf32, #tpu.memory_space<vmem>>, vector<1x16xf32>,
      %get3A_1024 = vector.shape_cast %get3A_1023 : vector<1x16xf32> to vector<16xf32>
      %add3A_1025 = arith.addf %add3A_1018, %get3A_1024 : vector<16xf32>
      %add3A_1026 = arith.constant 4 : i32
      %add3A_1027 = arith.addi %mul3A_650, %add3A_1026 : i32
      %get3A_1028 = arith.index_cast %add3A_1027 : i32 to index
      %get3A_1029 = arith.constant 16 : index
      %get3A_1030 = tpu.vector_load %arg6[%get3A_1028, %get3A_1029] {strides = array<i32>} : memref<1600x64xf32, #tpu.memory_space<vmem>>, vector<1x16xf32>,
      %get3A_1031 = vector.shape_cast %get3A_1030 : vector<1x16xf32> to vector<16xf32>
      %add3A_1032 = arith.addf %add3A_1025, %get3A_1031 : vector<16xf32>
      %add3A_1033 = arith.constant 5 : i32
      %add3A_1034 = arith.addi %mul3A_650, %add3A_1033 : i32
      %get3A_1035 = arith.index_cast %add3A_1034 : i32 to index
      %get3A_1036 = arith.constant 16 : index
      %get3A_1037 = tpu.vector_load %arg6[%get3A_1035, %get3A_1036] {strides = array<i32>} : memref<1600x64xf32, #tpu.memory_space<vmem>>, vector<1x16xf32>,
      %get3A_1038 = vector.shape_cast %get3A_1037 : vector<1x16xf32> to vector<16xf32>
      %add3A_1039 = arith.addf %add3A_1032, %get3A_1038 : vector<16xf32>
      %add3A_1040 = arith.constant 6 : i32
      %add3A_1041 = arith.addi %mul3A_650, %add3A_1040 : i32
      %get3A_1042 = arith.index_cast %add3A_1041 : i32 to index
      %get3A_1043 = arith.constant 16 : index
      %get3A_1044 = tpu.vector_load %arg6[%get3A_1042, %get3A_1043] {strides = array<i32>} : memref<1600x64xf32, #tpu.memory_space<vmem>>, vector<1x16xf32>,
      %get3A_1045 = vector.shape_cast %get3A_1044 : vector<1x16xf32> to vector<16xf32>
      %add3A_1046 = arith.addf %add3A_1039, %get3A_1045 : vector<16xf32>
      %add3A_1047 = arith.constant 7 : i32
      %add3A_1048 = arith.addi %mul3A_650, %add3A_1047 : i32
      %get3A_1049 = arith.index_cast %add3A_1048 : i32 to index
      %get3A_1050 = arith.constant 16 : index
      %get3A_1051 = tpu.vector_load %arg6[%get3A_1049, %get3A_1050] {strides = array<i32>} : memref<1600x64xf32, #tpu.memory_space<vmem>>, vector<1x16xf32>,
      %get3A_1052 = vector.shape_cast %get3A_1051 : vector<1x16xf32> to vector<16xf32>
      %add3A_1053 = arith.addf %add3A_1046, %get3A_1052 : vector<16xf32>
      %add3A_1054 = arith.constant 8 : i32
      %add3A_1055 = arith.addi %mul3A_650, %add3A_1054 : i32
      %get3A_1056 = arith.index_cast %add3A_1055 : i32 to index
      %get3A_1057 = arith.constant 16 : index
      %get3A_1058 = tpu.vector_load %arg6[%get3A_1056, %get3A_1057] {strides = array<i32>} : memref<1600x64xf32, #tpu.memory_space<vmem>>, vector<1x16xf32>,
      %get3A_1059 = vector.shape_cast %get3A_1058 : vector<1x16xf32> to vector<16xf32>
      %add3A_1060 = arith.addf %add3A_1053, %get3A_1059 : vector<16xf32>
      %add3A_1061 = arith.constant 9 : i32
      %add3A_1062 = arith.addi %mul3A_650, %add3A_1061 : i32
      %get3A_1063 = arith.index_cast %add3A_1062 : i32 to index
      %get3A_1064 = arith.constant 16 : index
      %get3A_1065 = tpu.vector_load %arg6[%get3A_1063, %get3A_1064] {strides = array<i32>} : memref<1600x64xf32, #tpu.memory_space<vmem>>, vector<1x16xf32>,
      %get3A_1066 = vector.shape_cast %get3A_1065 : vector<1x16xf32> to vector<16xf32>
      %add3A_1067 = arith.addf %add3A_1060, %get3A_1066 : vector<16xf32>
      %add3A_1068 = arith.constant 10 : i32
      %add3A_1069 = arith.addi %mul3A_650, %add3A_1068 : i32
      %get3A_1070 = arith.index_cast %add3A_1069 : i32 to index
      %get3A_1071 = arith.constant 16 : index
      %get3A_1072 = tpu.vector_load %arg6[%get3A_1070, %get3A_1071] {strides = array<i32>} : memref<1600x64xf32, #tpu.memory_space<vmem>>, vector<1x16xf32>,
      %get3A_1073 = vector.shape_cast %get3A_1072 : vector<1x16xf32> to vector<16xf32>
      %add3A_1074 = arith.addf %add3A_1067, %get3A_1073 : vector<16xf32>
      %add3A_1075 = arith.constant 11 : i32
      %add3A_1076 = arith.addi %mul3A_650, %add3A_1075 : i32
      %get3A_1077 = arith.index_cast %add3A_1076 : i32 to index
      %get3A_1078 = arith.constant 16 : index
      %get3A_1079 = tpu.vector_load %arg6[%get3A_1077, %get3A_1078] {strides = array<i32>} : memref<1600x64xf32, #tpu.memory_space<vmem>>, vector<1x16xf32>,
      %get3A_1080 = vector.shape_cast %get3A_1079 : vector<1x16xf32> to vector<16xf32>
      %add3A_1081 = arith.addf %add3A_1074, %get3A_1080 : vector<16xf32>
      %add3A_1082 = arith.constant 12 : i32
      %add3A_1083 = arith.addi %mul3A_650, %add3A_1082 : i32
      %get3A_1084 = arith.index_cast %add3A_1083 : i32 to index
      %get3A_1085 = arith.constant 16 : index
      %get3A_1086 = tpu.vector_load %arg6[%get3A_1084, %get3A_1085] {strides = array<i32>} : memref<1600x64xf32, #tpu.memory_space<vmem>>, vector<1x16xf32>,
      %get3A_1087 = vector.shape_cast %get3A_1086 : vector<1x16xf32> to vector<16xf32>
      %add3A_1088 = arith.addf %add3A_1081, %get3A_1087 : vector<16xf32>
      %add3A_1089 = arith.constant 13 : i32
      %add3A_1090 = arith.addi %mul3A_650, %add3A_1089 : i32
      %get3A_1091 = arith.index_cast %add3A_1090 : i32 to index
      %get3A_1092 = arith.constant 16 : index
      %get3A_1093 = tpu.vector_load %arg6[%get3A_1091, %get3A_1092] {strides = array<i32>} : memref<1600x64xf32, #tpu.memory_space<vmem>>, vector<1x16xf32>,
      %get3A_1094 = vector.shape_cast %get3A_1093 : vector<1x16xf32> to vector<16xf32>
      %add3A_1095 = arith.addf %add3A_1088, %get3A_1094 : vector<16xf32>
      %add3A_1096 = arith.constant 14 : i32
      %add3A_1097 = arith.addi %mul3A_650, %add3A_1096 : i32
      %get3A_1098 = arith.index_cast %add3A_1097 : i32 to index
      %get3A_1099 = arith.constant 16 : index
      %get3A_1100 = tpu.vector_load %arg6[%get3A_1098, %get3A_1099] {strides = array<i32>} : memref<1600x64xf32, #tpu.memory_space<vmem>>, vector<1x16xf32>,
      %get3A_1101 = vector.shape_cast %get3A_1100 : vector<1x16xf32> to vector<16xf32>
      %add3A_1102 = arith.addf %add3A_1095, %get3A_1101 : vector<16xf32>
      %add3A_1103 = arith.constant 15 : i32
      %add3A_1104 = arith.addi %mul3A_650, %add3A_1103 : i32
      %get3A_1105 = arith.index_cast %add3A_1104 : i32 to index
      %get3A_1106 = arith.constant 16 : index
      %get3A_1107 = tpu.vector_load %arg6[%get3A_1105, %get3A_1106] {strides = array<i32>} : memref<1600x64xf32, #tpu.memory_space<vmem>>, vector<1x16xf32>,
      %get3A_1108 = vector.shape_cast %get3A_1107 : vector<1x16xf32> to vector<16xf32>
      %add3A_1109 = arith.addf %add3A_1102, %get3A_1108 : vector<16xf32>
      %add3A_1110 = arith.constant 16 : i32
      %add3A_1111 = arith.addi %mul3A_650, %add3A_1110 : i32
      %get3A_1112 = arith.index_cast %add3A_1111 : i32 to index
      %get3A_1113 = arith.constant 16 : index
      %get3A_1114 = tpu.vector_load %arg6[%get3A_1112, %get3A_1113] {strides = array<i32>} : memref<1600x64xf32, #tpu.memory_space<vmem>>, vector<1x16xf32>,
      %get3A_1115 = vector.shape_cast %get3A_1114 : vector<1x16xf32> to vector<16xf32>
      %add3A_1116 = arith.addf %add3A_1109, %get3A_1115 : vector<16xf32>
      %add3A_1117 = arith.constant 17 : i32
      %add3A_1118 = arith.addi %mul3A_650, %add3A_1117 : i32
      %get3A_1119 = arith.index_cast %add3A_1118 : i32 to index
      %get3A_1120 = arith.constant 16 : index
      %get3A_1121 = tpu.vector_load %arg6[%get3A_1119, %get3A_1120] {strides = array<i32>} : memref<1600x64xf32, #tpu.memory_space<vmem>>, vector<1x16xf32>,
      %get3A_1122 = vector.shape_cast %get3A_1121 : vector<1x16xf32> to vector<16xf32>
      %add3A_1123 = arith.addf %add3A_1116, %get3A_1122 : vector<16xf32>
      %add3A_1124 = arith.constant 18 : i32
      %add3A_1125 = arith.addi %mul3A_650, %add3A_1124 : i32
      %get3A_1126 = arith.index_cast %add3A_1125 : i32 to index
      %get3A_1127 = arith.constant 16 : index
      %get3A_1128 = tpu.vector_load %arg6[%get3A_1126, %get3A_1127] {strides = array<i32>} : memref<1600x64xf32, #tpu.memory_space<vmem>>, vector<1x16xf32>,
      %get3A_1129 = vector.shape_cast %get3A_1128 : vector<1x16xf32> to vector<16xf32>
      %add3A_1130 = arith.addf %add3A_1123, %get3A_1129 : vector<16xf32>
      %add3A_1131 = arith.constant 19 : i32
      %add3A_1132 = arith.addi %mul3A_650, %add3A_1131 : i32
      %get3A_1133 = arith.index_cast %add3A_1132 : i32 to index
      %get3A_1134 = arith.constant 16 : index
      %get3A_1135 = tpu.vector_load %arg6[%get3A_1133, %get3A_1134] {strides = array<i32>} : memref<1600x64xf32, #tpu.memory_space<vmem>>, vector<1x16xf32>,
      %get3A_1136 = vector.shape_cast %get3A_1135 : vector<1x16xf32> to vector<16xf32>
      %add3A_1137 = arith.addf %add3A_1130, %get3A_1136 : vector<16xf32>
      %add3A_1138 = arith.constant 20 : i32
      %add3A_1139 = arith.addi %mul3A_650, %add3A_1138 : i32
      %get3A_1140 = arith.index_cast %add3A_1139 : i32 to index
      %get3A_1141 = arith.constant 16 : index
      %get3A_1142 = tpu.vector_load %arg6[%get3A_1140, %get3A_1141] {strides = array<i32>} : memref<1600x64xf32, #tpu.memory_space<vmem>>, vector<1x16xf32>,
      %get3A_1143 = vector.shape_cast %get3A_1142 : vector<1x16xf32> to vector<16xf32>
      %add3A_1144 = arith.addf %add3A_1137, %get3A_1143 : vector<16xf32>
      %add3A_1145 = arith.constant 21 : i32
      %add3A_1146 = arith.addi %mul3A_650, %add3A_1145 : i32
      %get3A_1147 = arith.index_cast %add3A_1146 : i32 to index
      %get3A_1148 = arith.constant 16 : index
      %get3A_1149 = tpu.vector_load %arg6[%get3A_1147, %get3A_1148] {strides = array<i32>} : memref<1600x64xf32, #tpu.memory_space<vmem>>, vector<1x16xf32>,
      %get3A_1150 = vector.shape_cast %get3A_1149 : vector<1x16xf32> to vector<16xf32>
      %add3A_1151 = arith.addf %add3A_1144, %get3A_1150 : vector<16xf32>
      %add3A_1152 = arith.constant 22 : i32
      %add3A_1153 = arith.addi %mul3A_650, %add3A_1152 : i32
      %get3A_1154 = arith.index_cast %add3A_1153 : i32 to index
      %get3A_1155 = arith.constant 16 : index
      %get3A_1156 = tpu.vector_load %arg6[%get3A_1154, %get3A_1155] {strides = array<i32>} : memref<1600x64xf32, #tpu.memory_space<vmem>>, vector<1x16xf32>,
      %get3A_1157 = vector.shape_cast %get3A_1156 : vector<1x16xf32> to vector<16xf32>
      %add3A_1158 = arith.addf %add3A_1151, %get3A_1157 : vector<16xf32>
      %add3A_1159 = arith.constant 23 : i32
      %add3A_1160 = arith.addi %mul3A_650, %add3A_1159 : i32
      %get3A_1161 = arith.index_cast %add3A_1160 : i32 to index
      %get3A_1162 = arith.constant 16 : index
      %get3A_1163 = tpu.vector_load %arg6[%get3A_1161, %get3A_1162] {strides = array<i32>} : memref<1600x64xf32, #tpu.memory_space<vmem>>, vector<1x16xf32>,
      %get3A_1164 = vector.shape_cast %get3A_1163 : vector<1x16xf32> to vector<16xf32>
      %add3A_1165 = arith.addf %add3A_1158, %get3A_1164 : vector<16xf32>
      %add3A_1166 = arith.constant 24 : i32
      %add3A_1167 = arith.addi %mul3A_650, %add3A_1166 : i32
      %get3A_1168 = arith.index_cast %add3A_1167 : i32 to index
      %get3A_1169 = arith.constant 16 : index
      %get3A_1170 = tpu.vector_load %arg6[%get3A_1168, %get3A_1169] {strides = array<i32>} : memref<1600x64xf32, #tpu.memory_space<vmem>>, vector<1x16xf32>,
      %get3A_1171 = vector.shape_cast %get3A_1170 : vector<1x16xf32> to vector<16xf32>
      %add3A_1172 = arith.addf %add3A_1165, %get3A_1171 : vector<16xf32>
      %add3A_1173 = arith.constant 25 : i32
      %add3A_1174 = arith.addi %mul3A_650, %add3A_1173 : i32
      %get3A_1175 = arith.index_cast %add3A_1174 : i32 to index
      %get3A_1176 = arith.constant 16 : index
      %get3A_1177 = tpu.vector_load %arg6[%get3A_1175, %get3A_1176] {strides = array<i32>} : memref<1600x64xf32, #tpu.memory_space<vmem>>, vector<1x16xf32>,
      %get3A_1178 = vector.shape_cast %get3A_1177 : vector<1x16xf32> to vector<16xf32>
      %add3A_1179 = arith.addf %add3A_1172, %get3A_1178 : vector<16xf32>
      %add3A_1180 = arith.constant 26 : i32
      %add3A_1181 = arith.addi %mul3A_650, %add3A_1180 : i32
      %get3A_1182 = arith.index_cast %add3A_1181 : i32 to index
      %get3A_1183 = arith.constant 16 : index
      %get3A_1184 = tpu.vector_load %arg6[%get3A_1182, %get3A_1183] {strides = array<i32>} : memref<1600x64xf32, #tpu.memory_space<vmem>>, vector<1x16xf32>,
      %get3A_1185 = vector.shape_cast %get3A_1184 : vector<1x16xf32> to vector<16xf32>
      %add3A_1186 = arith.addf %add3A_1179, %get3A_1185 : vector<16xf32>
      %add3A_1187 = arith.constant 27 : i32
      %add3A_1188 = arith.addi %mul3A_650, %add3A_1187 : i32
      %get3A_1189 = arith.index_cast %add3A_1188 : i32 to index
      %get3A_1190 = arith.constant 16 : index
      %get3A_1191 = tpu.vector_load %arg6[%get3A_1189, %get3A_1190] {strides = array<i32>} : memref<1600x64xf32, #tpu.memory_space<vmem>>, vector<1x16xf32>,
      %get3A_1192 = vector.shape_cast %get3A_1191 : vector<1x16xf32> to vector<16xf32>
      %add3A_1193 = arith.addf %add3A_1186, %get3A_1192 : vector<16xf32>
      %add3A_1194 = arith.constant 28 : i32
      %add3A_1195 = arith.addi %mul3A_650, %add3A_1194 : i32
      %get3A_1196 = arith.index_cast %add3A_1195 : i32 to index
      %get3A_1197 = arith.constant 16 : index
      %get3A_1198 = tpu.vector_load %arg6[%get3A_1196, %get3A_1197] {strides = array<i32>} : memref<1600x64xf32, #tpu.memory_space<vmem>>, vector<1x16xf32>,
      %get3A_1199 = vector.shape_cast %get3A_1198 : vector<1x16xf32> to vector<16xf32>
      %add3A_1200 = arith.addf %add3A_1193, %get3A_1199 : vector<16xf32>
      %add3A_1201 = arith.constant 29 : i32
      %add3A_1202 = arith.addi %mul3A_650, %add3A_1201 : i32
      %get3A_1203 = arith.index_cast %add3A_1202 : i32 to index
      %get3A_1204 = arith.constant 16 : index
      %get3A_1205 = tpu.vector_load %arg6[%get3A_1203, %get3A_1204] {strides = array<i32>} : memref<1600x64xf32, #tpu.memory_space<vmem>>, vector<1x16xf32>,
      %get3A_1206 = vector.shape_cast %get3A_1205 : vector<1x16xf32> to vector<16xf32>
      %add3A_1207 = arith.addf %add3A_1200, %get3A_1206 : vector<16xf32>
      %add3A_1208 = arith.constant 30 : i32
      %add3A_1209 = arith.addi %mul3A_650, %add3A_1208 : i32
      %get3A_1210 = arith.index_cast %add3A_1209 : i32 to index
      %get3A_1211 = arith.constant 16 : index
      %get3A_1212 = tpu.vector_load %arg6[%get3A_1210, %get3A_1211] {strides = array<i32>} : memref<1600x64xf32, #tpu.memory_space<vmem>>, vector<1x16xf32>,
      %get3A_1213 = vector.shape_cast %get3A_1212 : vector<1x16xf32> to vector<16xf32>
      %add3A_1214 = arith.addf %add3A_1207, %get3A_1213 : vector<16xf32>
      %add3A_1215 = arith.constant 31 : i32
      %add3A_1216 = arith.addi %mul3A_650, %add3A_1215 : i32
      %get3A_1217 = arith.index_cast %add3A_1216 : i32 to index
      %get3A_1218 = arith.constant 16 : index
      %get3A_1219 = tpu.vector_load %arg6[%get3A_1217, %get3A_1218] {strides = array<i32>} : memref<1600x64xf32, #tpu.memory_space<vmem>>, vector<1x16xf32>,
      %get3A_1220 = vector.shape_cast %get3A_1219 : vector<1x16xf32> to vector<16xf32>
      %add3A_1221 = arith.addf %add3A_1214, %get3A_1220 : vector<16xf32>
      %add3A_1222 = arith.constant 32 : i32
      %add3A_1223 = arith.addi %mul3A_650, %add3A_1222 : i32
      %get3A_1224 = arith.index_cast %add3A_1223 : i32 to index
      %get3A_1225 = arith.constant 16 : index
      %get3A_1226 = tpu.vector_load %arg6[%get3A_1224, %get3A_1225] {strides = array<i32>} : memref<1600x64xf32, #tpu.memory_space<vmem>>, vector<1x16xf32>,
      %get3A_1227 = vector.shape_cast %get3A_1226 : vector<1x16xf32> to vector<16xf32>
      %add3A_1228 = arith.addf %add3A_1221, %get3A_1227 : vector<16xf32>
      %add3A_1229 = arith.constant 33 : i32
      %add3A_1230 = arith.addi %mul3A_650, %add3A_1229 : i32
      %get3A_1231 = arith.index_cast %add3A_1230 : i32 to index
      %get3A_1232 = arith.constant 16 : index
      %get3A_1233 = tpu.vector_load %arg6[%get3A_1231, %get3A_1232] {strides = array<i32>} : memref<1600x64xf32, #tpu.memory_space<vmem>>, vector<1x16xf32>,
      %get3A_1234 = vector.shape_cast %get3A_1233 : vector<1x16xf32> to vector<16xf32>
      %add3A_1235 = arith.addf %add3A_1228, %get3A_1234 : vector<16xf32>
      %add3A_1236 = arith.constant 34 : i32
      %add3A_1237 = arith.addi %mul3A_650, %add3A_1236 : i32
      %get3A_1238 = arith.index_cast %add3A_1237 : i32 to index
      %get3A_1239 = arith.constant 16 : index
      %get3A_1240 = tpu.vector_load %arg6[%get3A_1238, %get3A_1239] {strides = array<i32>} : memref<1600x64xf32, #tpu.memory_space<vmem>>, vector<1x16xf32>,
      %get3A_1241 = vector.shape_cast %get3A_1240 : vector<1x16xf32> to vector<16xf32>
      %add3A_1242 = arith.addf %add3A_1235, %get3A_1241 : vector<16xf32>
      %add3A_1243 = arith.constant 35 : i32
      %add3A_1244 = arith.addi %mul3A_650, %add3A_1243 : i32
      %get3A_1245 = arith.index_cast %add3A_1244 : i32 to index
      %get3A_1246 = arith.constant 16 : index
      %get3A_1247 = tpu.vector_load %arg6[%get3A_1245, %get3A_1246] {strides = array<i32>} : memref<1600x64xf32, #tpu.memory_space<vmem>>, vector<1x16xf32>,
      %get3A_1248 = vector.shape_cast %get3A_1247 : vector<1x16xf32> to vector<16xf32>
      %add3A_1249 = arith.addf %add3A_1242, %get3A_1248 : vector<16xf32>
      %add3A_1250 = arith.constant 36 : i32
      %add3A_1251 = arith.addi %mul3A_650, %add3A_1250 : i32
      %get3A_1252 = arith.index_cast %add3A_1251 : i32 to index
      %get3A_1253 = arith.constant 16 : index
      %get3A_1254 = tpu.vector_load %arg6[%get3A_1252, %get3A_1253] {strides = array<i32>} : memref<1600x64xf32, #tpu.memory_space<vmem>>, vector<1x16xf32>,
      %get3A_1255 = vector.shape_cast %get3A_1254 : vector<1x16xf32> to vector<16xf32>
      %add3A_1256 = arith.addf %add3A_1249, %get3A_1255 : vector<16xf32>
      %add3A_1257 = arith.constant 37 : i32
      %add3A_1258 = arith.addi %mul3A_650, %add3A_1257 : i32
      %get3A_1259 = arith.index_cast %add3A_1258 : i32 to index
      %get3A_1260 = arith.constant 16 : index
      %get3A_1261 = tpu.vector_load %arg6[%get3A_1259, %get3A_1260] {strides = array<i32>} : memref<1600x64xf32, #tpu.memory_space<vmem>>, vector<1x16xf32>,
      %get3A_1262 = vector.shape_cast %get3A_1261 : vector<1x16xf32> to vector<16xf32>
      %add3A_1263 = arith.addf %add3A_1256, %get3A_1262 : vector<16xf32>
      %add3A_1264 = arith.constant 38 : i32
      %add3A_1265 = arith.addi %mul3A_650, %add3A_1264 : i32
      %get3A_1266 = arith.index_cast %add3A_1265 : i32 to index
      %get3A_1267 = arith.constant 16 : index
      %get3A_1268 = tpu.vector_load %arg6[%get3A_1266, %get3A_1267] {strides = array<i32>} : memref<1600x64xf32, #tpu.memory_space<vmem>>, vector<1x16xf32>,
      %get3A_1269 = vector.shape_cast %get3A_1268 : vector<1x16xf32> to vector<16xf32>
      %add3A_1270 = arith.addf %add3A_1263, %get3A_1269 : vector<16xf32>
      %add3A_1271 = arith.constant 39 : i32
      %add3A_1272 = arith.addi %mul3A_650, %add3A_1271 : i32
      %get3A_1273 = arith.index_cast %add3A_1272 : i32 to index
      %get3A_1274 = arith.constant 16 : index
      %get3A_1275 = tpu.vector_load %arg6[%get3A_1273, %get3A_1274] {strides = array<i32>} : memref<1600x64xf32, #tpu.memory_space<vmem>>, vector<1x16xf32>,
      %get3A_1276 = vector.shape_cast %get3A_1275 : vector<1x16xf32> to vector<16xf32>
      %add3A_1277 = arith.addf %add3A_1270, %get3A_1276 : vector<16xf32>
      %add3A_1278 = arith.constant 40 : i32
      %add3A_1279 = arith.addi %mul3A_650, %add3A_1278 : i32
      %get3A_1280 = arith.index_cast %add3A_1279 : i32 to index
      %get3A_1281 = arith.constant 16 : index
      %get3A_1282 = tpu.vector_load %arg6[%get3A_1280, %get3A_1281] {strides = array<i32>} : memref<1600x64xf32, #tpu.memory_space<vmem>>, vector<1x16xf32>,
      %get3A_1283 = vector.shape_cast %get3A_1282 : vector<1x16xf32> to vector<16xf32>
      %add3A_1284 = arith.addf %add3A_1277, %get3A_1283 : vector<16xf32>
      %add3A_1285 = arith.constant 41 : i32
      %add3A_1286 = arith.addi %mul3A_650, %add3A_1285 : i32
      %get3A_1287 = arith.index_cast %add3A_1286 : i32 to index
      %get3A_1288 = arith.constant 16 : index
      %get3A_1289 = tpu.vector_load %arg6[%get3A_1287, %get3A_1288] {strides = array<i32>} : memref<1600x64xf32, #tpu.memory_space<vmem>>, vector<1x16xf32>,
      %get3A_1290 = vector.shape_cast %get3A_1289 : vector<1x16xf32> to vector<16xf32>
      %add3A_1291 = arith.addf %add3A_1284, %get3A_1290 : vector<16xf32>
      %add3A_1292 = arith.constant 42 : i32
      %add3A_1293 = arith.addi %mul3A_650, %add3A_1292 : i32
      %get3A_1294 = arith.index_cast %add3A_1293 : i32 to index
      %get3A_1295 = arith.constant 16 : index
      %get3A_1296 = tpu.vector_load %arg6[%get3A_1294, %get3A_1295] {strides = array<i32>} : memref<1600x64xf32, #tpu.memory_space<vmem>>, vector<1x16xf32>,
      %get3A_1297 = vector.shape_cast %get3A_1296 : vector<1x16xf32> to vector<16xf32>
      %add3A_1298 = arith.addf %add3A_1291, %get3A_1297 : vector<16xf32>
      %add3A_1299 = arith.constant 43 : i32
      %add3A_1300 = arith.addi %mul3A_650, %add3A_1299 : i32
      %get3A_1301 = arith.index_cast %add3A_1300 : i32 to index
      %get3A_1302 = arith.constant 16 : index
      %get3A_1303 = tpu.vector_load %arg6[%get3A_1301, %get3A_1302] {strides = array<i32>} : memref<1600x64xf32, #tpu.memory_space<vmem>>, vector<1x16xf32>,
      %get3A_1304 = vector.shape_cast %get3A_1303 : vector<1x16xf32> to vector<16xf32>
      %add3A_1305 = arith.addf %add3A_1298, %get3A_1304 : vector<16xf32>
      %add3A_1306 = arith.constant 44 : i32
      %add3A_1307 = arith.addi %mul3A_650, %add3A_1306 : i32
      %get3A_1308 = arith.index_cast %add3A_1307 : i32 to index
      %get3A_1309 = arith.constant 16 : index
      %get3A_1310 = tpu.vector_load %arg6[%get3A_1308, %get3A_1309] {strides = array<i32>} : memref<1600x64xf32, #tpu.memory_space<vmem>>, vector<1x16xf32>,
      %get3A_1311 = vector.shape_cast %get3A_1310 : vector<1x16xf32> to vector<16xf32>
      %add3A_1312 = arith.addf %add3A_1305, %get3A_1311 : vector<16xf32>
      %add3A_1313 = arith.constant 45 : i32
      %add3A_1314 = arith.addi %mul3A_650, %add3A_1313 : i32
      %get3A_1315 = arith.index_cast %add3A_1314 : i32 to index
      %get3A_1316 = arith.constant 16 : index
      %get3A_1317 = tpu.vector_load %arg6[%get3A_1315, %get3A_1316] {strides = array<i32>} : memref<1600x64xf32, #tpu.memory_space<vmem>>, vector<1x16xf32>,
      %get3A_1318 = vector.shape_cast %get3A_1317 : vector<1x16xf32> to vector<16xf32>
      %add3A_1319 = arith.addf %add3A_1312, %get3A_1318 : vector<16xf32>
      %add3A_1320 = arith.constant 46 : i32
      %add3A_1321 = arith.addi %mul3A_650, %add3A_1320 : i32
      %get3A_1322 = arith.index_cast %add3A_1321 : i32 to index
      %get3A_1323 = arith.constant 16 : index
      %get3A_1324 = tpu.vector_load %arg6[%get3A_1322, %get3A_1323] {strides = array<i32>} : memref<1600x64xf32, #tpu.memory_space<vmem>>, vector<1x16xf32>,
      %get3A_1325 = vector.shape_cast %get3A_1324 : vector<1x16xf32> to vector<16xf32>
      %add3A_1326 = arith.addf %add3A_1319, %get3A_1325 : vector<16xf32>
      %add3A_1327 = arith.constant 47 : i32
      %add3A_1328 = arith.addi %mul3A_650, %add3A_1327 : i32
      %get3A_1329 = arith.index_cast %add3A_1328 : i32 to index
      %get3A_1330 = arith.constant 16 : index
      %get3A_1331 = tpu.vector_load %arg6[%get3A_1329, %get3A_1330] {strides = array<i32>} : memref<1600x64xf32, #tpu.memory_space<vmem>>, vector<1x16xf32>,
      %get3A_1332 = vector.shape_cast %get3A_1331 : vector<1x16xf32> to vector<16xf32>
      %add3A_1333 = arith.addf %add3A_1326, %get3A_1332 : vector<16xf32>
      %add3A_1334 = arith.constant 48 : i32
      %add3A_1335 = arith.addi %mul3A_650, %add3A_1334 : i32
      %get3A_1336 = arith.index_cast %add3A_1335 : i32 to index
      %get3A_1337 = arith.constant 16 : index
      %get3A_1338 = tpu.vector_load %arg6[%get3A_1336, %get3A_1337] {strides = array<i32>} : memref<1600x64xf32, #tpu.memory_space<vmem>>, vector<1x16xf32>,
      %get3A_1339 = vector.shape_cast %get3A_1338 : vector<1x16xf32> to vector<16xf32>
      %add3A_1340 = arith.addf %add3A_1333, %get3A_1339 : vector<16xf32>
      %add3A_1341 = arith.constant 49 : i32
      %add3A_1342 = arith.addi %mul3A_650, %add3A_1341 : i32
      %get3A_1343 = arith.index_cast %add3A_1342 : i32 to index
      %get3A_1344 = arith.constant 16 : index
      %get3A_1345 = tpu.vector_load %arg6[%get3A_1343, %get3A_1344] {strides = array<i32>} : memref<1600x64xf32, #tpu.memory_space<vmem>>, vector<1x16xf32>,
      %get3A_1346 = vector.shape_cast %get3A_1345 : vector<1x16xf32> to vector<16xf32>
      %add3A_1347 = arith.addf %add3A_1340, %get3A_1346 : vector<16xf32>
      %swap3A_1348 = arith.index_cast %scan3A_648 : i32 to index
      %swap3A_1349 = arith.constant 16 : index
      %swap3A_1350 = tpu.vector_load %arg7[%swap3A_1348, %swap3A_1349] {strides = array<i32>} : memref<32x64xf32, #tpu.memory_space<vmem>>, vector<1x16xf32>,
      %swap3A_1351 = vector.shape_cast %swap3A_1350 : vector<1x16xf32> to vector<16xf32>
      %swap3A_1352 = vector.shape_cast %add3A_1347 : vector<16xf32> to vector<1x16xf32>
      tpu.vector_store %arg7[%swap3A_1348, %swap3A_1349], %swap3A_1352 {strides = array<i32>} : memref<32x64xf32, #tpu.memory_space<vmem>>, vector<1x16xf32>,
      %get3A_1353 = arith.index_cast %mul3A_650 : i32 to index
      %get3A_1354 = arith.constant 32 : index
      %get3A_1355 = tpu.vector_load %arg6[%get3A_1353, %get3A_1354] {strides = array<i32>} : memref<1600x64xf32, #tpu.memory_space<vmem>>, vector<1x16xf32>,
      %get3A_1356 = vector.shape_cast %get3A_1355 : vector<1x16xf32> to vector<16xf32>
      %add3A_1357 = arith.constant 1 : i32
      %add3A_1358 = arith.addi %mul3A_650, %add3A_1357 : i32
      %get3A_1359 = arith.index_cast %add3A_1358 : i32 to index
      %get3A_1360 = arith.constant 32 : index
      %get3A_1361 = tpu.vector_load %arg6[%get3A_1359, %get3A_1360] {strides = array<i32>} : memref<1600x64xf32, #tpu.memory_space<vmem>>, vector<1x16xf32>,
      %get3A_1362 = vector.shape_cast %get3A_1361 : vector<1x16xf32> to vector<16xf32>
      %add3A_1363 = arith.addf %get3A_1356, %get3A_1362 : vector<16xf32>
      %add3A_1364 = arith.constant 2 : i32
      %add3A_1365 = arith.addi %mul3A_650, %add3A_1364 : i32
      %get3A_1366 = arith.index_cast %add3A_1365 : i32 to index
      %get3A_1367 = arith.constant 32 : index
      %get3A_1368 = tpu.vector_load %arg6[%get3A_1366, %get3A_1367] {strides = array<i32>} : memref<1600x64xf32, #tpu.memory_space<vmem>>, vector<1x16xf32>,
      %get3A_1369 = vector.shape_cast %get3A_1368 : vector<1x16xf32> to vector<16xf32>
      %add3A_1370 = arith.addf %add3A_1363, %get3A_1369 : vector<16xf32>
      %add3A_1371 = arith.constant 3 : i32
      %add3A_1372 = arith.addi %mul3A_650, %add3A_1371 : i32
      %get3A_1373 = arith.index_cast %add3A_1372 : i32 to index
      %get3A_1374 = arith.constant 32 : index
      %get3A_1375 = tpu.vector_load %arg6[%get3A_1373, %get3A_1374] {strides = array<i32>} : memref<1600x64xf32, #tpu.memory_space<vmem>>, vector<1x16xf32>,
      %get3A_1376 = vector.shape_cast %get3A_1375 : vector<1x16xf32> to vector<16xf32>
      %add3A_1377 = arith.addf %add3A_1370, %get3A_1376 : vector<16xf32>
      %add3A_1378 = arith.constant 4 : i32
      %add3A_1379 = arith.addi %mul3A_650, %add3A_1378 : i32
      %get3A_1380 = arith.index_cast %add3A_1379 : i32 to index
      %get3A_1381 = arith.constant 32 : index
      %get3A_1382 = tpu.vector_load %arg6[%get3A_1380, %get3A_1381] {strides = array<i32>} : memref<1600x64xf32, #tpu.memory_space<vmem>>, vector<1x16xf32>,
      %get3A_1383 = vector.shape_cast %get3A_1382 : vector<1x16xf32> to vector<16xf32>
      %add3A_1384 = arith.addf %add3A_1377, %get3A_1383 : vector<16xf32>
      %add3A_1385 = arith.constant 5 : i32
      %add3A_1386 = arith.addi %mul3A_650, %add3A_1385 : i32
      %get3A_1387 = arith.index_cast %add3A_1386 : i32 to index
      %get3A_1388 = arith.constant 32 : index
      %get3A_1389 = tpu.vector_load %arg6[%get3A_1387, %get3A_1388] {strides = array<i32>} : memref<1600x64xf32, #tpu.memory_space<vmem>>, vector<1x16xf32>,
      %get3A_1390 = vector.shape_cast %get3A_1389 : vector<1x16xf32> to vector<16xf32>
      %add3A_1391 = arith.addf %add3A_1384, %get3A_1390 : vector<16xf32>
      %add3A_1392 = arith.constant 6 : i32
      %add3A_1393 = arith.addi %mul3A_650, %add3A_1392 : i32
      %get3A_1394 = arith.index_cast %add3A_1393 : i32 to index
      %get3A_1395 = arith.constant 32 : index
      %get3A_1396 = tpu.vector_load %arg6[%get3A_1394, %get3A_1395] {strides = array<i32>} : memref<1600x64xf32, #tpu.memory_space<vmem>>, vector<1x16xf32>,
      %get3A_1397 = vector.shape_cast %get3A_1396 : vector<1x16xf32> to vector<16xf32>
      %add3A_1398 = arith.addf %add3A_1391, %get3A_1397 : vector<16xf32>
      %add3A_1399 = arith.constant 7 : i32
      %add3A_1400 = arith.addi %mul3A_650, %add3A_1399 : i32
      %get3A_1401 = arith.index_cast %add3A_1400 : i32 to index
      %get3A_1402 = arith.constant 32 : index
      %get3A_1403 = tpu.vector_load %arg6[%get3A_1401, %get3A_1402] {strides = array<i32>} : memref<1600x64xf32, #tpu.memory_space<vmem>>, vector<1x16xf32>,
      %get3A_1404 = vector.shape_cast %get3A_1403 : vector<1x16xf32> to vector<16xf32>
      %add3A_1405 = arith.addf %add3A_1398, %get3A_1404 : vector<16xf32>
      %add3A_1406 = arith.constant 8 : i32
      %add3A_1407 = arith.addi %mul3A_650, %add3A_1406 : i32
      %get3A_1408 = arith.index_cast %add3A_1407 : i32 to index
      %get3A_1409 = arith.constant 32 : index
      %get3A_1410 = tpu.vector_load %arg6[%get3A_1408, %get3A_1409] {strides = array<i32>} : memref<1600x64xf32, #tpu.memory_space<vmem>>, vector<1x16xf32>,
      %get3A_1411 = vector.shape_cast %get3A_1410 : vector<1x16xf32> to vector<16xf32>
      %add3A_1412 = arith.addf %add3A_1405, %get3A_1411 : vector<16xf32>
      %add3A_1413 = arith.constant 9 : i32
      %add3A_1414 = arith.addi %mul3A_650, %add3A_1413 : i32
      %get3A_1415 = arith.index_cast %add3A_1414 : i32 to index
      %get3A_1416 = arith.constant 32 : index
      %get3A_1417 = tpu.vector_load %arg6[%get3A_1415, %get3A_1416] {strides = array<i32>} : memref<1600x64xf32, #tpu.memory_space<vmem>>, vector<1x16xf32>,
      %get3A_1418 = vector.shape_cast %get3A_1417 : vector<1x16xf32> to vector<16xf32>
      %add3A_1419 = arith.addf %add3A_1412, %get3A_1418 : vector<16xf32>
      %add3A_1420 = arith.constant 10 : i32
      %add3A_1421 = arith.addi %mul3A_650, %add3A_1420 : i32
      %get3A_1422 = arith.index_cast %add3A_1421 : i32 to index
      %get3A_1423 = arith.constant 32 : index
      %get3A_1424 = tpu.vector_load %arg6[%get3A_1422, %get3A_1423] {strides = array<i32>} : memref<1600x64xf32, #tpu.memory_space<vmem>>, vector<1x16xf32>,
      %get3A_1425 = vector.shape_cast %get3A_1424 : vector<1x16xf32> to vector<16xf32>
      %add3A_1426 = arith.addf %add3A_1419, %get3A_1425 : vector<16xf32>
      %add3A_1427 = arith.constant 11 : i32
      %add3A_1428 = arith.addi %mul3A_650, %add3A_1427 : i32
      %get3A_1429 = arith.index_cast %add3A_1428 : i32 to index
      %get3A_1430 = arith.constant 32 : index
      %get3A_1431 = tpu.vector_load %arg6[%get3A_1429, %get3A_1430] {strides = array<i32>} : memref<1600x64xf32, #tpu.memory_space<vmem>>, vector<1x16xf32>,
      %get3A_1432 = vector.shape_cast %get3A_1431 : vector<1x16xf32> to vector<16xf32>
      %add3A_1433 = arith.addf %add3A_1426, %get3A_1432 : vector<16xf32>
      %add3A_1434 = arith.constant 12 : i32
      %add3A_1435 = arith.addi %mul3A_650, %add3A_1434 : i32
      %get3A_1436 = arith.index_cast %add3A_1435 : i32 to index
      %get3A_1437 = arith.constant 32 : index
      %get3A_1438 = tpu.vector_load %arg6[%get3A_1436, %get3A_1437] {strides = array<i32>} : memref<1600x64xf32, #tpu.memory_space<vmem>>, vector<1x16xf32>,
      %get3A_1439 = vector.shape_cast %get3A_1438 : vector<1x16xf32> to vector<16xf32>
      %add3A_1440 = arith.addf %add3A_1433, %get3A_1439 : vector<16xf32>
      %add3A_1441 = arith.constant 13 : i32
      %add3A_1442 = arith.addi %mul3A_650, %add3A_1441 : i32
      %get3A_1443 = arith.index_cast %add3A_1442 : i32 to index
      %get3A_1444 = arith.constant 32 : index
      %get3A_1445 = tpu.vector_load %arg6[%get3A_1443, %get3A_1444] {strides = array<i32>} : memref<1600x64xf32, #tpu.memory_space<vmem>>, vector<1x16xf32>,
      %get3A_1446 = vector.shape_cast %get3A_1445 : vector<1x16xf32> to vector<16xf32>
      %add3A_1447 = arith.addf %add3A_1440, %get3A_1446 : vector<16xf32>
      %add3A_1448 = arith.constant 14 : i32
      %add3A_1449 = arith.addi %mul3A_650, %add3A_1448 : i32
      %get3A_1450 = arith.index_cast %add3A_1449 : i32 to index
      %get3A_1451 = arith.constant 32 : index
      %get3A_1452 = tpu.vector_load %arg6[%get3A_1450, %get3A_1451] {strides = array<i32>} : memref<1600x64xf32, #tpu.memory_space<vmem>>, vector<1x16xf32>,
      %get3A_1453 = vector.shape_cast %get3A_1452 : vector<1x16xf32> to vector<16xf32>
      %add3A_1454 = arith.addf %add3A_1447, %get3A_1453 : vector<16xf32>
      %add3A_1455 = arith.constant 15 : i32
      %add3A_1456 = arith.addi %mul3A_650, %add3A_1455 : i32
      %get3A_1457 = arith.index_cast %add3A_1456 : i32 to index
      %get3A_1458 = arith.constant 32 : index
      %get3A_1459 = tpu.vector_load %arg6[%get3A_1457, %get3A_1458] {strides = array<i32>} : memref<1600x64xf32, #tpu.memory_space<vmem>>, vector<1x16xf32>,
      %get3A_1460 = vector.shape_cast %get3A_1459 : vector<1x16xf32> to vector<16xf32>
      %add3A_1461 = arith.addf %add3A_1454, %get3A_1460 : vector<16xf32>
      %add3A_1462 = arith.constant 16 : i32
      %add3A_1463 = arith.addi %mul3A_650, %add3A_1462 : i32
      %get3A_1464 = arith.index_cast %add3A_1463 : i32 to index
      %get3A_1465 = arith.constant 32 : index
      %get3A_1466 = tpu.vector_load %arg6[%get3A_1464, %get3A_1465] {strides = array<i32>} : memref<1600x64xf32, #tpu.memory_space<vmem>>, vector<1x16xf32>,
      %get3A_1467 = vector.shape_cast %get3A_1466 : vector<1x16xf32> to vector<16xf32>
      %add3A_1468 = arith.addf %add3A_1461, %get3A_1467 : vector<16xf32>
      %add3A_1469 = arith.constant 17 : i32
      %add3A_1470 = arith.addi %mul3A_650, %add3A_1469 : i32
      %get3A_1471 = arith.index_cast %add3A_1470 : i32 to index
      %get3A_1472 = arith.constant 32 : index
      %get3A_1473 = tpu.vector_load %arg6[%get3A_1471, %get3A_1472] {strides = array<i32>} : memref<1600x64xf32, #tpu.memory_space<vmem>>, vector<1x16xf32>,
      %get3A_1474 = vector.shape_cast %get3A_1473 : vector<1x16xf32> to vector<16xf32>
      %add3A_1475 = arith.addf %add3A_1468, %get3A_1474 : vector<16xf32>
      %add3A_1476 = arith.constant 18 : i32
      %add3A_1477 = arith.addi %mul3A_650, %add3A_1476 : i32
      %get3A_1478 = arith.index_cast %add3A_1477 : i32 to index
      %get3A_1479 = arith.constant 32 : index
      %get3A_1480 = tpu.vector_load %arg6[%get3A_1478, %get3A_1479] {strides = array<i32>} : memref<1600x64xf32, #tpu.memory_space<vmem>>, vector<1x16xf32>,
      %get3A_1481 = vector.shape_cast %get3A_1480 : vector<1x16xf32> to vector<16xf32>
      %add3A_1482 = arith.addf %add3A_1475, %get3A_1481 : vector<16xf32>
      %add3A_1483 = arith.constant 19 : i32
      %add3A_1484 = arith.addi %mul3A_650, %add3A_1483 : i32
      %get3A_1485 = arith.index_cast %add3A_1484 : i32 to index
      %get3A_1486 = arith.constant 32 : index
      %get3A_1487 = tpu.vector_load %arg6[%get3A_1485, %get3A_1486] {strides = array<i32>} : memref<1600x64xf32, #tpu.memory_space<vmem>>, vector<1x16xf32>,
      %get3A_1488 = vector.shape_cast %get3A_1487 : vector<1x16xf32> to vector<16xf32>
      %add3A_1489 = arith.addf %add3A_1482, %get3A_1488 : vector<16xf32>
      %add3A_1490 = arith.constant 20 : i32
      %add3A_1491 = arith.addi %mul3A_650, %add3A_1490 : i32
      %get3A_1492 = arith.index_cast %add3A_1491 : i32 to index
      %get3A_1493 = arith.constant 32 : index
      %get3A_1494 = tpu.vector_load %arg6[%get3A_1492, %get3A_1493] {strides = array<i32>} : memref<1600x64xf32, #tpu.memory_space<vmem>>, vector<1x16xf32>,
      %get3A_1495 = vector.shape_cast %get3A_1494 : vector<1x16xf32> to vector<16xf32>
      %add3A_1496 = arith.addf %add3A_1489, %get3A_1495 : vector<16xf32>
      %add3A_1497 = arith.constant 21 : i32
      %add3A_1498 = arith.addi %mul3A_650, %add3A_1497 : i32
      %get3A_1499 = arith.index_cast %add3A_1498 : i32 to index
      %get3A_1500 = arith.constant 32 : index
      %get3A_1501 = tpu.vector_load %arg6[%get3A_1499, %get3A_1500] {strides = array<i32>} : memref<1600x64xf32, #tpu.memory_space<vmem>>, vector<1x16xf32>,
      %get3A_1502 = vector.shape_cast %get3A_1501 : vector<1x16xf32> to vector<16xf32>
      %add3A_1503 = arith.addf %add3A_1496, %get3A_1502 : vector<16xf32>
      %add3A_1504 = arith.constant 22 : i32
      %add3A_1505 = arith.addi %mul3A_650, %add3A_1504 : i32
      %get3A_1506 = arith.index_cast %add3A_1505 : i32 to index
      %get3A_1507 = arith.constant 32 : index
      %get3A_1508 = tpu.vector_load %arg6[%get3A_1506, %get3A_1507] {strides = array<i32>} : memref<1600x64xf32, #tpu.memory_space<vmem>>, vector<1x16xf32>,
      %get3A_1509 = vector.shape_cast %get3A_1508 : vector<1x16xf32> to vector<16xf32>
      %add3A_1510 = arith.addf %add3A_1503, %get3A_1509 : vector<16xf32>
      %add3A_1511 = arith.constant 23 : i32
      %add3A_1512 = arith.addi %mul3A_650, %add3A_1511 : i32
      %get3A_1513 = arith.index_cast %add3A_1512 : i32 to index
      %get3A_1514 = arith.constant 32 : index
      %get3A_1515 = tpu.vector_load %arg6[%get3A_1513, %get3A_1514] {strides = array<i32>} : memref<1600x64xf32, #tpu.memory_space<vmem>>, vector<1x16xf32>,
      %get3A_1516 = vector.shape_cast %get3A_1515 : vector<1x16xf32> to vector<16xf32>
      %add3A_1517 = arith.addf %add3A_1510, %get3A_1516 : vector<16xf32>
      %add3A_1518 = arith.constant 24 : i32
      %add3A_1519 = arith.addi %mul3A_650, %add3A_1518 : i32
      %get3A_1520 = arith.index_cast %add3A_1519 : i32 to index
      %get3A_1521 = arith.constant 32 : index
      %get3A_1522 = tpu.vector_load %arg6[%get3A_1520, %get3A_1521] {strides = array<i32>} : memref<1600x64xf32, #tpu.memory_space<vmem>>, vector<1x16xf32>,
      %get3A_1523 = vector.shape_cast %get3A_1522 : vector<1x16xf32> to vector<16xf32>
      %add3A_1524 = arith.addf %add3A_1517, %get3A_1523 : vector<16xf32>
      %add3A_1525 = arith.constant 25 : i32
      %add3A_1526 = arith.addi %mul3A_650, %add3A_1525 : i32
      %get3A_1527 = arith.index_cast %add3A_1526 : i32 to index
      %get3A_1528 = arith.constant 32 : index
      %get3A_1529 = tpu.vector_load %arg6[%get3A_1527, %get3A_1528] {strides = array<i32>} : memref<1600x64xf32, #tpu.memory_space<vmem>>, vector<1x16xf32>,
      %get3A_1530 = vector.shape_cast %get3A_1529 : vector<1x16xf32> to vector<16xf32>
      %add3A_1531 = arith.addf %add3A_1524, %get3A_1530 : vector<16xf32>
      %add3A_1532 = arith.constant 26 : i32
      %add3A_1533 = arith.addi %mul3A_650, %add3A_1532 : i32
      %get3A_1534 = arith.index_cast %add3A_1533 : i32 to index
      %get3A_1535 = arith.constant 32 : index
      %get3A_1536 = tpu.vector_load %arg6[%get3A_1534, %get3A_1535] {strides = array<i32>} : memref<1600x64xf32, #tpu.memory_space<vmem>>, vector<1x16xf32>,
      %get3A_1537 = vector.shape_cast %get3A_1536 : vector<1x16xf32> to vector<16xf32>
      %add3A_1538 = arith.addf %add3A_1531, %get3A_1537 : vector<16xf32>
      %add3A_1539 = arith.constant 27 : i32
      %add3A_1540 = arith.addi %mul3A_650, %add3A_1539 : i32
      %get3A_1541 = arith.index_cast %add3A_1540 : i32 to index
      %get3A_1542 = arith.constant 32 : index
      %get3A_1543 = tpu.vector_load %arg6[%get3A_1541, %get3A_1542] {strides = array<i32>} : memref<1600x64xf32, #tpu.memory_space<vmem>>, vector<1x16xf32>,
      %get3A_1544 = vector.shape_cast %get3A_1543 : vector<1x16xf32> to vector<16xf32>
      %add3A_1545 = arith.addf %add3A_1538, %get3A_1544 : vector<16xf32>
      %add3A_1546 = arith.constant 28 : i32
      %add3A_1547 = arith.addi %mul3A_650, %add3A_1546 : i32
      %get3A_1548 = arith.index_cast %add3A_1547 : i32 to index
      %get3A_1549 = arith.constant 32 : index
      %get3A_1550 = tpu.vector_load %arg6[%get3A_1548, %get3A_1549] {strides = array<i32>} : memref<1600x64xf32, #tpu.memory_space<vmem>>, vector<1x16xf32>,
      %get3A_1551 = vector.shape_cast %get3A_1550 : vector<1x16xf32> to vector<16xf32>
      %add3A_1552 = arith.addf %add3A_1545, %get3A_1551 : vector<16xf32>
      %add3A_1553 = arith.constant 29 : i32
      %add3A_1554 = arith.addi %mul3A_650, %add3A_1553 : i32
      %get3A_1555 = arith.index_cast %add3A_1554 : i32 to index
      %get3A_1556 = arith.constant 32 : index
      %get3A_1557 = tpu.vector_load %arg6[%get3A_1555, %get3A_1556] {strides = array<i32>} : memref<1600x64xf32, #tpu.memory_space<vmem>>, vector<1x16xf32>,
      %get3A_1558 = vector.shape_cast %get3A_1557 : vector<1x16xf32> to vector<16xf32>
      %add3A_1559 = arith.addf %add3A_1552, %get3A_1558 : vector<16xf32>
      %add3A_1560 = arith.constant 30 : i32
      %add3A_1561 = arith.addi %mul3A_650, %add3A_1560 : i32
      %get3A_1562 = arith.index_cast %add3A_1561 : i32 to index
      %get3A_1563 = arith.constant 32 : index
      %get3A_1564 = tpu.vector_load %arg6[%get3A_1562, %get3A_1563] {strides = array<i32>} : memref<1600x64xf32, #tpu.memory_space<vmem>>, vector<1x16xf32>,
      %get3A_1565 = vector.shape_cast %get3A_1564 : vector<1x16xf32> to vector<16xf32>
      %add3A_1566 = arith.addf %add3A_1559, %get3A_1565 : vector<16xf32>
      %add3A_1567 = arith.constant 31 : i32
      %add3A_1568 = arith.addi %mul3A_650, %add3A_1567 : i32
      %get3A_1569 = arith.index_cast %add3A_1568 : i32 to index
      %get3A_1570 = arith.constant 32 : index
      %get3A_1571 = tpu.vector_load %arg6[%get3A_1569, %get3A_1570] {strides = array<i32>} : memref<1600x64xf32, #tpu.memory_space<vmem>>, vector<1x16xf32>,
      %get3A_1572 = vector.shape_cast %get3A_1571 : vector<1x16xf32> to vector<16xf32>
      %add3A_1573 = arith.addf %add3A_1566, %get3A_1572 : vector<16xf32>
      %add3A_1574 = arith.constant 32 : i32
      %add3A_1575 = arith.addi %mul3A_650, %add3A_1574 : i32
      %get3A_1576 = arith.index_cast %add3A_1575 : i32 to index
      %get3A_1577 = arith.constant 32 : index
      %get3A_1578 = tpu.vector_load %arg6[%get3A_1576, %get3A_1577] {strides = array<i32>} : memref<1600x64xf32, #tpu.memory_space<vmem>>, vector<1x16xf32>,
      %get3A_1579 = vector.shape_cast %get3A_1578 : vector<1x16xf32> to vector<16xf32>
      %add3A_1580 = arith.addf %add3A_1573, %get3A_1579 : vector<16xf32>
      %add3A_1581 = arith.constant 33 : i32
      %add3A_1582 = arith.addi %mul3A_650, %add3A_1581 : i32
      %get3A_1583 = arith.index_cast %add3A_1582 : i32 to index
      %get3A_1584 = arith.constant 32 : index
      %get3A_1585 = tpu.vector_load %arg6[%get3A_1583, %get3A_1584] {strides = array<i32>} : memref<1600x64xf32, #tpu.memory_space<vmem>>, vector<1x16xf32>,
      %get3A_1586 = vector.shape_cast %get3A_1585 : vector<1x16xf32> to vector<16xf32>
      %add3A_1587 = arith.addf %add3A_1580, %get3A_1586 : vector<16xf32>
      %add3A_1588 = arith.constant 34 : i32
      %add3A_1589 = arith.addi %mul3A_650, %add3A_1588 : i32
      %get3A_1590 = arith.index_cast %add3A_1589 : i32 to index
      %get3A_1591 = arith.constant 32 : index
      %get3A_1592 = tpu.vector_load %arg6[%get3A_1590, %get3A_1591] {strides = array<i32>} : memref<1600x64xf32, #tpu.memory_space<vmem>>, vector<1x16xf32>,
      %get3A_1593 = vector.shape_cast %get3A_1592 : vector<1x16xf32> to vector<16xf32>
      %add3A_1594 = arith.addf %add3A_1587, %get3A_1593 : vector<16xf32>
      %add3A_1595 = arith.constant 35 : i32
      %add3A_1596 = arith.addi %mul3A_650, %add3A_1595 : i32
      %get3A_1597 = arith.index_cast %add3A_1596 : i32 to index
      %get3A_1598 = arith.constant 32 : index
      %get3A_1599 = tpu.vector_load %arg6[%get3A_1597, %get3A_1598] {strides = array<i32>} : memref<1600x64xf32, #tpu.memory_space<vmem>>, vector<1x16xf32>,
      %get3A_1600 = vector.shape_cast %get3A_1599 : vector<1x16xf32> to vector<16xf32>
      %add3A_1601 = arith.addf %add3A_1594, %get3A_1600 : vector<16xf32>
      %add3A_1602 = arith.constant 36 : i32
      %add3A_1603 = arith.addi %mul3A_650, %add3A_1602 : i32
      %get3A_1604 = arith.index_cast %add3A_1603 : i32 to index
      %get3A_1605 = arith.constant 32 : index
      %get3A_1606 = tpu.vector_load %arg6[%get3A_1604, %get3A_1605] {strides = array<i32>} : memref<1600x64xf32, #tpu.memory_space<vmem>>, vector<1x16xf32>,
      %get3A_1607 = vector.shape_cast %get3A_1606 : vector<1x16xf32> to vector<16xf32>
      %add3A_1608 = arith.addf %add3A_1601, %get3A_1607 : vector<16xf32>
      %add3A_1609 = arith.constant 37 : i32
      %add3A_1610 = arith.addi %mul3A_650, %add3A_1609 : i32
      %get3A_1611 = arith.index_cast %add3A_1610 : i32 to index
      %get3A_1612 = arith.constant 32 : index
      %get3A_1613 = tpu.vector_load %arg6[%get3A_1611, %get3A_1612] {strides = array<i32>} : memref<1600x64xf32, #tpu.memory_space<vmem>>, vector<1x16xf32>,
      %get3A_1614 = vector.shape_cast %get3A_1613 : vector<1x16xf32> to vector<16xf32>
      %add3A_1615 = arith.addf %add3A_1608, %get3A_1614 : vector<16xf32>
      %add3A_1616 = arith.constant 38 : i32
      %add3A_1617 = arith.addi %mul3A_650, %add3A_1616 : i32
      %get3A_1618 = arith.index_cast %add3A_1617 : i32 to index
      %get3A_1619 = arith.constant 32 : index
      %get3A_1620 = tpu.vector_load %arg6[%get3A_1618, %get3A_1619] {strides = array<i32>} : memref<1600x64xf32, #tpu.memory_space<vmem>>, vector<1x16xf32>,
      %get3A_1621 = vector.shape_cast %get3A_1620 : vector<1x16xf32> to vector<16xf32>
      %add3A_1622 = arith.addf %add3A_1615, %get3A_1621 : vector<16xf32>
      %add3A_1623 = arith.constant 39 : i32
      %add3A_1624 = arith.addi %mul3A_650, %add3A_1623 : i32
      %get3A_1625 = arith.index_cast %add3A_1624 : i32 to index
      %get3A_1626 = arith.constant 32 : index
      %get3A_1627 = tpu.vector_load %arg6[%get3A_1625, %get3A_1626] {strides = array<i32>} : memref<1600x64xf32, #tpu.memory_space<vmem>>, vector<1x16xf32>,
      %get3A_1628 = vector.shape_cast %get3A_1627 : vector<1x16xf32> to vector<16xf32>
      %add3A_1629 = arith.addf %add3A_1622, %get3A_1628 : vector<16xf32>
      %add3A_1630 = arith.constant 40 : i32
      %add3A_1631 = arith.addi %mul3A_650, %add3A_1630 : i32
      %get3A_1632 = arith.index_cast %add3A_1631 : i32 to index
      %get3A_1633 = arith.constant 32 : index
      %get3A_1634 = tpu.vector_load %arg6[%get3A_1632, %get3A_1633] {strides = array<i32>} : memref<1600x64xf32, #tpu.memory_space<vmem>>, vector<1x16xf32>,
      %get3A_1635 = vector.shape_cast %get3A_1634 : vector<1x16xf32> to vector<16xf32>
      %add3A_1636 = arith.addf %add3A_1629, %get3A_1635 : vector<16xf32>
      %add3A_1637 = arith.constant 41 : i32
      %add3A_1638 = arith.addi %mul3A_650, %add3A_1637 : i32
      %get3A_1639 = arith.index_cast %add3A_1638 : i32 to index
      %get3A_1640 = arith.constant 32 : index
      %get3A_1641 = tpu.vector_load %arg6[%get3A_1639, %get3A_1640] {strides = array<i32>} : memref<1600x64xf32, #tpu.memory_space<vmem>>, vector<1x16xf32>,
      %get3A_1642 = vector.shape_cast %get3A_1641 : vector<1x16xf32> to vector<16xf32>
      %add3A_1643 = arith.addf %add3A_1636, %get3A_1642 : vector<16xf32>
      %add3A_1644 = arith.constant 42 : i32
      %add3A_1645 = arith.addi %mul3A_650, %add3A_1644 : i32
      %get3A_1646 = arith.index_cast %add3A_1645 : i32 to index
      %get3A_1647 = arith.constant 32 : index
      %get3A_1648 = tpu.vector_load %arg6[%get3A_1646, %get3A_1647] {strides = array<i32>} : memref<1600x64xf32, #tpu.memory_space<vmem>>, vector<1x16xf32>,
      %get3A_1649 = vector.shape_cast %get3A_1648 : vector<1x16xf32> to vector<16xf32>
      %add3A_1650 = arith.addf %add3A_1643, %get3A_1649 : vector<16xf32>
      %add3A_1651 = arith.constant 43 : i32
      %add3A_1652 = arith.addi %mul3A_650, %add3A_1651 : i32
      %get3A_1653 = arith.index_cast %add3A_1652 : i32 to index
      %get3A_1654 = arith.constant 32 : index
      %get3A_1655 = tpu.vector_load %arg6[%get3A_1653, %get3A_1654] {strides = array<i32>} : memref<1600x64xf32, #tpu.memory_space<vmem>>, vector<1x16xf32>,
      %get3A_1656 = vector.shape_cast %get3A_1655 : vector<1x16xf32> to vector<16xf32>
      %add3A_1657 = arith.addf %add3A_1650, %get3A_1656 : vector<16xf32>
      %add3A_1658 = arith.constant 44 : i32
      %add3A_1659 = arith.addi %mul3A_650, %add3A_1658 : i32
      %get3A_1660 = arith.index_cast %add3A_1659 : i32 to index
      %get3A_1661 = arith.constant 32 : index
      %get3A_1662 = tpu.vector_load %arg6[%get3A_1660, %get3A_1661] {strides = array<i32>} : memref<1600x64xf32, #tpu.memory_space<vmem>>, vector<1x16xf32>,
      %get3A_1663 = vector.shape_cast %get3A_1662 : vector<1x16xf32> to vector<16xf32>
      %add3A_1664 = arith.addf %add3A_1657, %get3A_1663 : vector<16xf32>
      %add3A_1665 = arith.constant 45 : i32
      %add3A_1666 = arith.addi %mul3A_650, %add3A_1665 : i32
      %get3A_1667 = arith.index_cast %add3A_1666 : i32 to index
      %get3A_1668 = arith.constant 32 : index
      %get3A_1669 = tpu.vector_load %arg6[%get3A_1667, %get3A_1668] {strides = array<i32>} : memref<1600x64xf32, #tpu.memory_space<vmem>>, vector<1x16xf32>,
      %get3A_1670 = vector.shape_cast %get3A_1669 : vector<1x16xf32> to vector<16xf32>
      %add3A_1671 = arith.addf %add3A_1664, %get3A_1670 : vector<16xf32>
      %add3A_1672 = arith.constant 46 : i32
      %add3A_1673 = arith.addi %mul3A_650, %add3A_1672 : i32
      %get3A_1674 = arith.index_cast %add3A_1673 : i32 to index
      %get3A_1675 = arith.constant 32 : index
      %get3A_1676 = tpu.vector_load %arg6[%get3A_1674, %get3A_1675] {strides = array<i32>} : memref<1600x64xf32, #tpu.memory_space<vmem>>, vector<1x16xf32>,
      %get3A_1677 = vector.shape_cast %get3A_1676 : vector<1x16xf32> to vector<16xf32>
      %add3A_1678 = arith.addf %add3A_1671, %get3A_1677 : vector<16xf32>
      %add3A_1679 = arith.constant 47 : i32
      %add3A_1680 = arith.addi %mul3A_650, %add3A_1679 : i32
      %get3A_1681 = arith.index_cast %add3A_1680 : i32 to index
      %get3A_1682 = arith.constant 32 : index
      %get3A_1683 = tpu.vector_load %arg6[%get3A_1681, %get3A_1682] {strides = array<i32>} : memref<1600x64xf32, #tpu.memory_space<vmem>>, vector<1x16xf32>,
      %get3A_1684 = vector.shape_cast %get3A_1683 : vector<1x16xf32> to vector<16xf32>
      %add3A_1685 = arith.addf %add3A_1678, %get3A_1684 : vector<16xf32>
      %add3A_1686 = arith.constant 48 : i32
      %add3A_1687 = arith.addi %mul3A_650, %add3A_1686 : i32
      %get3A_1688 = arith.index_cast %add3A_1687 : i32 to index
      %get3A_1689 = arith.constant 32 : index
      %get3A_1690 = tpu.vector_load %arg6[%get3A_1688, %get3A_1689] {strides = array<i32>} : memref<1600x64xf32, #tpu.memory_space<vmem>>, vector<1x16xf32>,
      %get3A_1691 = vector.shape_cast %get3A_1690 : vector<1x16xf32> to vector<16xf32>
      %add3A_1692 = arith.addf %add3A_1685, %get3A_1691 : vector<16xf32>
      %add3A_1693 = arith.constant 49 : i32
      %add3A_1694 = arith.addi %mul3A_650, %add3A_1693 : i32
      %get3A_1695 = arith.index_cast %add3A_1694 : i32 to index
      %get3A_1696 = arith.constant 32 : index
      %get3A_1697 = tpu.vector_load %arg6[%get3A_1695, %get3A_1696] {strides = array<i32>} : memref<1600x64xf32, #tpu.memory_space<vmem>>, vector<1x16xf32>,
      %get3A_1698 = vector.shape_cast %get3A_1697 : vector<1x16xf32> to vector<16xf32>
      %add3A_1699 = arith.addf %add3A_1692, %get3A_1698 : vector<16xf32>
      %swap3A_1700 = arith.index_cast %scan3A_648 : i32 to index
      %swap3A_1701 = arith.constant 32 : index
      %swap3A_1702 = tpu.vector_load %arg7[%swap3A_1700, %swap3A_1701] {strides = array<i32>} : memref<32x64xf32, #tpu.memory_space<vmem>>, vector<1x16xf32>,
      %swap3A_1703 = vector.shape_cast %swap3A_1702 : vector<1x16xf32> to vector<16xf32>
      %swap3A_1704 = vector.shape_cast %add3A_1699 : vector<16xf32> to vector<1x16xf32>
      tpu.vector_store %arg7[%swap3A_1700, %swap3A_1701], %swap3A_1704 {strides = array<i32>} : memref<32x64xf32, #tpu.memory_space<vmem>>, vector<1x16xf32>,
      %get3A_1705 = arith.index_cast %mul3A_650 : i32 to index
      %get3A_1706 = arith.constant 48 : index
      %get3A_1707 = tpu.vector_load %arg6[%get3A_1705, %get3A_1706] {strides = array<i32>} : memref<1600x64xf32, #tpu.memory_space<vmem>>, vector<1x16xf32>,
      %get3A_1708 = vector.shape_cast %get3A_1707 : vector<1x16xf32> to vector<16xf32>
      %add3A_1709 = arith.constant 1 : i32
      %add3A_1710 = arith.addi %mul3A_650, %add3A_1709 : i32
      %get3A_1711 = arith.index_cast %add3A_1710 : i32 to index
      %get3A_1712 = arith.constant 48 : index
      %get3A_1713 = tpu.vector_load %arg6[%get3A_1711, %get3A_1712] {strides = array<i32>} : memref<1600x64xf32, #tpu.memory_space<vmem>>, vector<1x16xf32>,
      %get3A_1714 = vector.shape_cast %get3A_1713 : vector<1x16xf32> to vector<16xf32>
      %add3A_1715 = arith.addf %get3A_1708, %get3A_1714 : vector<16xf32>
      %add3A_1716 = arith.constant 2 : i32
      %add3A_1717 = arith.addi %mul3A_650, %add3A_1716 : i32
      %get3A_1718 = arith.index_cast %add3A_1717 : i32 to index
      %get3A_1719 = arith.constant 48 : index
      %get3A_1720 = tpu.vector_load %arg6[%get3A_1718, %get3A_1719] {strides = array<i32>} : memref<1600x64xf32, #tpu.memory_space<vmem>>, vector<1x16xf32>,
      %get3A_1721 = vector.shape_cast %get3A_1720 : vector<1x16xf32> to vector<16xf32>
      %add3A_1722 = arith.addf %add3A_1715, %get3A_1721 : vector<16xf32>
      %add3A_1723 = arith.constant 3 : i32
      %add3A_1724 = arith.addi %mul3A_650, %add3A_1723 : i32
      %get3A_1725 = arith.index_cast %add3A_1724 : i32 to index
      %get3A_1726 = arith.constant 48 : index
      %get3A_1727 = tpu.vector_load %arg6[%get3A_1725, %get3A_1726] {strides = array<i32>} : memref<1600x64xf32, #tpu.memory_space<vmem>>, vector<1x16xf32>,
      %get3A_1728 = vector.shape_cast %get3A_1727 : vector<1x16xf32> to vector<16xf32>
      %add3A_1729 = arith.addf %add3A_1722, %get3A_1728 : vector<16xf32>
      %add3A_1730 = arith.constant 4 : i32
      %add3A_1731 = arith.addi %mul3A_650, %add3A_1730 : i32
      %get3A_1732 = arith.index_cast %add3A_1731 : i32 to index
      %get3A_1733 = arith.constant 48 : index
      %get3A_1734 = tpu.vector_load %arg6[%get3A_1732, %get3A_1733] {strides = array<i32>} : memref<1600x64xf32, #tpu.memory_space<vmem>>, vector<1x16xf32>,
      %get3A_1735 = vector.shape_cast %get3A_1734 : vector<1x16xf32> to vector<16xf32>
      %add3A_1736 = arith.addf %add3A_1729, %get3A_1735 : vector<16xf32>
      %add3A_1737 = arith.constant 5 : i32
      %add3A_1738 = arith.addi %mul3A_650, %add3A_1737 : i32
      %get3A_1739 = arith.index_cast %add3A_1738 : i32 to index
      %get3A_1740 = arith.constant 48 : index
      %get3A_1741 = tpu.vector_load %arg6[%get3A_1739, %get3A_1740] {strides = array<i32>} : memref<1600x64xf32, #tpu.memory_space<vmem>>, vector<1x16xf32>,
      %get3A_1742 = vector.shape_cast %get3A_1741 : vector<1x16xf32> to vector<16xf32>
      %add3A_1743 = arith.addf %add3A_1736, %get3A_1742 : vector<16xf32>
      %add3A_1744 = arith.constant 6 : i32
      %add3A_1745 = arith.addi %mul3A_650, %add3A_1744 : i32
      %get3A_1746 = arith.index_cast %add3A_1745 : i32 to index
      %get3A_1747 = arith.constant 48 : index
      %get3A_1748 = tpu.vector_load %arg6[%get3A_1746, %get3A_1747] {strides = array<i32>} : memref<1600x64xf32, #tpu.memory_space<vmem>>, vector<1x16xf32>,
      %get3A_1749 = vector.shape_cast %get3A_1748 : vector<1x16xf32> to vector<16xf32>
      %add3A_1750 = arith.addf %add3A_1743, %get3A_1749 : vector<16xf32>
      %add3A_1751 = arith.constant 7 : i32
      %add3A_1752 = arith.addi %mul3A_650, %add3A_1751 : i32
      %get3A_1753 = arith.index_cast %add3A_1752 : i32 to index
      %get3A_1754 = arith.constant 48 : index
      %get3A_1755 = tpu.vector_load %arg6[%get3A_1753, %get3A_1754] {strides = array<i32>} : memref<1600x64xf32, #tpu.memory_space<vmem>>, vector<1x16xf32>,
      %get3A_1756 = vector.shape_cast %get3A_1755 : vector<1x16xf32> to vector<16xf32>
      %add3A_1757 = arith.addf %add3A_1750, %get3A_1756 : vector<16xf32>
      %add3A_1758 = arith.constant 8 : i32
      %add3A_1759 = arith.addi %mul3A_650, %add3A_1758 : i32
      %get3A_1760 = arith.index_cast %add3A_1759 : i32 to index
      %get3A_1761 = arith.constant 48 : index
      %get3A_1762 = tpu.vector_load %arg6[%get3A_1760, %get3A_1761] {strides = array<i32>} : memref<1600x64xf32, #tpu.memory_space<vmem>>, vector<1x16xf32>,
      %get3A_1763 = vector.shape_cast %get3A_1762 : vector<1x16xf32> to vector<16xf32>
      %add3A_1764 = arith.addf %add3A_1757, %get3A_1763 : vector<16xf32>
      %add3A_1765 = arith.constant 9 : i32
      %add3A_1766 = arith.addi %mul3A_650, %add3A_1765 : i32
      %get3A_1767 = arith.index_cast %add3A_1766 : i32 to index
      %get3A_1768 = arith.constant 48 : index
      %get3A_1769 = tpu.vector_load %arg6[%get3A_1767, %get3A_1768] {strides = array<i32>} : memref<1600x64xf32, #tpu.memory_space<vmem>>, vector<1x16xf32>,
      %get3A_1770 = vector.shape_cast %get3A_1769 : vector<1x16xf32> to vector<16xf32>
      %add3A_1771 = arith.addf %add3A_1764, %get3A_1770 : vector<16xf32>
      %add3A_1772 = arith.constant 10 : i32
      %add3A_1773 = arith.addi %mul3A_650, %add3A_1772 : i32
      %get3A_1774 = arith.index_cast %add3A_1773 : i32 to index
      %get3A_1775 = arith.constant 48 : index
      %get3A_1776 = tpu.vector_load %arg6[%get3A_1774, %get3A_1775] {strides = array<i32>} : memref<1600x64xf32, #tpu.memory_space<vmem>>, vector<1x16xf32>,
      %get3A_1777 = vector.shape_cast %get3A_1776 : vector<1x16xf32> to vector<16xf32>
      %add3A_1778 = arith.addf %add3A_1771, %get3A_1777 : vector<16xf32>
      %add3A_1779 = arith.constant 11 : i32
      %add3A_1780 = arith.addi %mul3A_650, %add3A_1779 : i32
      %get3A_1781 = arith.index_cast %add3A_1780 : i32 to index
      %get3A_1782 = arith.constant 48 : index
      %get3A_1783 = tpu.vector_load %arg6[%get3A_1781, %get3A_1782] {strides = array<i32>} : memref<1600x64xf32, #tpu.memory_space<vmem>>, vector<1x16xf32>,
      %get3A_1784 = vector.shape_cast %get3A_1783 : vector<1x16xf32> to vector<16xf32>
      %add3A_1785 = arith.addf %add3A_1778, %get3A_1784 : vector<16xf32>
      %add3A_1786 = arith.constant 12 : i32
      %add3A_1787 = arith.addi %mul3A_650, %add3A_1786 : i32
      %get3A_1788 = arith.index_cast %add3A_1787 : i32 to index
      %get3A_1789 = arith.constant 48 : index
      %get3A_1790 = tpu.vector_load %arg6[%get3A_1788, %get3A_1789] {strides = array<i32>} : memref<1600x64xf32, #tpu.memory_space<vmem>>, vector<1x16xf32>,
      %get3A_1791 = vector.shape_cast %get3A_1790 : vector<1x16xf32> to vector<16xf32>
      %add3A_1792 = arith.addf %add3A_1785, %get3A_1791 : vector<16xf32>
      %add3A_1793 = arith.constant 13 : i32
      %add3A_1794 = arith.addi %mul3A_650, %add3A_1793 : i32
      %get3A_1795 = arith.index_cast %add3A_1794 : i32 to index
      %get3A_1796 = arith.constant 48 : index
      %get3A_1797 = tpu.vector_load %arg6[%get3A_1795, %get3A_1796] {strides = array<i32>} : memref<1600x64xf32, #tpu.memory_space<vmem>>, vector<1x16xf32>,
      %get3A_1798 = vector.shape_cast %get3A_1797 : vector<1x16xf32> to vector<16xf32>
      %add3A_1799 = arith.addf %add3A_1792, %get3A_1798 : vector<16xf32>
      %add3A_1800 = arith.constant 14 : i32
      %add3A_1801 = arith.addi %mul3A_650, %add3A_1800 : i32
      %get3A_1802 = arith.index_cast %add3A_1801 : i32 to index
      %get3A_1803 = arith.constant 48 : index
      %get3A_1804 = tpu.vector_load %arg6[%get3A_1802, %get3A_1803] {strides = array<i32>} : memref<1600x64xf32, #tpu.memory_space<vmem>>, vector<1x16xf32>,
      %get3A_1805 = vector.shape_cast %get3A_1804 : vector<1x16xf32> to vector<16xf32>
      %add3A_1806 = arith.addf %add3A_1799, %get3A_1805 : vector<16xf32>
      %add3A_1807 = arith.constant 15 : i32
      %add3A_1808 = arith.addi %mul3A_650, %add3A_1807 : i32
      %get3A_1809 = arith.index_cast %add3A_1808 : i32 to index
      %get3A_1810 = arith.constant 48 : index
      %get3A_1811 = tpu.vector_load %arg6[%get3A_1809, %get3A_1810] {strides = array<i32>} : memref<1600x64xf32, #tpu.memory_space<vmem>>, vector<1x16xf32>,
      %get3A_1812 = vector.shape_cast %get3A_1811 : vector<1x16xf32> to vector<16xf32>
      %add3A_1813 = arith.addf %add3A_1806, %get3A_1812 : vector<16xf32>
      %add3A_1814 = arith.constant 16 : i32
      %add3A_1815 = arith.addi %mul3A_650, %add3A_1814 : i32
      %get3A_1816 = arith.index_cast %add3A_1815 : i32 to index
      %get3A_1817 = arith.constant 48 : index
      %get3A_1818 = tpu.vector_load %arg6[%get3A_1816, %get3A_1817] {strides = array<i32>} : memref<1600x64xf32, #tpu.memory_space<vmem>>, vector<1x16xf32>,
      %get3A_1819 = vector.shape_cast %get3A_1818 : vector<1x16xf32> to vector<16xf32>
      %add3A_1820 = arith.addf %add3A_1813, %get3A_1819 : vector<16xf32>
      %add3A_1821 = arith.constant 17 : i32
      %add3A_1822 = arith.addi %mul3A_650, %add3A_1821 : i32
      %get3A_1823 = arith.index_cast %add3A_1822 : i32 to index
      %get3A_1824 = arith.constant 48 : index
      %get3A_1825 = tpu.vector_load %arg6[%get3A_1823, %get3A_1824] {strides = array<i32>} : memref<1600x64xf32, #tpu.memory_space<vmem>>, vector<1x16xf32>,
      %get3A_1826 = vector.shape_cast %get3A_1825 : vector<1x16xf32> to vector<16xf32>
      %add3A_1827 = arith.addf %add3A_1820, %get3A_1826 : vector<16xf32>
      %add3A_1828 = arith.constant 18 : i32
      %add3A_1829 = arith.addi %mul3A_650, %add3A_1828 : i32
      %get3A_1830 = arith.index_cast %add3A_1829 : i32 to index
      %get3A_1831 = arith.constant 48 : index
      %get3A_1832 = tpu.vector_load %arg6[%get3A_1830, %get3A_1831] {strides = array<i32>} : memref<1600x64xf32, #tpu.memory_space<vmem>>, vector<1x16xf32>,
      %get3A_1833 = vector.shape_cast %get3A_1832 : vector<1x16xf32> to vector<16xf32>
      %add3A_1834 = arith.addf %add3A_1827, %get3A_1833 : vector<16xf32>
      %add3A_1835 = arith.constant 19 : i32
      %add3A_1836 = arith.addi %mul3A_650, %add3A_1835 : i32
      %get3A_1837 = arith.index_cast %add3A_1836 : i32 to index
      %get3A_1838 = arith.constant 48 : index
      %get3A_1839 = tpu.vector_load %arg6[%get3A_1837, %get3A_1838] {strides = array<i32>} : memref<1600x64xf32, #tpu.memory_space<vmem>>, vector<1x16xf32>,
      %get3A_1840 = vector.shape_cast %get3A_1839 : vector<1x16xf32> to vector<16xf32>
      %add3A_1841 = arith.addf %add3A_1834, %get3A_1840 : vector<16xf32>
      %add3A_1842 = arith.constant 20 : i32
      %add3A_1843 = arith.addi %mul3A_650, %add3A_1842 : i32
      %get3A_1844 = arith.index_cast %add3A_1843 : i32 to index
      %get3A_1845 = arith.constant 48 : index
      %get3A_1846 = tpu.vector_load %arg6[%get3A_1844, %get3A_1845] {strides = array<i32>} : memref<1600x64xf32, #tpu.memory_space<vmem>>, vector<1x16xf32>,
      %get3A_1847 = vector.shape_cast %get3A_1846 : vector<1x16xf32> to vector<16xf32>
      %add3A_1848 = arith.addf %add3A_1841, %get3A_1847 : vector<16xf32>
      %add3A_1849 = arith.constant 21 : i32
      %add3A_1850 = arith.addi %mul3A_650, %add3A_1849 : i32
      %get3A_1851 = arith.index_cast %add3A_1850 : i32 to index
      %get3A_1852 = arith.constant 48 : index
      %get3A_1853 = tpu.vector_load %arg6[%get3A_1851, %get3A_1852] {strides = array<i32>} : memref<1600x64xf32, #tpu.memory_space<vmem>>, vector<1x16xf32>,
      %get3A_1854 = vector.shape_cast %get3A_1853 : vector<1x16xf32> to vector<16xf32>
      %add3A_1855 = arith.addf %add3A_1848, %get3A_1854 : vector<16xf32>
      %add3A_1856 = arith.constant 22 : i32
      %add3A_1857 = arith.addi %mul3A_650, %add3A_1856 : i32
      %get3A_1858 = arith.index_cast %add3A_1857 : i32 to index
      %get3A_1859 = arith.constant 48 : index
      %get3A_1860 = tpu.vector_load %arg6[%get3A_1858, %get3A_1859] {strides = array<i32>} : memref<1600x64xf32, #tpu.memory_space<vmem>>, vector<1x16xf32>,
      %get3A_1861 = vector.shape_cast %get3A_1860 : vector<1x16xf32> to vector<16xf32>
      %add3A_1862 = arith.addf %add3A_1855, %get3A_1861 : vector<16xf32>
      %add3A_1863 = arith.constant 23 : i32
      %add3A_1864 = arith.addi %mul3A_650, %add3A_1863 : i32
      %get3A_1865 = arith.index_cast %add3A_1864 : i32 to index
      %get3A_1866 = arith.constant 48 : index
      %get3A_1867 = tpu.vector_load %arg6[%get3A_1865, %get3A_1866] {strides = array<i32>} : memref<1600x64xf32, #tpu.memory_space<vmem>>, vector<1x16xf32>,
      %get3A_1868 = vector.shape_cast %get3A_1867 : vector<1x16xf32> to vector<16xf32>
      %add3A_1869 = arith.addf %add3A_1862, %get3A_1868 : vector<16xf32>
      %add3A_1870 = arith.constant 24 : i32
      %add3A_1871 = arith.addi %mul3A_650, %add3A_1870 : i32
      %get3A_1872 = arith.index_cast %add3A_1871 : i32 to index
      %get3A_1873 = arith.constant 48 : index
      %get3A_1874 = tpu.vector_load %arg6[%get3A_1872, %get3A_1873] {strides = array<i32>} : memref<1600x64xf32, #tpu.memory_space<vmem>>, vector<1x16xf32>,
      %get3A_1875 = vector.shape_cast %get3A_1874 : vector<1x16xf32> to vector<16xf32>
      %add3A_1876 = arith.addf %add3A_1869, %get3A_1875 : vector<16xf32>
      %add3A_1877 = arith.constant 25 : i32
      %add3A_1878 = arith.addi %mul3A_650, %add3A_1877 : i32
      %get3A_1879 = arith.index_cast %add3A_1878 : i32 to index
      %get3A_1880 = arith.constant 48 : index
      %get3A_1881 = tpu.vector_load %arg6[%get3A_1879, %get3A_1880] {strides = array<i32>} : memref<1600x64xf32, #tpu.memory_space<vmem>>, vector<1x16xf32>,
      %get3A_1882 = vector.shape_cast %get3A_1881 : vector<1x16xf32> to vector<16xf32>
      %add3A_1883 = arith.addf %add3A_1876, %get3A_1882 : vector<16xf32>
      %add3A_1884 = arith.constant 26 : i32
      %add3A_1885 = arith.addi %mul3A_650, %add3A_1884 : i32
      %get3A_1886 = arith.index_cast %add3A_1885 : i32 to index
      %get3A_1887 = arith.constant 48 : index
      %get3A_1888 = tpu.vector_load %arg6[%get3A_1886, %get3A_1887] {strides = array<i32>} : memref<1600x64xf32, #tpu.memory_space<vmem>>, vector<1x16xf32>,
      %get3A_1889 = vector.shape_cast %get3A_1888 : vector<1x16xf32> to vector<16xf32>
      %add3A_1890 = arith.addf %add3A_1883, %get3A_1889 : vector<16xf32>
      %add3A_1891 = arith.constant 27 : i32
      %add3A_1892 = arith.addi %mul3A_650, %add3A_1891 : i32
      %get3A_1893 = arith.index_cast %add3A_1892 : i32 to index
      %get3A_1894 = arith.constant 48 : index
      %get3A_1895 = tpu.vector_load %arg6[%get3A_1893, %get3A_1894] {strides = array<i32>} : memref<1600x64xf32, #tpu.memory_space<vmem>>, vector<1x16xf32>,
      %get3A_1896 = vector.shape_cast %get3A_1895 : vector<1x16xf32> to vector<16xf32>
      %add3A_1897 = arith.addf %add3A_1890, %get3A_1896 : vector<16xf32>
      %add3A_1898 = arith.constant 28 : i32
      %add3A_1899 = arith.addi %mul3A_650, %add3A_1898 : i32
      %get3A_1900 = arith.index_cast %add3A_1899 : i32 to index
      %get3A_1901 = arith.constant 48 : index
      %get3A_1902 = tpu.vector_load %arg6[%get3A_1900, %get3A_1901] {strides = array<i32>} : memref<1600x64xf32, #tpu.memory_space<vmem>>, vector<1x16xf32>,
      %get3A_1903 = vector.shape_cast %get3A_1902 : vector<1x16xf32> to vector<16xf32>
      %add3A_1904 = arith.addf %add3A_1897, %get3A_1903 : vector<16xf32>
      %add3A_1905 = arith.constant 29 : i32
      %add3A_1906 = arith.addi %mul3A_650, %add3A_1905 : i32
      %get3A_1907 = arith.index_cast %add3A_1906 : i32 to index
      %get3A_1908 = arith.constant 48 : index
      %get3A_1909 = tpu.vector_load %arg6[%get3A_1907, %get3A_1908] {strides = array<i32>} : memref<1600x64xf32, #tpu.memory_space<vmem>>, vector<1x16xf32>,
      %get3A_1910 = vector.shape_cast %get3A_1909 : vector<1x16xf32> to vector<16xf32>
      %add3A_1911 = arith.addf %add3A_1904, %get3A_1910 : vector<16xf32>
      %add3A_1912 = arith.constant 30 : i32
      %add3A_1913 = arith.addi %mul3A_650, %add3A_1912 : i32
      %get3A_1914 = arith.index_cast %add3A_1913 : i32 to index
      %get3A_1915 = arith.constant 48 : index
      %get3A_1916 = tpu.vector_load %arg6[%get3A_1914, %get3A_1915] {strides = array<i32>} : memref<1600x64xf32, #tpu.memory_space<vmem>>, vector<1x16xf32>,
      %get3A_1917 = vector.shape_cast %get3A_1916 : vector<1x16xf32> to vector<16xf32>
      %add3A_1918 = arith.addf %add3A_1911, %get3A_1917 : vector<16xf32>
      %add3A_1919 = arith.constant 31 : i32
      %add3A_1920 = arith.addi %mul3A_650, %add3A_1919 : i32
      %get3A_1921 = arith.index_cast %add3A_1920 : i32 to index
      %get3A_1922 = arith.constant 48 : index
      %get3A_1923 = tpu.vector_load %arg6[%get3A_1921, %get3A_1922] {strides = array<i32>} : memref<1600x64xf32, #tpu.memory_space<vmem>>, vector<1x16xf32>,
      %get3A_1924 = vector.shape_cast %get3A_1923 : vector<1x16xf32> to vector<16xf32>
      %add3A_1925 = arith.addf %add3A_1918, %get3A_1924 : vector<16xf32>
      %add3A_1926 = arith.constant 32 : i32
      %add3A_1927 = arith.addi %mul3A_650, %add3A_1926 : i32
      %get3A_1928 = arith.index_cast %add3A_1927 : i32 to index
      %get3A_1929 = arith.constant 48 : index
      %get3A_1930 = tpu.vector_load %arg6[%get3A_1928, %get3A_1929] {strides = array<i32>} : memref<1600x64xf32, #tpu.memory_space<vmem>>, vector<1x16xf32>,
      %get3A_1931 = vector.shape_cast %get3A_1930 : vector<1x16xf32> to vector<16xf32>
      %add3A_1932 = arith.addf %add3A_1925, %get3A_1931 : vector<16xf32>
      %add3A_1933 = arith.constant 33 : i32
      %add3A_1934 = arith.addi %mul3A_650, %add3A_1933 : i32
      %get3A_1935 = arith.index_cast %add3A_1934 : i32 to index
      %get3A_1936 = arith.constant 48 : index
      %get3A_1937 = tpu.vector_load %arg6[%get3A_1935, %get3A_1936] {strides = array<i32>} : memref<1600x64xf32, #tpu.memory_space<vmem>>, vector<1x16xf32>,
      %get3A_1938 = vector.shape_cast %get3A_1937 : vector<1x16xf32> to vector<16xf32>
      %add3A_1939 = arith.addf %add3A_1932, %get3A_1938 : vector<16xf32>
      %add3A_1940 = arith.constant 34 : i32
      %add3A_1941 = arith.addi %mul3A_650, %add3A_1940 : i32
      %get3A_1942 = arith.index_cast %add3A_1941 : i32 to index
      %get3A_1943 = arith.constant 48 : index
      %get3A_1944 = tpu.vector_load %arg6[%get3A_1942, %get3A_1943] {strides = array<i32>} : memref<1600x64xf32, #tpu.memory_space<vmem>>, vector<1x16xf32>,
      %get3A_1945 = vector.shape_cast %get3A_1944 : vector<1x16xf32> to vector<16xf32>
      %add3A_1946 = arith.addf %add3A_1939, %get3A_1945 : vector<16xf32>
      %add3A_1947 = arith.constant 35 : i32
      %add3A_1948 = arith.addi %mul3A_650, %add3A_1947 : i32
      %get3A_1949 = arith.index_cast %add3A_1948 : i32 to index
      %get3A_1950 = arith.constant 48 : index
      %get3A_1951 = tpu.vector_load %arg6[%get3A_1949, %get3A_1950] {strides = array<i32>} : memref<1600x64xf32, #tpu.memory_space<vmem>>, vector<1x16xf32>,
      %get3A_1952 = vector.shape_cast %get3A_1951 : vector<1x16xf32> to vector<16xf32>
      %add3A_1953 = arith.addf %add3A_1946, %get3A_1952 : vector<16xf32>
      %add3A_1954 = arith.constant 36 : i32
      %add3A_1955 = arith.addi %mul3A_650, %add3A_1954 : i32
      %get3A_1956 = arith.index_cast %add3A_1955 : i32 to index
      %get3A_1957 = arith.constant 48 : index
      %get3A_1958 = tpu.vector_load %arg6[%get3A_1956, %get3A_1957] {strides = array<i32>} : memref<1600x64xf32, #tpu.memory_space<vmem>>, vector<1x16xf32>,
      %get3A_1959 = vector.shape_cast %get3A_1958 : vector<1x16xf32> to vector<16xf32>
      %add3A_1960 = arith.addf %add3A_1953, %get3A_1959 : vector<16xf32>
      %add3A_1961 = arith.constant 37 : i32
      %add3A_1962 = arith.addi %mul3A_650, %add3A_1961 : i32
      %get3A_1963 = arith.index_cast %add3A_1962 : i32 to index
      %get3A_1964 = arith.constant 48 : index
      %get3A_1965 = tpu.vector_load %arg6[%get3A_1963, %get3A_1964] {strides = array<i32>} : memref<1600x64xf32, #tpu.memory_space<vmem>>, vector<1x16xf32>,
      %get3A_1966 = vector.shape_cast %get3A_1965 : vector<1x16xf32> to vector<16xf32>
      %add3A_1967 = arith.addf %add3A_1960, %get3A_1966 : vector<16xf32>
      %add3A_1968 = arith.constant 38 : i32
      %add3A_1969 = arith.addi %mul3A_650, %add3A_1968 : i32
      %get3A_1970 = arith.index_cast %add3A_1969 : i32 to index
      %get3A_1971 = arith.constant 48 : index
      %get3A_1972 = tpu.vector_load %arg6[%get3A_1970, %get3A_1971] {strides = array<i32>} : memref<1600x64xf32, #tpu.memory_space<vmem>>, vector<1x16xf32>,
      %get3A_1973 = vector.shape_cast %get3A_1972 : vector<1x16xf32> to vector<16xf32>
      %add3A_1974 = arith.addf %add3A_1967, %get3A_1973 : vector<16xf32>
      %add3A_1975 = arith.constant 39 : i32
      %add3A_1976 = arith.addi %mul3A_650, %add3A_1975 : i32
      %get3A_1977 = arith.index_cast %add3A_1976 : i32 to index
      %get3A_1978 = arith.constant 48 : index
      %get3A_1979 = tpu.vector_load %arg6[%get3A_1977, %get3A_1978] {strides = array<i32>} : memref<1600x64xf32, #tpu.memory_space<vmem>>, vector<1x16xf32>,
      %get3A_1980 = vector.shape_cast %get3A_1979 : vector<1x16xf32> to vector<16xf32>
      %add3A_1981 = arith.addf %add3A_1974, %get3A_1980 : vector<16xf32>
      %add3A_1982 = arith.constant 40 : i32
      %add3A_1983 = arith.addi %mul3A_650, %add3A_1982 : i32
      %get3A_1984 = arith.index_cast %add3A_1983 : i32 to index
      %get3A_1985 = arith.constant 48 : index
      %get3A_1986 = tpu.vector_load %arg6[%get3A_1984, %get3A_1985] {strides = array<i32>} : memref<1600x64xf32, #tpu.memory_space<vmem>>, vector<1x16xf32>,
      %get3A_1987 = vector.shape_cast %get3A_1986 : vector<1x16xf32> to vector<16xf32>
      %add3A_1988 = arith.addf %add3A_1981, %get3A_1987 : vector<16xf32>
      %add3A_1989 = arith.constant 41 : i32
      %add3A_1990 = arith.addi %mul3A_650, %add3A_1989 : i32
      %get3A_1991 = arith.index_cast %add3A_1990 : i32 to index
      %get3A_1992 = arith.constant 48 : index
      %get3A_1993 = tpu.vector_load %arg6[%get3A_1991, %get3A_1992] {strides = array<i32>} : memref<1600x64xf32, #tpu.memory_space<vmem>>, vector<1x16xf32>,
      %get3A_1994 = vector.shape_cast %get3A_1993 : vector<1x16xf32> to vector<16xf32>
      %add3A_1995 = arith.addf %add3A_1988, %get3A_1994 : vector<16xf32>
      %add3A_1996 = arith.constant 42 : i32
      %add3A_1997 = arith.addi %mul3A_650, %add3A_1996 : i32
      %get3A_1998 = arith.index_cast %add3A_1997 : i32 to index
      %get3A_1999 = arith.constant 48 : index
      %get3A_2000 = tpu.vector_load %arg6[%get3A_1998, %get3A_1999] {strides = array<i32>} : memref<1600x64xf32, #tpu.memory_space<vmem>>, vector<1x16xf32>,
      %get3A_2001 = vector.shape_cast %get3A_2000 : vector<1x16xf32> to vector<16xf32>
      %add3A_2002 = arith.addf %add3A_1995, %get3A_2001 : vector<16xf32>
      %add3A_2003 = arith.constant 43 : i32
      %add3A_2004 = arith.addi %mul3A_650, %add3A_2003 : i32
      %get3A_2005 = arith.index_cast %add3A_2004 : i32 to index
      %get3A_2006 = arith.constant 48 : index
      %get3A_2007 = tpu.vector_load %arg6[%get3A_2005, %get3A_2006] {strides = array<i32>} : memref<1600x64xf32, #tpu.memory_space<vmem>>, vector<1x16xf32>,
      %get3A_2008 = vector.shape_cast %get3A_2007 : vector<1x16xf32> to vector<16xf32>
      %add3A_2009 = arith.addf %add3A_2002, %get3A_2008 : vector<16xf32>
      %add3A_2010 = arith.constant 44 : i32
      %add3A_2011 = arith.addi %mul3A_650, %add3A_2010 : i32
      %get3A_2012 = arith.index_cast %add3A_2011 : i32 to index
      %get3A_2013 = arith.constant 48 : index
      %get3A_2014 = tpu.vector_load %arg6[%get3A_2012, %get3A_2013] {strides = array<i32>} : memref<1600x64xf32, #tpu.memory_space<vmem>>, vector<1x16xf32>,
      %get3A_2015 = vector.shape_cast %get3A_2014 : vector<1x16xf32> to vector<16xf32>
      %add3A_2016 = arith.addf %add3A_2009, %get3A_2015 : vector<16xf32>
      %add3A_2017 = arith.constant 45 : i32
      %add3A_2018 = arith.addi %mul3A_650, %add3A_2017 : i32
      %get3A_2019 = arith.index_cast %add3A_2018 : i32 to index
      %get3A_2020 = arith.constant 48 : index
      %get3A_2021 = tpu.vector_load %arg6[%get3A_2019, %get3A_2020] {strides = array<i32>} : memref<1600x64xf32, #tpu.memory_space<vmem>>, vector<1x16xf32>,
      %get3A_2022 = vector.shape_cast %get3A_2021 : vector<1x16xf32> to vector<16xf32>
      %add3A_2023 = arith.addf %add3A_2016, %get3A_2022 : vector<16xf32>
      %add3A_2024 = arith.constant 46 : i32
      %add3A_2025 = arith.addi %mul3A_650, %add3A_2024 : i32
      %get3A_2026 = arith.index_cast %add3A_2025 : i32 to index
      %get3A_2027 = arith.constant 48 : index
      %get3A_2028 = tpu.vector_load %arg6[%get3A_2026, %get3A_2027] {strides = array<i32>} : memref<1600x64xf32, #tpu.memory_space<vmem>>, vector<1x16xf32>,
      %get3A_2029 = vector.shape_cast %get3A_2028 : vector<1x16xf32> to vector<16xf32>
      %add3A_2030 = arith.addf %add3A_2023, %get3A_2029 : vector<16xf32>
      %add3A_2031 = arith.constant 47 : i32
      %add3A_2032 = arith.addi %mul3A_650, %add3A_2031 : i32
      %get3A_2033 = arith.index_cast %add3A_2032 : i32 to index
      %get3A_2034 = arith.constant 48 : index
      %get3A_2035 = tpu.vector_load %arg6[%get3A_2033, %get3A_2034] {strides = array<i32>} : memref<1600x64xf32, #tpu.memory_space<vmem>>, vector<1x16xf32>,
      %get3A_2036 = vector.shape_cast %get3A_2035 : vector<1x16xf32> to vector<16xf32>
      %add3A_2037 = arith.addf %add3A_2030, %get3A_2036 : vector<16xf32>
      %add3A_2038 = arith.constant 48 : i32
      %add3A_2039 = arith.addi %mul3A_650, %add3A_2038 : i32
      %get3A_2040 = arith.index_cast %add3A_2039 : i32 to index
      %get3A_2041 = arith.constant 48 : index
      %get3A_2042 = tpu.vector_load %arg6[%get3A_2040, %get3A_2041] {strides = array<i32>} : memref<1600x64xf32, #tpu.memory_space<vmem>>, vector<1x16xf32>,
      %get3A_2043 = vector.shape_cast %get3A_2042 : vector<1x16xf32> to vector<16xf32>
      %add3A_2044 = arith.addf %add3A_2037, %get3A_2043 : vector<16xf32>
      %add3A_2045 = arith.constant 49 : i32
      %add3A_2046 = arith.addi %mul3A_650, %add3A_2045 : i32
      %get3A_2047 = arith.index_cast %add3A_2046 : i32 to index
      %get3A_2048 = arith.constant 48 : index
      %get3A_2049 = tpu.vector_load %arg6[%get3A_2047, %get3A_2048] {strides = array<i32>} : memref<1600x64xf32, #tpu.memory_space<vmem>>, vector<1x16xf32>,
      %get3A_2050 = vector.shape_cast %get3A_2049 : vector<1x16xf32> to vector<16xf32>
      %add3A_2051 = arith.addf %add3A_2044, %get3A_2050 : vector<16xf32>
      %swap3A_2052 = arith.index_cast %scan3A_648 : i32 to index
      %swap3A_2053 = arith.constant 48 : index
      %swap3A_2054 = tpu.vector_load %arg7[%swap3A_2052, %swap3A_2053] {strides = array<i32>} : memref<32x64xf32, #tpu.memory_space<vmem>>, vector<1x16xf32>,
      %swap3A_2055 = vector.shape_cast %swap3A_2054 : vector<1x16xf32> to vector<16xf32>
      %swap3A_2056 = vector.shape_cast %add3A_2051 : vector<16xf32> to vector<1x16xf32>
      tpu.vector_store %arg7[%swap3A_2052, %swap3A_2053], %swap3A_2056 {strides = array<i32>} : memref<32x64xf32, #tpu.memory_space<vmem>>, vector<1x16xf32>,
    }
    %scan3A_645 = arith.constant 32 : i32
    %mul3A_646 = arith.constant 32 : i32
    %mul3A_647 = arith.muli %add3A, %mul3A_646 : i32
    "tpu.region"() ({
      %run_scoped3A = tpu.sem_alloc : memref<!tpu.dma_semaphore, #tpu.memory_space<semaphore_mem>>
      %dma_start3A_648 = arith.constant 0 : i32
      %dma_start3A_649 = tpu.memref_slice %arg4[%mul3A_647, %dma_start3A_648] : memref<1024x64xf32, #tpu.memory_space<hbm>> -> memref<32x64xf32, #tpu.memory_space<hbm>>
      %dma_start3A_650 = arith.constant 0 : i32
      %dma_start3A_651 = tpu.memref_slice %arg4[%mul3A_647, %dma_start3A_650] : memref<1024x64xf32, #tpu.memory_space<hbm>> -> memref<32x64xf32, #tpu.memory_space<hbm>>
      tpu.enqueue_dma source(%arg7 : memref<32x64xf32, #tpu.memory_space<vmem>>) target(%dma_start3A_651 : memref<32x64xf32, #tpu.memory_space<hbm>>) target_semaphore(%run_scoped3A : memref<!tpu.dma_semaphore, #tpu.memory_space<semaphore_mem>>)
      %dma_wait3A_652 = arith.constant 0 : i32
      %dma_wait3A_653 = tpu.memref_slice %arg4[%mul3A_647, %dma_wait3A_652] : memref<1024x64xf32, #tpu.memory_space<hbm>> -> memref<32x64xf32, #tpu.memory_space<hbm>>
      %dma_wait3A_654 = arith.constant 0 : i32
      %dma_wait3A_655 = tpu.memref_slice %arg4[%mul3A_647, %dma_wait3A_654] : memref<1024x64xf32, #tpu.memory_space<hbm>> -> memref<32x64xf32, #tpu.memory_space<hbm>>
      tpu.wait_dma2 semaphore(%run_scoped3A : memref<!tpu.dma_semaphore, #tpu.memory_space<semaphore_mem>>) src(%arg7 : memref<32x64xf32, #tpu.memory_space<vmem>>) dst(%dma_wait3A_655 : memref<32x64xf32, #tpu.memory_space<hbm>>)
      tpu.yield
    }) : () -> ()
    return
  }
}

module attributes {stable_mosaic.version = 14 : i64} {
  func.func @_mm_body(%arg0: i32, %arg1: memref<1024x1xf32, #tpu.memory_space<vmem>>, %arg2: memref<1024x64xf32, #tpu.memory_space<vmem>>, %arg3: memref<64x4096xf32, #tpu.memory_space<vmem>>, %arg4: memref<4096x1xf32, #tpu.memory_space<vmem>>, %arg5: memref<4096x1024xf32, #tpu.memory_space<vmem>>) attributes {dimension_semantics = [#tpu.dimension_semantics<arbitrary>], iteration_bounds = array<i64: 25>, scalar_prefetch = 0 : i64, scratch_operands = 0 : i64, tpu.core_type = #tpu.core_type<tc>, window_params = [{pipeline_mode = #tpu.pipeline_mode<synchronous>, transform_indices = @transform_0, window_bounds = array<i64: 1024, 1>}, {pipeline_mode = #tpu.pipeline_mode<synchronous>, transform_indices = @transform_1, window_bounds = array<i64: 1024, 64>}, {transform_indices = @transform_2, window_bounds = array<i64: 64, 4096>}, {transform_indices = @transform_3, window_bounds = array<i64: 4096, 1>}, {transform_indices = @transform_4, window_bounds = array<i64: 4096, 1024>}]} {
    %get3A = arith.constant 0 : index
    %get3A_0 = arith.constant 0 : index
    %get3A_1 = vector.load %arg2[%get3A, %get3A_0] : memref<1024x64xf32, #tpu.memory_space<vmem>>, vector<1024x64xf32>
    %get3A_2 = arith.constant 0 : index
    %get3A_3 = arith.constant 0 : index
    %get3A_4 = vector.load %arg1[%get3A_2, %get3A_3] : memref<1024x1xf32, #tpu.memory_space<vmem>>, vector<1024x1xf32>
    %div3A = vector.broadcast %get3A_4 : vector<1024x1xf32> to vector<1024x64xf32>
    %div3A_5 = arith.divf %get3A_1, %div3A : vector<1024x64xf32>
    %get3A_6 = arith.constant 0 : index
    %get3A_7 = arith.constant 0 : index
    %get3A_8 = vector.load %arg3[%get3A_6, %get3A_7] : memref<64x4096xf32, #tpu.memory_space<vmem>>, vector<64x4096xf32>
    %dot_general3A = arith.constant dense<0.000000e+00> : vector<4096x1024xf32>
    %dot_general3A_9 = tpu.matmul %get3A_8, %div3A_5, %dot_general3A {dimension_numbers = #tpu.dot_dimension_numbers<[0], [1], [1], [0], [0, 1, 1, 0], [], []>, transpose_lhs_hint = false} : vector<64x4096xf32>, vector<1024x64xf32>, vector<4096x1024xf32> -> vector<4096x1024xf32>
    %get3A_10 = arith.constant 0 : index
    %get3A_11 = arith.constant 0 : index
    %get3A_12 = vector.load %arg4[%get3A_10, %get3A_11] : memref<4096x1xf32, #tpu.memory_space<vmem>>, vector<4096x1xf32>
    %add3A = vector.broadcast %get3A_12 : vector<4096x1xf32> to vector<4096x1024xf32>
    %add3A_13 = arith.addf %dot_general3A_9, %add3A : vector<4096x1024xf32>
    %swap3A = arith.constant 0 : index
    %swap3A_14 = arith.constant 0 : index
    %swap3A_15 = vector.load %arg5[%swap3A, %swap3A_14] : memref<4096x1024xf32, #tpu.memory_space<vmem>>, vector<4096x1024xf32>
    tpu.vector_store %arg5[%swap3A, %swap3A_14], %add3A_13 {strides = array<i32>} : memref<4096x1024xf32, #tpu.memory_space<vmem>>, vector<4096x1024xf32>,
    return
  }
  func.func @transform_0(%arg0: i32) -> (i32, i32) {
    %c0_i32 = arith.constant 0 : i32
    %c0_i32_0 = arith.constant 0 : i32
    %c0_i32_1 = arith.constant 0 : i32
    return %c0_i32, %c0_i32_0 : i32, i32
  }
  func.func @transform_1(%arg0: i32) -> (i32, i32) {
    %c0_i32 = arith.constant 0 : i32
    %c0_i32_0 = arith.constant 0 : i32
    %c0_i32_1 = arith.constant 0 : i32
    return %c0_i32, %c0_i32_0 : i32, i32
  }
  func.func @transform_2(%arg0: i32) -> (i32, i32) {
    %c0_i32 = arith.constant 0 : i32
    %c0_i32_0 = arith.constant 0 : i32
    return %c0_i32, %arg0 : i32, i32
  }
  func.func @transform_3(%arg0: i32) -> (i32, i32) {
    %c0_i32 = arith.constant 0 : i32
    %c0_i32_0 = arith.constant 0 : i32
    return %arg0, %c0_i32 : i32, i32
  }
  func.func @transform_4(%arg0: i32) -> (i32, i32) {
    %c0_i32 = arith.constant 0 : i32
    %c0_i32_0 = arith.constant 0 : i32
    return %arg0, %c0_i32 : i32, i32
  }
}

</mosaic_0001>

<sc_bundles>
// kernel: kernel.4.cloned.1.call-start
scs
__scs_entry_jumppad:
0x0: {  	(pc) =	sbr.rel $0x88, $3  }
0x1: {  	(tag) =	ssettag $0x0;
	lr =	simm.s32 $0x1  }
0x2: {  	[smem:$0x3F9C] =	sst lr;
	_ =	strace $0xD0000000  }
0x3: {  	_ = 	snop  }
0x4: {  	_ = 	snop  }
0x5: {  	_ = 	snop  }
0x6: {  	_ = 	snop  }
0x7: {  	_ = 	snop  }
__scs_overlays_trampoline_lowered:
0x8: {  	[smem:$0x3FAB] =	sst s0  }
0x9: {  	[smem:$0x3FAC] =	sst s1  }
0xa: {  	[smem:$0x3FAD] =	sst s2  }
0xb: {  	[smem:$0x3FAE] =	sst s3  }
0xc: {  	[smem:$0x3FAF] =	sst s4  }
0xd: {  	[smem:$0x3FB0] =	sst s5  }
0xe: {  	[smem:$0x3FB1] =	sst s6  }
0xf: {  	[smem:$0x3FB2] =	sst s7  }
0x10: {  	[smem:$0x3FB3] =	sst s8  }
0x11: {  	[smem:$0x3FB4] =	sst s9;
	s0 =	simm.s32 @!p0 $0x0  }
0x12: {  	s1 =	sld [smem:$0x3F9A];
	s0 =	simm.s32 @p0 $0x1  }
0x13: {  	[smem:$0x3FB5] =	sst s0;
	s0 =	simm.s32 @!p1 $0x0  }
0x14: {  	s2 =	sld [smem:$0x3F99];
	s0 =	simm.s32 @p1 $0x1  }
0x15: {  	[smem:$0x3FB6] =	sst s0;
	s0 =	simm.s32 @!p2 $0x0  }
0x16: {  	s3 =	sld [smem:$0x3FDB];
	s0 =	simm.s32 @p2 $0x1  }
0x17: {  	s4 =	simm.s32 $0x1BF5;
	[smem:$0x3FB8] =	sst s0  }
0x18: {  	s0 =	sld [smem:$0x3F9B];
	_ =	swait.ge [sflag:s4], $0x0  }
0x19: {  	s7 =	sld [smem:$0x3F9C]  }
0x1a: {  	s8 =	sadd.s32 $0xFFFFE003, lr  }
0x1b: {  	s9 =	sadd.s32 $0xFFFFFEF7, lr;
	s5 =	simm.s32 $0xFFFFFFFF;
	p2 =	slt.u32 s8, $0xFFFFF086  }
0x1c: {  	p1 =	slt.u32 s9, $0xF7A;
	s5 =	simm.s32 @!p2 $0x0  }
0x1d: {  	s5 =	simm.s32 @p1 $0x1;
	p0 =	seq.s32 s7, s2  }
0x1e: {  	s7 =	smul.u32 @!p0 $0xF7A, s2;
	p2 =	seq.s32 @!p0 s5, $0x0  }
0x1f: {  	s9 =	smul.u32 $0xF7A, s1;
	s8 =	simm.s32 @!p0 $0x1BF5;
	p2 =	por !p2, p0  }
0x20: {  	[sflag:s8] =	ssyncset.s32 @!p0 $0xFFFFF086;
	s6 =	sadd.s32 @!p0 s3, s7;
	s7 =	simm.s32 @!p0 $0x108  }
0x21: {  	s3 =	sadd.s32 s3, s9;
	s6 =	sadd.s32 @!p0 $0x88, s6;
	s7 =	simm.s32 @p2 $0x1082  }
0x22: {  	[simem:s7], [sflag:s8] =	dma.local @!p0 [hbm:s6], $0xF7A  }
0x23: {  	s9 =	sor.u32 $0xD0000000, s2;
	s6 =	simm.s32 $0x108;
	_ =	swait.ge @!p0 [sflag:s8], $0x0  }
0x24: {  	s3 =	sadd.s32 $0x88, s3;
	s6 =	simm.s32 @!p1 $0x1082;
	[sflag:s4] =	ssyncset.s32 $0xFFFFF086  }
0x25: {  	[simem:s6], [sflag:s4] =	dma.local [hbm:s3], $0xF7A  }
0x26: {  	[smem:$0x3F9C] =	sst s1;
	(tag) =	ssettag s2;
	_ =	strace s9  }
0x27: {  	s1 =	sld [smem:$0x3FAC]  }
0x28: {  	s2 =	sld [smem:$0x3FAD]  }
0x29: {  	s4 =	sld [smem:$0x3FAF]  }
0x2a: {  	p0 =	seq.s32 s5, $0x0;
	s5 =	sld [smem:$0x3FB0]  }
0x2b: {  	s6 =	sld [smem:$0x3FB1]  }
0x2c: {  	s7 =	sld [smem:$0x3FB2]  }
0x2d: {  	s3 =	simm.s32 $0x108;
	s8 =	sld [smem:$0x3FB3]  }
0x2e: {  	s3 =	simm.s32 @!p0 $0x1082;
	s9 =	sld [smem:$0x3FB4]  }
0x2f: {  	lr =	sadd.s32 s0, s3;
	s0 =	sld [smem:$0x3FAB]  }
0x30: {  	s3 =	sld [smem:$0x3FAE]  }
0x31: {  	[smem:$0x3FB7] =	sst s10  }
0x32: {  	s10 =	sld [smem:$0x3FB5];
	_ =	sdelay $0x3  }
0x33: {  	p0 =	seq.s32 s10, $0x1;
	s10 =	sld [smem:$0x3FB7];
	_ =	sdelay $0x3  }
0x34: {  	[smem:$0x3FB7] =	sst s10  }
0x35: {  	s10 =	sld [smem:$0x3FB6];
	_ =	sdelay $0x3  }
0x36: {  	p1 =	seq.s32 s10, $0x1;
	s10 =	sld [smem:$0x3FB7];
	_ =	sdelay $0x3  }
0x37: {  	[smem:$0x3FB7] =	sst s10  }
0x38: {  	s10 =	sld [smem:$0x3FB8]  }
0x39: {  	_ = 	snop;
	(pc) =	sbr.ind lr, $3  }
0x3a: {  	_ = 	snop  }
0x3b: {  	_ = 	snop  }
0x3c: {  	p2 =	seq.s32 s10, $0x1;
	s10 =	sld [smem:$0x3FB7]  }
0x3d: {  	_ =	shalt  }
0x3e: {  	_ =	shalt  }
0x3f: {  	_ =	shalt  }
0x40: {  	_ =	shalt  }
0x41: {  	_ =	shalt  }
0x42: {  	_ =	shalt  }
0x43: {  	_ =	shalt  }
0x44: {  	_ =	shalt  }
0x45: {  	_ =	shalt  }
0x46: {  	_ =	shalt  }
0x47: {  	_ =	shalt  }
0x48: {  	_ =	shalt  }
0x49: {  	_ =	shalt  }
0x4a: {  	_ =	shalt  }
0x4b: {  	_ =	shalt  }
0x4c: {  	_ =	shalt  }
0x4d: {  	_ =	shalt  }
0x4e: {  	_ =	shalt  }
0x4f: {  	_ =	shalt  }
0x50: {  	_ =	shalt  }
0x51: {  	_ =	shalt  }
0x52: {  	_ =	shalt  }
0x53: {  	_ =	shalt  }
0x54: {  	_ =	shalt  }
0x55: {  	_ =	shalt  }
0x56: {  	_ =	shalt  }
0x57: {  	_ =	shalt  }
0x58: {  	_ =	shalt  }
0x59: {  	_ =	shalt  }
0x5a: {  	_ =	shalt  }
0x5b: {  	_ =	shalt  }
0x5c: {  	_ =	shalt  }
0x5d: {  	_ =	shalt  }
0x5e: {  	_ =	shalt  }
0x5f: {  	_ =	shalt  }
0x60: {  	_ =	shalt  }
0x61: {  	_ =	shalt  }
0x62: {  	_ =	shalt  }
0x63: {  	_ =	shalt  }
0x64: {  	_ =	shalt  }
0x65: {  	_ =	shalt  }
0x66: {  	_ =	shalt  }
0x67: {  	_ =	shalt  }
0x68: {  	_ =	shalt  }
0x69: {  	_ =	shalt  }
0x6a: {  	_ =	shalt  }
0x6b: {  	_ =	shalt  }
0x6c: {  	_ =	shalt  }
0x6d: {  	_ =	shalt  }
0x6e: {  	_ =	shalt  }
0x6f: {  	_ =	shalt  }
0x70: {  	_ =	shalt  }
0x71: {  	_ =	shalt  }
0x72: {  	_ =	shalt  }
0x73: {  	_ =	shalt  }
0x74: {  	_ =	shalt  }
0x75: {  	_ =	shalt  }
0x76: {  	_ =	shalt  }
0x77: {  	_ =	shalt  }
0x78: {  	_ =	shalt  }
0x79: {  	_ =	shalt  }
0x7a: {  	_ =	shalt  }
0x7b: {  	_ =	shalt  }
0x7c: {  	_ =	shalt  }
0x7d: {  	_ =	shalt  }
0x7e: {  	_ =	shalt  }
0x7f: {  	_ =	shalt  }
0x80: {  	_ =	shalt  }
0x81: {  	_ =	shalt  }
0x82: {  	_ =	shalt  }
0x83: {  	_ =	shalt  }
0x84: {  	_ =	shalt  }
0x85: {  	_ =	shalt  }
0x86: {  	_ =	shalt  }
0x87: {  	_ =	shalt  }
.Lfunc_end0:
.L_simem_size_0:
called_computation_lowered:
.L_overlay_start_0:
0x88: {  	s2 =	sld [smem:$0x3FD9]  }
0x89: {  	s3 =	sld [smem:$0x3FFE];
	_ =	sdelay $0x1  }
0x8a: {  	s1 =	srdreg.scid  }
0x8b: {  	s0 =	sand.u32 $0x1, s1  }
0x8c: {  	s17 =	sshll.u32 s0, $0xA;
	s2 =	sadd.s32 s3, s2  }
0x8d: {  	s2 =	sadd.s32 s2, s17  }
0x8e: {  	[smem:$0x3FC3] =	sst s2  }
0x8f: {  	_ = 	snop  }
0x90: {  	s2 =	sld [smem:$0x3FD0];
	(tm) =	ssettm $0x1  }
0x91: {  	s18 =	sld [smem:$0x3FFB];
	_ =	sdelay $0x3  }
0x92: {  	_ =	strace s18  }
0x93: {  	s3 =	sld [smem:$0x3FFC];
	_ =	sdelay $0x3  }
0x94: {  	_ =	strace s3  }
0x95: {  	s3 =	sld [smem:$0x3FFD];
	_ =	sdelay $0x3  }
0x96: {  	_ =	strace s3  }
0x97: {  	_ =	strace $0x8FFFFFFF  }
0x98: {  	s19 =	sld [smem:$0x3FDB];
	_ =	sdelay $0x1  }
0x99: {  	s4 =	simm.s32 $_scs_section_size  }
0x9a: {  	s5 =	simm.s32 $_size__tile_overlayer_lowered;
	s6 =	simm.s32 $_tile_overlayer_lowered  }
0x9b: {  	s22 =	simm.s32 $0x1BFF;
	s21 =	sshll.u32 s6, $0x1;
	s3 =	sadd.s32 s4, s19  }
0x9c: {  	s7 =	simm.s32 $0x0;
	s20 =	sshll.u32 s5, $0x1;
	s5 =	sadd.s32 s21, s3  }
0x9d: {  	[timem:s7], [sflag:s22] =	dma.local [hbm:s5], s20  }
0x9e: {  	_ =	swait.ge [sflag:s22], s20  }
0x9f: {  	s4 =	ssub.s32 $0x0, s20;
	[sflag:s22] =	ssyncset.done $0x0  }
0xa0: {  	[sflag:s22] =	ssyncadd.s32 s4;
	_ =	sdelay $0x1  }
0xa1: {  	s23 =	simm.s32 $0x1B8B  }
0xa2: {  	_ =	swait.ge [sflag:s23], $0x1  }
0xa3: {  	[sflag:s23] =	ssyncset.done $0x0  }
0xa4: {  	s25 =	simm.s32 $0x1B8E;
	s24 =	sld [smem:$0x3FFE];
	[sflag:s23] =	ssyncadd.s32 $0xFFFFFFFF  }
0xa5: {  	s26 =	simm.s32 $execute0_lowered;
	[smem:$0x3FD2] =	sst s25  }
0xa6: {  	s5 =	sshll.u32 s26, $0x1;
	_ =	strace $0x80000046;
	[dreg:$0x1] =	wrdreg $0xFFFFFFFF  }
0xa7: {  	s28 =	simm.s32 $_size_execute0_lowered;
	s3 =	sadd.s32 s3, s5;
	[dreg:$0x0] =	wrdreg $0x0  }
0xa8: {  	s5 =	sshll.u32 s28, $0x1;
	[dreg:$0x2] =	wrdreg s3  }
0xa9: {  	[dreg:$0x3] =	wrdreg s5  }
0xaa: {  	[dreg:$0x4] =	wrdreg $0xC0  }
0xab: {  	_ =	task [dreg:s7], $0x5FFFF  }
0xac: {  	[dreg:$0x1] =	wrdreg $0xFFFFFFFF  }
0xad: {  	[dreg:$0x0] =	wrdreg $0x60  }
0xae: {  	[dreg:$0x2] =	wrdreg s24  }
0xaf: {  	[dreg:$0x3] =	wrdreg s2  }
0xb0: {  	[dreg:$0x4] =	wrdreg $0x9  }
0xb1: {  	_ =	task.clear_ibuf [dreg:s7], $0x5FFFF;
	_ =	strace $0x90000046  }
0xb2: {  	s29 =	simm.s32 $0x9;
	_ =	strace $0x80000048  }
0xb3: {  	_ =	swait.ge [sflag:s29], $0x1  }
0xb4: {  	[sflag:s29] =	ssyncadd.s32 $0xFFFFFFFF  }
0xb5: {  	_ =	strace $0x90000048  }
0xb6: {  	_ =	sfence  }
0xb7: {  	s30 =	sld [smem:$0x0];
	_ =	sdelay $0x2  }
0xb8: {  	s31 =	sshll.u32 s1, $0xD;
	s1 =	sshrl.u32 s1, $0x2  }
0xb9: {  	s3 =	sand.u32 $0x4000, s31;
	s1 =	sadd.s32 s1, s30  }
0xba: {  	s0 =	sor.u32 s3, s0;
	s1 =	sshll.u32 s1, $0x11  }
0xbb: {  	s0 =	sor.u32 s1, s0  }
0xbc: {  	s0 =	sadd.s32 $0x8F2B, s0  }
0xbd: {  	[sflag:s0] =	ssyncadd.remote.s32 $0x1  }
0xbe: {  	_ =	sfence.sel $0xFFFF  }
0xbf: {  	[dreg:$0x0] =	wrdreg $0xFFFFFFFF;
	(pc) =	sbr.abs _section_cstart, $3  }
0xc0: {  	[dreg:$0x1] =	wrdreg $0xFFFFFFFF  }
0xc1: {  	_ =	task.clear_ibuf [dreg:s7], $0x2FFFF;
	_ =	strace $0x9FFFFFFF  }
0xc2: {  	(tm) =	ssettm $0x7FFFFFFF  }
0xc3: {  	_ =	shalt  }
tec
execute0_lowered:
.L_overlay_start_1:
0x0: {  	(tag) =	ssettag $0x1  }
0x1: {  	s0 =	srdreg.scid;
	s1 =	rddreg [dreg:$0x0]  }
0x2: {  	s2 =	stileid.u32;
	s5 =	rddreg [dreg:$0x1]  }
0x3: {  	s8 =	simm.s32 $0x32;
	s9 =	simm.s32 $0x13300;
	s10 =	simm.s32 $0x578  }
0x4: {  	s11 =	simm.s32 $0x13F80;
	s12 =	simm.s32 $0x5B0;
	s13 =	simm.s32 $0x14C00  }
0x5: {  	s14 =	simm.s32 $0x5E8;
	s15 =	simm.s32 $0x15880;
	s16 =	simm.s32 $0x620  }
0x6: {  	s17 =	simm.s32 $0x16500;
	s18 =	simm.s32 $0x658;
	s19 =	simm.s32 $0x17180  }
0x7: {  	s20 =	simm.s32 $0x690;
	s21 =	simm.s32 $0x17E00;
	s22 =	simm.s32 $0x6C8  }
0x8: {  	s23 =	simm.s32 $0x18A80;
	s24 =	simm.s32 $0x1;
	s0 =	sand.u32 $0x1, s0  }
0x9: {  	s25 =	simm.s32 $0x19700;
	s2 =	sshll.u32 s2, $0x6;
	s3 =	sshll.u32 s0, $0x5  }
0xa: {  	s26 =	simm.s32 $0x0;
	s0 =	ssub.s32 $0x2, s0;
	s4 =	sor.u32 s3, s2  }
0xb: {  	s2 =	simm.s32 $0x0;
	s31 =	sshrl.u32 s0, $0x1;
	s3 =	smul.u32 $0x7, s4  }
0xc: {  	[smem:$0x7FF] =	sst s2;
	s7 =	sshll.u32 s4, $0x3;
	s0 =	ssub.s32 s0, s31  }
0xd: {  	_ =	strace $0x80000047;
	s5 =	sadd.s32 s5, s7;
	s7 =	simm.s32 $0x2  }
0xe: {  	s6 =	sadd.s32 s3, s1;
	s3 =	sadd.s32 $0x2400, s1;
	s1 =	simm.s32 $0x12680  }
0xf: {  	s4 =	sadd.s32 $0x800, s6;
	s6 =	smax.u32 s0, $0x1;
	s0 =	simm.s32 $0x540  }
.LBB2_1:
0x10: {  	[tilespmem:s2], [sflag:$0x2] =	stream.linear.gather [hbm4b:s4+s2], $0x700, $0x38;
	[tilespmem:$0x19F00] =	vst v63  }
0x11: {  	_ =	swait.ge [sflag:s7], $0x700  }
0x12: {  	[sflag:s7] =	ssyncset.done $0x0  }
0x13: {  	s28 =	simm.s32 $0x700;
	[sflag:s7] =	ssyncadd.s32 $0xFFFFF900  }
0x14: {  	[tilespmem:s28], [sflag:$0x1] =	stream.indirect.gather [hbm4b:s3+s8], $0x40, s2, s8, $0xb8;
	[tilespmem:$0x19F00] =	vst v63  }
0x15: {  	s29 =	simm.s32 $0x1380;
	s28 =	simm.s32 $0x38  }
0x16: {  	[tilespmem:s29], [sflag:$0x1] =	stream.indirect.gather [hbm4b:s3+s8], $0x40, s28, s8, $0xb8;
	[tilespmem:$0x19F00] =	vst v63  }
0x17: {  	s28 =	simm.s32 $0x70;
	s29 =	simm.s32 $0x2000  }
0x18: {  	[tilespmem:s29], [sflag:$0x1] =	stream.indirect.gather [hbm4b:s3+s8], $0x40, s28, s8, $0xb8;
	[tilespmem:$0x19F00] =	vst v63  }
0x19: {  	s28 =	simm.s32 $0xA8;
	s29 =	simm.s32 $0x2C80  }
0x1a: {  	[tilespmem:s29], [sflag:$0x1] =	stream.indirect.gather [hbm4b:s3+s8], $0x40, s28, s8, $0xb8;
	[tilespmem:$0x19F00] =	vst v63  }
0x1b: {  	s28 =	simm.s32 $0xE0;
	s29 =	simm.s32 $0x3900  }
0x1c: {  	[tilespmem:s29], [sflag:$0x1] =	stream.indirect.gather [hbm4b:s3+s8], $0x40, s28, s8, $0xb8;
	[tilespmem:$0x19F00] =	vst v63  }
0x1d: {  	s28 =	simm.s32 $0x118;
	s29 =	simm.s32 $0x4580  }
0x1e: {  	[tilespmem:s29], [sflag:$0x1] =	stream.indirect.gather [hbm4b:s3+s8], $0x40, s28, s8, $0xb8;
	[tilespmem:$0x19F00] =	vst v63  }
0x1f: {  	s28 =	simm.s32 $0x150;
	s29 =	simm.s32 $0x5200  }
0x20: {  	[tilespmem:s29], [sflag:$0x1] =	stream.indirect.gather [hbm4b:s3+s8], $0x40, s28, s8, $0xb8;
	[tilespmem:$0x19F00] =	vst v63  }
0x21: {  	s28 =	simm.s32 $0x188;
	s29 =	simm.s32 $0x5E80  }
0x22: {  	[tilespmem:s29], [sflag:$0x1] =	stream.indirect.gather [hbm4b:s3+s8], $0x40, s28, s8, $0xb8;
	[tilespmem:$0x19F00] =	vst v63  }
0x23: {  	s28 =	simm.s32 $0x1C0;
	s29 =	simm.s32 $0x6B00  }
0x24: {  	[tilespmem:s29], [sflag:$0x1] =	stream.indirect.gather [hbm4b:s3+s8], $0x40, s28, s8, $0xb8;
	[tilespmem:$0x19F00] =	vst v63  }
0x25: {  	s28 =	simm.s32 $0x1F8;
	s29 =	simm.s32 $0x7780  }
0x26: {  	[tilespmem:s29], [sflag:$0x1] =	stream.indirect.gather [hbm4b:s3+s8], $0x40, s28, s8, $0xb8;
	[tilespmem:$0x19F00] =	vst v63  }
0x27: {  	s28 =	simm.s32 $0x230;
	s29 =	simm.s32 $0x8400  }
0x28: {  	[tilespmem:s29], [sflag:$0x1] =	stream.indirect.gather [hbm4b:s3+s8], $0x40, s28, s8, $0xb8;
	[tilespmem:$0x19F00] =	vst v63  }
0x29: {  	s28 =	simm.s32 $0x268;
	s29 =	simm.s32 $0x9080  }
0x2a: {  	[tilespmem:s29], [sflag:$0x1] =	stream.indirect.gather [hbm4b:s3+s8], $0x40, s28, s8, $0xb8;
	[tilespmem:$0x19F00] =	vst v63  }
0x2b: {  	s28 =	simm.s32 $0x2A0;
	s29 =	simm.s32 $0x9D00  }
0x2c: {  	[tilespmem:s29], [sflag:$0x1] =	stream.indirect.gather [hbm4b:s3+s8], $0x40, s28, s8, $0xb8;
	[tilespmem:$0x19F00] =	vst v63  }
0x2d: {  	s28 =	simm.s32 $0x2D8;
	s29 =	simm.s32 $0xA980  }
0x2e: {  	[tilespmem:s29], [sflag:$0x1] =	stream.indirect.gather [hbm4b:s3+s8], $0x40, s28, s8, $0xb8;
	[tilespmem:$0x19F00] =	vst v63  }
0x2f: {  	s28 =	simm.s32 $0x310;
	s29 =	simm.s32 $0xB600  }
0x30: {  	[tilespmem:s29], [sflag:$0x1] =	stream.indirect.gather [hbm4b:s3+s8], $0x40, s28, s8, $0xb8;
	[tilespmem:$0x19F00] =	vst v63  }
0x31: {  	s28 =	simm.s32 $0x348;
	s29 =	simm.s32 $0xC280  }
0x32: {  	[tilespmem:s29], [sflag:$0x1] =	stream.indirect.gather [hbm4b:s3+s8], $0x40, s28, s8, $0xb8;
	[tilespmem:$0x19F00] =	vst v63  }
0x33: {  	s28 =	simm.s32 $0x380;
	s29 =	simm.s32 $0xCF00  }
0x34: {  	[tilespmem:s29], [sflag:$0x1] =	stream.indirect.gather [hbm4b:s3+s8], $0x40, s28, s8, $0xb8;
	[tilespmem:$0x19F00] =	vst v63  }
0x35: {  	s28 =	simm.s32 $0x3B8;
	s29 =	simm.s32 $0xDB80  }
0x36: {  	[tilespmem:s29], [sflag:$0x1] =	stream.indirect.gather [hbm4b:s3+s8], $0x40, s28, s8, $0xb8;
	[tilespmem:$0x19F00] =	vst v63  }
0x37: {  	s28 =	simm.s32 $0x3F0;
	s29 =	simm.s32 $0xE800  }
0x38: {  	[tilespmem:s29], [sflag:$0x1] =	stream.indirect.gather [hbm4b:s3+s8], $0x40, s28, s8, $0xb8;
	[tilespmem:$0x19F00] =	vst v63  }
0x39: {  	s28 =	simm.s32 $0x428;
	s29 =	simm.s32 $0xF480  }
0x3a: {  	[tilespmem:s29], [sflag:$0x1] =	stream.indirect.gather [hbm4b:s3+s8], $0x40, s28, s8, $0xb8;
	[tilespmem:$0x19F00] =	vst v63  }
0x3b: {  	s28 =	simm.s32 $0x460;
	s29 =	simm.s32 $0x10100  }
0x3c: {  	[tilespmem:s29], [sflag:$0x1] =	stream.indirect.gather [hbm4b:s3+s8], $0x40, s28, s8, $0xb8;
	[tilespmem:$0x19F00] =	vst v63  }
0x3d: {  	s28 =	simm.s32 $0x498;
	s29 =	simm.s32 $0x10D80  }
0x3e: {  	[tilespmem:s29], [sflag:$0x1] =	stream.indirect.gather [hbm4b:s3+s8], $0x40, s28, s8, $0xb8;
	[tilespmem:$0x19F00] =	vst v63  }
0x3f: {  	s28 =	simm.s32 $0x4D0;
	s29 =	simm.s32 $0x11A00  }
0x40: {  	[tilespmem:s29], [sflag:$0x1] =	stream.indirect.gather [hbm4b:s3+s8], $0x40, s28, s8, $0xb8;
	[tilespmem:$0x19F00] =	vst v63  }
0x41: {  	s28 =	simm.s32 $0x508  }
0x42: {  	[tilespmem:s1], [sflag:$0x1] =	stream.indirect.gather [hbm4b:s3+s8], $0x40, s28, s8, $0xb8;
	[tilespmem:$0x19F00] =	vst v63  }
0x43: {  	_ = 	snop  }
0x44: {  	[tilespmem:s9], [sflag:$0x1] =	stream.indirect.gather [hbm4b:s3+s8], $0x40, s0, s8, $0xb8;
	[tilespmem:$0x19F00] =	vst v63  }
0x45: {  	_ = 	snop  }
0x46: {  	[tilespmem:s11], [sflag:$0x1] =	stream.indirect.gather [hbm4b:s3+s8], $0x40, s10, s8, $0xb8;
	[tilespmem:$0x19F00] =	vst v63  }
0x47: {  	_ = 	snop  }
0x48: {  	[tilespmem:s13], [sflag:$0x1] =	stream.indirect.gather [hbm4b:s3+s8], $0x40, s12, s8, $0xb8;
	[tilespmem:$0x19F00] =	vst v63  }
0x49: {  	_ = 	snop  }
0x4a: {  	[tilespmem:s15], [sflag:$0x1] =	stream.indirect.gather [hbm4b:s3+s8], $0x40, s14, s8, $0xb8;
	[tilespmem:$0x19F00] =	vst v63  }
0x4b: {  	_ = 	snop  }
0x4c: {  	[tilespmem:s17], [sflag:$0x1] =	stream.indirect.gather [hbm4b:s3+s8], $0x40, s16, s8, $0xb8;
	[tilespmem:$0x19F00] =	vst v63  }
0x4d: {  	_ = 	snop  }
0x4e: {  	[tilespmem:s19], [sflag:$0x1] =	stream.indirect.gather [hbm4b:s3+s8], $0x40, s18, s8, $0xb8;
	[tilespmem:$0x19F00] =	vst v63  }
0x4f: {  	_ = 	snop  }
0x50: {  	[tilespmem:s21], [sflag:$0x1] =	stream.indirect.gather [hbm4b:s3+s8], $0x40, s20, s8, $0xb8;
	[tilespmem:$0x19F00] =	vst v63  }
0x51: {  	_ = 	snop  }
0x52: {  	[tilespmem:s23], [sflag:$0x1] =	stream.indirect.gather [hbm4b:s3+s8], $0x40, s22, s8, $0xb8;
	[tilespmem:$0x19F00] =	vst v63  }
0x53: {  	_ =	swait.ge [sflag:s24], $0xC80  }
0x54: {  	[sflag:s24] =	ssyncset.done $0x0  }
0x55: {  	[sflag:s24] =	ssyncadd.s32 $0xFFFFF380  }
0x56: {  	_ =	swait.ge [sflag:s24], $0xC80  }
0x57: {  	[sflag:s24] =	ssyncset.done $0x0  }
0x58: {  	[sflag:s24] =	ssyncadd.s32 $0xFFFFF380  }
0x59: {  	_ =	swait.ge [sflag:s24], $0xC80  }
0x5a: {  	[sflag:s24] =	ssyncset.done $0x0  }
0x5b: {  	[sflag:s24] =	ssyncadd.s32 $0xFFFFF380  }
0x5c: {  	_ =	swait.ge [sflag:s24], $0xC80  }
0x5d: {  	[sflag:s24] =	ssyncset.done $0x0  }
0x5e: {  	[sflag:s24] =	ssyncadd.s32 $0xFFFFF380  }
0x5f: {  	_ =	swait.ge [sflag:s24], $0xC80  }
0x60: {  	[sflag:s24] =	ssyncset.done $0x0  }
0x61: {  	[sflag:s24] =	ssyncadd.s32 $0xFFFFF380  }
0x62: {  	_ =	swait.ge [sflag:s24], $0xC80  }
0x63: {  	[sflag:s24] =	ssyncset.done $0x0  }
0x64: {  	[sflag:s24] =	ssyncadd.s32 $0xFFFFF380  }
0x65: {  	_ =	swait.ge [sflag:s24], $0xC80  }
0x66: {  	[sflag:s24] =	ssyncset.done $0x0  }
0x67: {  	[sflag:s24] =	ssyncadd.s32 $0xFFFFF380  }
0x68: {  	_ =	swait.ge [sflag:s24], $0xC80  }
0x69: {  	[sflag:s24] =	ssyncset.done $0x0  }
0x6a: {  	[sflag:s24] =	ssyncadd.s32 $0xFFFFF380  }
0x6b: {  	_ =	swait.ge [sflag:s24], $0xC80  }
0x6c: {  	[sflag:s24] =	ssyncset.done $0x0  }
0x6d: {  	[sflag:s24] =	ssyncadd.s32 $0xFFFFF380  }
0x6e: {  	_ =	swait.ge [sflag:s24], $0xC80  }
0x6f: {  	[sflag:s24] =	ssyncset.done $0x0  }
0x70: {  	[sflag:s24] =	ssyncadd.s32 $0xFFFFF380  }
0x71: {  	_ =	swait.ge [sflag:s24], $0xC80  }
0x72: {  	[sflag:s24] =	ssyncset.done $0x0  }
0x73: {  	[sflag:s24] =	ssyncadd.s32 $0xFFFFF380  }
0x74: {  	_ =	swait.ge [sflag:s24], $0xC80  }
0x75: {  	[sflag:s24] =	ssyncset.done $0x0  }
0x76: {  	[sflag:s24] =	ssyncadd.s32 $0xFFFFF380  }
0x77: {  	_ =	swait.ge [sflag:s24], $0xC80  }
0x78: {  	[sflag:s24] =	ssyncset.done $0x0  }
0x79: {  	[sflag:s24] =	ssyncadd.s32 $0xFFFFF380  }
0x7a: {  	_ =	swait.ge [sflag:s24], $0xC80  }
0x7b: {  	[sflag:s24] =	ssyncset.done $0x0  }
0x7c: {  	[sflag:s24] =	ssyncadd.s32 $0xFFFFF380  }
0x7d: {  	_ =	swait.ge [sflag:s24], $0xC80  }
0x7e: {  	[sflag:s24] =	ssyncset.done $0x0  }
0x7f: {  	[sflag:s24] =	ssyncadd.s32 $0xFFFFF380  }
0x80: {  	_ =	swait.ge [sflag:s24], $0xC80  }
0x81: {  	[sflag:s24] =	ssyncset.done $0x0  }
0x82: {  	[sflag:s24] =	ssyncadd.s32 $0xFFFFF380  }
0x83: {  	_ =	swait.ge [sflag:s24], $0xC80  }
0x84: {  	[sflag:s24] =	ssyncset.done $0x0  }
0x85: {  	[sflag:s24] =	ssyncadd.s32 $0xFFFFF380  }
0x86: {  	_ =	swait.ge [sflag:s24], $0xC80  }
0x87: {  	[sflag:s24] =	ssyncset.done $0x0  }
0x88: {  	[sflag:s24] =	ssyncadd.s32 $0xFFFFF380  }
0x89: {  	_ =	swait.ge [sflag:s24], $0xC80  }
0x8a: {  	[sflag:s24] =	ssyncset.done $0x0  }
0x8b: {  	[sflag:s24] =	ssyncadd.s32 $0xFFFFF380  }
0x8c: {  	_ =	swait.ge [sflag:s24], $0xC80  }
0x8d: {  	[sflag:s24] =	ssyncset.done $0x0  }
0x8e: {  	[sflag:s24] =	ssyncadd.s32 $0xFFFFF380  }
0x8f: {  	_ =	swait.ge [sflag:s24], $0xC80  }
0x90: {  	[sflag:s24] =	ssyncset.done $0x0  }
0x91: {  	[sflag:s24] =	ssyncadd.s32 $0xFFFFF380  }
0x92: {  	_ =	swait.ge [sflag:s24], $0xC80  }
0x93: {  	[sflag:s24] =	ssyncset.done $0x0  }
0x94: {  	[sflag:s24] =	ssyncadd.s32 $0xFFFFF380  }
0x95: {  	_ =	swait.ge [sflag:s24], $0xC80  }
0x96: {  	[sflag:s24] =	ssyncset.done $0x0  }
0x97: {  	[sflag:s24] =	ssyncadd.s32 $0xFFFFF380  }
0x98: {  	_ =	swait.ge [sflag:s24], $0xC80  }
0x99: {  	[sflag:s24] =	ssyncset.done $0x0  }
0x9a: {  	[sflag:s24] =	ssyncadd.s32 $0xFFFFF380  }
0x9b: {  	_ =	swait.ge [sflag:s24], $0xC80  }
0x9c: {  	[sflag:s24] =	ssyncset.done $0x0  }
0x9d: {  	[sflag:s24] =	ssyncadd.s32 $0xFFFFF380  }
0x9e: {  	_ =	swait.ge [sflag:s24], $0xC80  }
0x9f: {  	[sflag:s24] =	ssyncset.done $0x0  }
0xa0: {  	[sflag:s24] =	ssyncadd.s32 $0xFFFFF380  }
0xa1: {  	_ =	swait.ge [sflag:s24], $0xC80  }
0xa2: {  	[sflag:s24] =	ssyncset.done $0x0  }
0xa3: {  	[sflag:s24] =	ssyncadd.s32 $0xFFFFF380  }
0xa4: {  	_ =	swait.ge [sflag:s24], $0xC80  }
0xa5: {  	[sflag:s24] =	ssyncset.done $0x0  }
0xa6: {  	[sflag:s24] =	ssyncadd.s32 $0xFFFFF380  }
0xa7: {  	_ =	swait.ge [sflag:s24], $0xC80  }
0xa8: {  	[sflag:s24] =	ssyncset.done $0x0  }
0xa9: {  	[sflag:s24] =	ssyncadd.s32 $0xFFFFF380  }
0xaa: {  	_ =	swait.ge [sflag:s24], $0xC80  }
0xab: {  	[sflag:s24] =	ssyncset.done $0x0  }
0xac: {  	[sflag:s24] =	ssyncadd.s32 $0xFFFFF380  }
0xad: {  	_ =	swait.ge [sflag:s24], $0xC80  }
0xae: {  	[sflag:s24] =	ssyncset.done $0x0  }
0xaf: {  	[sflag:s24] =	ssyncadd.s32 $0xFFFFF380  }
0xb0: {  	s28 =	smul.u32 $0x3200, s2;
	_ =	swait.ge [sflag:s24], $0xC80  }
0xb1: {  	[sflag:s24] =	ssyncset.done $0x0  }
0xb2: {  	s29 =	sshra.s32 s28, $0x2;
	[sflag:s24] =	ssyncadd.s32 $0xFFFFF380  }
0xb3: {  	v0 =	vld [tilespmem:s29+$0x700]  }
0xb4: {  	v1 =	vld [tilespmem:s29+$0x740];
	_ =	sdelay $0x1  }
0xb5: {  	v2 =	vld [tilespmem:s29+$0x780];
	_ =	sdelay $0x1  }
0xb6: {  	v3 =	vld [tilespmem:s29+$0x7C0]  }
0xb7: {  	v0 =	vadd.f32 v1, v0  }
0xb8: {  	v1 =	vld [tilespmem:s29+$0x800]  }
0xb9: {  	v0 =	vadd.f32 v2, v0  }
0xba: {  	v2 =	vld [tilespmem:s29+$0x840]  }
0xbb: {  	v0 =	vadd.f32 v3, v0  }
0xbc: {  	v3 =	vld [tilespmem:s29+$0x880]  }
0xbd: {  	v0 =	vadd.f32 v1, v0  }
0xbe: {  	v1 =	vld [tilespmem:s29+$0x8C0]  }
0xbf: {  	v0 =	vadd.f32 v2, v0  }
0xc0: {  	v2 =	vld [tilespmem:s29+$0x900]  }
0xc1: {  	v0 =	vadd.f32 v3, v0  }
0xc2: {  	v3 =	vld [tilespmem:s29+$0x940]  }
0xc3: {  	v0 =	vadd.f32 v1, v0  }
0xc4: {  	v1 =	vld [tilespmem:s29+$0x980]  }
0xc5: {  	v0 =	vadd.f32 v2, v0  }
0xc6: {  	v2 =	vld [tilespmem:s29+$0x9C0]  }
0xc7: {  	v0 =	vadd.f32 v3, v0  }
0xc8: {  	v3 =	vld [tilespmem:s29+$0xA00]  }
0xc9: {  	v0 =	vadd.f32 v1, v0  }
0xca: {  	v1 =	vld [tilespmem:s29+$0xA40]  }
0xcb: {  	v0 =	vadd.f32 v2, v0  }
0xcc: {  	v2 =	vld [tilespmem:s29+$0xA80]  }
0xcd: {  	v0 =	vadd.f32 v3, v0  }
0xce: {  	v3 =	vld [tilespmem:s29+$0xAC0]  }
0xcf: {  	v0 =	vadd.f32 v1, v0  }
0xd0: {  	v1 =	vld [tilespmem:s29+$0xB00]  }
0xd1: {  	v0 =	vadd.f32 v2, v0  }
0xd2: {  	v2 =	vld [tilespmem:s29+$0xB40]  }
0xd3: {  	v0 =	vadd.f32 v3, v0  }
0xd4: {  	v3 =	vld [tilespmem:s29+$0xB80]  }
0xd5: {  	v0 =	vadd.f32 v1, v0  }
0xd6: {  	v1 =	vld [tilespmem:s29+$0xBC0]  }
0xd7: {  	v0 =	vadd.f32 v2, v0  }
0xd8: {  	v2 =	vld [tilespmem:s29+$0xC00]  }
0xd9: {  	v0 =	vadd.f32 v3, v0  }
0xda: {  	v3 =	vld [tilespmem:s29+$0xC40]  }
0xdb: {  	v0 =	vadd.f32 v1, v0  }
0xdc: {  	v1 =	vld [tilespmem:s29+$0xC80]  }
0xdd: {  	v0 =	vadd.f32 v2, v0  }
0xde: {  	v2 =	vld [tilespmem:s29+$0xCC0]  }
0xdf: {  	v0 =	vadd.f32 v3, v0  }
0xe0: {  	v3 =	vld [tilespmem:s29+$0xD00]  }
0xe1: {  	v0 =	vadd.f32 v1, v0  }
0xe2: {  	v1 =	vld [tilespmem:s29+$0xD40]  }
0xe3: {  	v0 =	vadd.f32 v2, v0  }
0xe4: {  	v2 =	vld [tilespmem:s29+$0xD80]  }
0xe5: {  	v0 =	vadd.f32 v3, v0  }
0xe6: {  	v3 =	vld [tilespmem:s29+$0xDC0]  }
0xe7: {  	v0 =	vadd.f32 v1, v0  }
0xe8: {  	v1 =	vld [tilespmem:s29+$0xE00]  }
0xe9: {  	v0 =	vadd.f32 v2, v0  }
0xea: {  	v2 =	vld [tilespmem:s29+$0xE40]  }
0xeb: {  	v0 =	vadd.f32 v3, v0  }
0xec: {  	v3 =	vld [tilespmem:s29+$0xE80]  }
0xed: {  	v0 =	vadd.f32 v1, v0  }
0xee: {  	v1 =	vld [tilespmem:s29+$0xEC0]  }
0xef: {  	v0 =	vadd.f32 v2, v0  }
0xf0: {  	v2 =	vld [tilespmem:s29+$0xF00]  }
0xf1: {  	v0 =	vadd.f32 v3, v0  }
0xf2: {  	v3 =	vld [tilespmem:s29+$0xF40]  }
0xf3: {  	v0 =	vadd.f32 v1, v0  }
0xf4: {  	v1 =	vld [tilespmem:s29+$0xF80]  }
0xf5: {  	v0 =	vadd.f32 v2, v0  }
0xf6: {  	v2 =	vld [tilespmem:s29+$0xFC0]  }
0xf7: {  	v0 =	vadd.f32 v3, v0  }
0xf8: {  	v3 =	vld [tilespmem:s29+$0x1000]  }
0xf9: {  	v0 =	vadd.f32 v1, v0  }
0xfa: {  	v1 =	vld [tilespmem:s29+$0x1040]  }
0xfb: {  	v0 =	vadd.f32 v2, v0  }
0xfc: {  	v2 =	vld [tilespmem:s29+$0x1080]  }
0xfd: {  	v0 =	vadd.f32 v3, v0  }
0xfe: {  	v3 =	vld [tilespmem:s29+$0x10C0]  }
0xff: {  	v0 =	vadd.f32 v1, v0  }
0x100: {  	v1 =	vld [tilespmem:s29+$0x1100]  }
0x101: {  	v0 =	vadd.f32 v2, v0  }
0x102: {  	v2 =	vld [tilespmem:s29+$0x1140]  }
0x103: {  	v0 =	vadd.f32 v3, v0  }
0x104: {  	v3 =	vld [tilespmem:s29+$0x1180]  }
0x105: {  	v0 =	vadd.f32 v1, v0  }
0x106: {  	v1 =	vld [tilespmem:s29+$0x11C0]  }
0x107: {  	v0 =	vadd.f32 v2, v0  }
0x108: {  	v2 =	vld [tilespmem:s29+$0x1200]  }
0x109: {  	v0 =	vadd.f32 v3, v0  }
0x10a: {  	v3 =	vld [tilespmem:s29+$0x1240]  }
0x10b: {  	v0 =	vadd.f32 v1, v0  }
0x10c: {  	v1 =	vld [tilespmem:s29+$0x1280]  }
0x10d: {  	v0 =	vadd.f32 v2, v0  }
0x10e: {  	v2 =	vld [tilespmem:s29+$0x12C0]  }
0x10f: {  	v0 =	vadd.f32 v3, v0  }
0x110: {  	v3 =	vld [tilespmem:s29+$0x1300]  }
0x111: {  	v0 =	vadd.f32 v1, v0  }
0x112: {  	v1 =	vld [tilespmem:s29+$0x1340]  }
0x113: {  	v0 =	vadd.f32 v2, v0;
	_ =	sdelay $0x1  }
0x114: {  	v0 =	vadd.f32 v3, v0;
	_ =	sdelay $0x1  }
0x115: {  	s28 =	simm.s32 $0x0;
	v0 =	vadd.f32 v1, v0  }
0x116: {  	s28 =	sand.u32 $0x3FFFFFC0, s28  }
0x117: {  	[tilespmem:s28+$0x19700] =	vst v0  }
0x118: {  	v0 =	vld [tilespmem:s29+$0x710]  }
0x119: {  	v1 =	vld [tilespmem:s29+$0x750];
	_ =	sdelay $0x1  }
0x11a: {  	v2 =	vld [tilespmem:s29+$0x790];
	_ =	sdelay $0x1  }
0x11b: {  	v3 =	vld [tilespmem:s29+$0x7D0]  }
0x11c: {  	v0 =	vadd.f32 v1, v0  }
0x11d: {  	v1 =	vld [tilespmem:s29+$0x810]  }
0x11e: {  	v0 =	vadd.f32 v2, v0  }
0x11f: {  	v2 =	vld [tilespmem:s29+$0x850]  }
0x120: {  	v0 =	vadd.f32 v3, v0  }
0x121: {  	v3 =	vld [tilespmem:s29+$0x890]  }
0x122: {  	v0 =	vadd.f32 v1, v0  }
0x123: {  	v1 =	vld [tilespmem:s29+$0x8D0]  }
0x124: {  	v0 =	vadd.f32 v2, v0  }
0x125: {  	v2 =	vld [tilespmem:s29+$0x910]  }
0x126: {  	v0 =	vadd.f32 v3, v0  }
0x127: {  	v3 =	vld [tilespmem:s29+$0x950]  }
0x128: {  	v0 =	vadd.f32 v1, v0  }
0x129: {  	v1 =	vld [tilespmem:s29+$0x990]  }
0x12a: {  	v0 =	vadd.f32 v2, v0  }
0x12b: {  	v2 =	vld [tilespmem:s29+$0x9D0]  }
0x12c: {  	v0 =	vadd.f32 v3, v0  }
0x12d: {  	v3 =	vld [tilespmem:s29+$0xA10]  }
0x12e: {  	v0 =	vadd.f32 v1, v0  }
0x12f: {  	v1 =	vld [tilespmem:s29+$0xA50]  }
0x130: {  	v0 =	vadd.f32 v2, v0  }
0x131: {  	v2 =	vld [tilespmem:s29+$0xA90]  }
0x132: {  	v0 =	vadd.f32 v3, v0  }
0x133: {  	v3 =	vld [tilespmem:s29+$0xAD0]  }
0x134: {  	v0 =	vadd.f32 v1, v0  }
0x135: {  	v1 =	vld [tilespmem:s29+$0xB10]  }
0x136: {  	v0 =	vadd.f32 v2, v0  }
0x137: {  	v2 =	vld [tilespmem:s29+$0xB50]  }
0x138: {  	v0 =	vadd.f32 v3, v0  }
0x139: {  	v3 =	vld [tilespmem:s29+$0xB90]  }
0x13a: {  	v0 =	vadd.f32 v1, v0  }
0x13b: {  	v1 =	vld [tilespmem:s29+$0xBD0]  }
0x13c: {  	v0 =	vadd.f32 v2, v0  }
0x13d: {  	v2 =	vld [tilespmem:s29+$0xC10]  }
0x13e: {  	v0 =	vadd.f32 v3, v0  }
0x13f: {  	v3 =	vld [tilespmem:s29+$0xC50]  }
0x140: {  	v0 =	vadd.f32 v1, v0  }
0x141: {  	v1 =	vld [tilespmem:s29+$0xC90]  }
0x142: {  	v0 =	vadd.f32 v2, v0  }
0x143: {  	v2 =	vld [tilespmem:s29+$0xCD0]  }
0x144: {  	v0 =	vadd.f32 v3, v0  }
0x145: {  	v3 =	vld [tilespmem:s29+$0xD10]  }
0x146: {  	v0 =	vadd.f32 v1, v0  }
0x147: {  	v1 =	vld [tilespmem:s29+$0xD50]  }
0x148: {  	v0 =	vadd.f32 v2, v0  }
0x149: {  	v2 =	vld [tilespmem:s29+$0xD90]  }
0x14a: {  	v0 =	vadd.f32 v3, v0  }
0x14b: {  	v3 =	vld [tilespmem:s29+$0xDD0]  }
0x14c: {  	v0 =	vadd.f32 v1, v0  }
0x14d: {  	v1 =	vld [tilespmem:s29+$0xE10]  }
0x14e: {  	v0 =	vadd.f32 v2, v0  }
0x14f: {  	v2 =	vld [tilespmem:s29+$0xE50]  }
0x150: {  	v0 =	vadd.f32 v3, v0  }
0x151: {  	v3 =	vld [tilespmem:s29+$0xE90]  }
0x152: {  	v0 =	vadd.f32 v1, v0  }
0x153: {  	v1 =	vld [tilespmem:s29+$0xED0]  }
0x154: {  	v0 =	vadd.f32 v2, v0  }
0x155: {  	v2 =	vld [tilespmem:s29+$0xF10]  }
0x156: {  	v0 =	vadd.f32 v3, v0  }
0x157: {  	v3 =	vld [tilespmem:s29+$0xF50]  }
0x158: {  	v0 =	vadd.f32 v1, v0  }
0x159: {  	v1 =	vld [tilespmem:s29+$0xF90]  }
0x15a: {  	v0 =	vadd.f32 v2, v0  }
0x15b: {  	v2 =	vld [tilespmem:s29+$0xFD0]  }
0x15c: {  	v0 =	vadd.f32 v3, v0  }
0x15d: {  	v3 =	vld [tilespmem:s29+$0x1010]  }
0x15e: {  	v0 =	vadd.f32 v1, v0  }
0x15f: {  	v1 =	vld [tilespmem:s29+$0x1050]  }
0x160: {  	v0 =	vadd.f32 v2, v0  }
0x161: {  	v2 =	vld [tilespmem:s29+$0x1090]  }
0x162: {  	v0 =	vadd.f32 v3, v0  }
0x163: {  	v3 =	vld [tilespmem:s29+$0x10D0]  }
0x164: {  	v0 =	vadd.f32 v1, v0  }
0x165: {  	v1 =	vld [tilespmem:s29+$0x1110]  }
0x166: {  	v0 =	vadd.f32 v2, v0  }
0x167: {  	v2 =	vld [tilespmem:s29+$0x1150]  }
0x168: {  	v0 =	vadd.f32 v3, v0  }
0x169: {  	v3 =	vld [tilespmem:s29+$0x1190]  }
0x16a: {  	v0 =	vadd.f32 v1, v0  }
0x16b: {  	v1 =	vld [tilespmem:s29+$0x11D0]  }
0x16c: {  	v0 =	vadd.f32 v2, v0  }
0x16d: {  	v2 =	vld [tilespmem:s29+$0x1210]  }
0x16e: {  	v0 =	vadd.f32 v3, v0  }
0x16f: {  	v3 =	vld [tilespmem:s29+$0x1250]  }
0x170: {  	v0 =	vadd.f32 v1, v0  }
0x171: {  	v1 =	vld [tilespmem:s29+$0x1290]  }
0x172: {  	v0 =	vadd.f32 v2, v0  }
0x173: {  	v2 =	vld [tilespmem:s29+$0x12D0]  }
0x174: {  	v0 =	vadd.f32 v3, v0  }
0x175: {  	v3 =	vld [tilespmem:s29+$0x1310]  }
0x176: {  	v0 =	vadd.f32 v1, v0  }
0x177: {  	v1 =	vld [tilespmem:s29+$0x1350]  }
0x178: {  	v0 =	vadd.f32 v2, v0;
	_ =	sdelay $0x1  }
0x179: {  	v0 =	vadd.f32 v3, v0;
	_ =	sdelay $0x1  }
0x17a: {  	v0 =	vadd.f32 v1, v0;
	_ =	sdelay $0x1  }
0x17b: {  	[tilespmem:s28+$0x19710] =	vst v0  }
0x17c: {  	v0 =	vld [tilespmem:s29+$0x720]  }
0x17d: {  	v1 =	vld [tilespmem:s29+$0x760];
	_ =	sdelay $0x1  }
0x17e: {  	v2 =	vld [tilespmem:s29+$0x7A0];
	_ =	sdelay $0x1  }
0x17f: {  	v3 =	vld [tilespmem:s29+$0x7E0]  }
0x180: {  	v0 =	vadd.f32 v1, v0  }
0x181: {  	v1 =	vld [tilespmem:s29+$0x820]  }
0x182: {  	v0 =	vadd.f32 v2, v0  }
0x183: {  	v2 =	vld [tilespmem:s29+$0x860]  }
0x184: {  	v0 =	vadd.f32 v3, v0  }
0x185: {  	v3 =	vld [tilespmem:s29+$0x8A0]  }
0x186: {  	v0 =	vadd.f32 v1, v0  }
0x187: {  	v1 =	vld [tilespmem:s29+$0x8E0]  }
0x188: {  	v0 =	vadd.f32 v2, v0  }
0x189: {  	v2 =	vld [tilespmem:s29+$0x920]  }
0x18a: {  	v0 =	vadd.f32 v3, v0  }
0x18b: {  	v3 =	vld [tilespmem:s29+$0x960]  }
0x18c: {  	v0 =	vadd.f32 v1, v0  }
0x18d: {  	v1 =	vld [tilespmem:s29+$0x9A0]  }
0x18e: {  	v0 =	vadd.f32 v2, v0  }
0x18f: {  	v2 =	vld [tilespmem:s29+$0x9E0]  }
0x190: {  	v0 =	vadd.f32 v3, v0  }
0x191: {  	v3 =	vld [tilespmem:s29+$0xA20]  }
0x192: {  	v0 =	vadd.f32 v1, v0  }
0x193: {  	v1 =	vld [tilespmem:s29+$0xA60]  }
0x194: {  	v0 =	vadd.f32 v2, v0  }
0x195: {  	v2 =	vld [tilespmem:s29+$0xAA0]  }
0x196: {  	v0 =	vadd.f32 v3, v0  }
0x197: {  	v3 =	vld [tilespmem:s29+$0xAE0]  }
0x198: {  	v0 =	vadd.f32 v1, v0  }
0x199: {  	v1 =	vld [tilespmem:s29+$0xB20]  }
0x19a: {  	v0 =	vadd.f32 v2, v0  }
0x19b: {  	v2 =	vld [tilespmem:s29+$0xB60]  }
0x19c: {  	v0 =	vadd.f32 v3, v0  }
0x19d: {  	v3 =	vld [tilespmem:s29+$0xBA0]  }
0x19e: {  	v0 =	vadd.f32 v1, v0  }
0x19f: {  	v1 =	vld [tilespmem:s29+$0xBE0]  }
0x1a0: {  	v0 =	vadd.f32 v2, v0  }
0x1a1: {  	v2 =	vld [tilespmem:s29+$0xC20]  }
0x1a2: {  	v0 =	vadd.f32 v3, v0  }
0x1a3: {  	v3 =	vld [tilespmem:s29+$0xC60]  }
0x1a4: {  	v0 =	vadd.f32 v1, v0  }
0x1a5: {  	v1 =	vld [tilespmem:s29+$0xCA0]  }
0x1a6: {  	v0 =	vadd.f32 v2, v0  }
0x1a7: {  	v2 =	vld [tilespmem:s29+$0xCE0]  }
0x1a8: {  	v0 =	vadd.f32 v3, v0  }
0x1a9: {  	v3 =	vld [tilespmem:s29+$0xD20]  }
0x1aa: {  	v0 =	vadd.f32 v1, v0  }
0x1ab: {  	v1 =	vld [tilespmem:s29+$0xD60]  }
0x1ac: {  	v0 =	vadd.f32 v2, v0  }
0x1ad: {  	v2 =	vld [tilespmem:s29+$0xDA0]  }
0x1ae: {  	v0 =	vadd.f32 v3, v0  }
0x1af: {  	v3 =	vld [tilespmem:s29+$0xDE0]  }
0x1b0: {  	v0 =	vadd.f32 v1, v0  }
0x1b1: {  	v1 =	vld [tilespmem:s29+$0xE20]  }
0x1b2: {  	v0 =	vadd.f32 v2, v0  }
0x1b3: {  	v2 =	vld [tilespmem:s29+$0xE60]  }
0x1b4: {  	v0 =	vadd.f32 v3, v0  }
0x1b5: {  	v3 =	vld [tilespmem:s29+$0xEA0]  }
0x1b6: {  	v0 =	vadd.f32 v1, v0  }
0x1b7: {  	v1 =	vld [tilespmem:s29+$0xEE0]  }
0x1b8: {  	v0 =	vadd.f32 v2, v0  }
0x1b9: {  	v2 =	vld [tilespmem:s29+$0xF20]  }
0x1ba: {  	v0 =	vadd.f32 v3, v0  }
0x1bb: {  	v3 =	vld [tilespmem:s29+$0xF60]  }
0x1bc: {  	v0 =	vadd.f32 v1, v0  }
0x1bd: {  	v1 =	vld [tilespmem:s29+$0xFA0]  }
0x1be: {  	v0 =	vadd.f32 v2, v0  }
0x1bf: {  	v2 =	vld [tilespmem:s29+$0xFE0]  }
0x1c0: {  	v0 =	vadd.f32 v3, v0  }
0x1c1: {  	v3 =	vld [tilespmem:s29+$0x1020]  }
0x1c2: {  	v0 =	vadd.f32 v1, v0  }
0x1c3: {  	v1 =	vld [tilespmem:s29+$0x1060]  }
0x1c4: {  	v0 =	vadd.f32 v2, v0  }
0x1c5: {  	v2 =	vld [tilespmem:s29+$0x10A0]  }
0x1c6: {  	v0 =	vadd.f32 v3, v0  }
0x1c7: {  	v3 =	vld [tilespmem:s29+$0x10E0]  }
0x1c8: {  	v0 =	vadd.f32 v1, v0  }
0x1c9: {  	v1 =	vld [tilespmem:s29+$0x1120]  }
0x1ca: {  	v0 =	vadd.f32 v2, v0  }
0x1cb: {  	v2 =	vld [tilespmem:s29+$0x1160]  }
0x1cc: {  	v0 =	vadd.f32 v3, v0  }
0x1cd: {  	v3 =	vld [tilespmem:s29+$0x11A0]  }
0x1ce: {  	v0 =	vadd.f32 v1, v0  }
0x1cf: {  	v1 =	vld [tilespmem:s29+$0x11E0]  }
0x1d0: {  	v0 =	vadd.f32 v2, v0  }
0x1d1: {  	v2 =	vld [tilespmem:s29+$0x1220]  }
0x1d2: {  	v0 =	vadd.f32 v3, v0  }
0x1d3: {  	v3 =	vld [tilespmem:s29+$0x1260]  }
0x1d4: {  	v0 =	vadd.f32 v1, v0  }
0x1d5: {  	v1 =	vld [tilespmem:s29+$0x12A0]  }
0x1d6: {  	v0 =	vadd.f32 v2, v0  }
0x1d7: {  	v2 =	vld [tilespmem:s29+$0x12E0]  }
0x1d8: {  	v0 =	vadd.f32 v3, v0  }
0x1d9: {  	v3 =	vld [tilespmem:s29+$0x1320]  }
0x1da: {  	v0 =	vadd.f32 v1, v0  }
0x1db: {  	v1 =	vld [tilespmem:s29+$0x1360]  }
0x1dc: {  	v0 =	vadd.f32 v2, v0;
	_ =	sdelay $0x1  }
0x1dd: {  	v0 =	vadd.f32 v3, v0;
	_ =	sdelay $0x1  }
0x1de: {  	v0 =	vadd.f32 v1, v0;
	_ =	sdelay $0x1  }
0x1df: {  	[tilespmem:s28+$0x19720] =	vst v0  }
0x1e0: {  	v0 =	vld [tilespmem:s29+$0x730]  }
0x1e1: {  	v1 =	vld [tilespmem:s29+$0x770];
	_ =	sdelay $0x1  }
0x1e2: {  	v2 =	vld [tilespmem:s29+$0x7B0];
	_ =	sdelay $0x1  }
0x1e3: {  	v3 =	vld [tilespmem:s29+$0x7F0]  }
0x1e4: {  	v0 =	vadd.f32 v1, v0  }
0x1e5: {  	v1 =	vld [tilespmem:s29+$0x830]  }
0x1e6: {  	v0 =	vadd.f32 v2, v0  }
0x1e7: {  	v2 =	vld [tilespmem:s29+$0x870]  }
0x1e8: {  	v0 =	vadd.f32 v3, v0  }
0x1e9: {  	v3 =	vld [tilespmem:s29+$0x8B0]  }
0x1ea: {  	v0 =	vadd.f32 v1, v0  }
0x1eb: {  	v1 =	vld [tilespmem:s29+$0x8F0]  }
0x1ec: {  	v0 =	vadd.f32 v2, v0  }
0x1ed: {  	v2 =	vld [tilespmem:s29+$0x930]  }
0x1ee: {  	v0 =	vadd.f32 v3, v0  }
0x1ef: {  	v3 =	vld [tilespmem:s29+$0x970]  }
0x1f0: {  	v0 =	vadd.f32 v1, v0  }
0x1f1: {  	v1 =	vld [tilespmem:s29+$0x9B0]  }
0x1f2: {  	v0 =	vadd.f32 v2, v0  }
0x1f3: {  	v2 =	vld [tilespmem:s29+$0x9F0]  }
0x1f4: {  	v0 =	vadd.f32 v3, v0  }
0x1f5: {  	v3 =	vld [tilespmem:s29+$0xA30]  }
0x1f6: {  	v0 =	vadd.f32 v1, v0  }
0x1f7: {  	v1 =	vld [tilespmem:s29+$0xA70]  }
0x1f8: {  	v0 =	vadd.f32 v2, v0  }
0x1f9: {  	v2 =	vld [tilespmem:s29+$0xAB0]  }
0x1fa: {  	v0 =	vadd.f32 v3, v0  }
0x1fb: {  	v3 =	vld [tilespmem:s29+$0xAF0]  }
0x1fc: {  	v0 =	vadd.f32 v1, v0  }
0x1fd: {  	v1 =	vld [tilespmem:s29+$0xB30]  }
0x1fe: {  	v0 =	vadd.f32 v2, v0  }
0x1ff: {  	v2 =	vld [tilespmem:s29+$0xB70]  }
0x200: {  	v0 =	vadd.f32 v3, v0  }
0x201: {  	v3 =	vld [tilespmem:s29+$0xBB0]  }
0x202: {  	v0 =	vadd.f32 v1, v0  }
0x203: {  	v1 =	vld [tilespmem:s29+$0xBF0]  }
0x204: {  	v0 =	vadd.f32 v2, v0  }
0x205: {  	v2 =	vld [tilespmem:s29+$0xC30]  }
0x206: {  	v0 =	vadd.f32 v3, v0  }
0x207: {  	v3 =	vld [tilespmem:s29+$0xC70]  }
0x208: {  	v0 =	vadd.f32 v1, v0  }
0x209: {  	v1 =	vld [tilespmem:s29+$0xCB0]  }
0x20a: {  	v0 =	vadd.f32 v2, v0  }
0x20b: {  	v2 =	vld [tilespmem:s29+$0xCF0]  }
0x20c: {  	v0 =	vadd.f32 v3, v0  }
0x20d: {  	v3 =	vld [tilespmem:s29+$0xD30]  }
0x20e: {  	v0 =	vadd.f32 v1, v0  }
0x20f: {  	v1 =	vld [tilespmem:s29+$0xD70]  }
0x210: {  	v0 =	vadd.f32 v2, v0  }
0x211: {  	v2 =	vld [tilespmem:s29+$0xDB0]  }
0x212: {  	v0 =	vadd.f32 v3, v0  }
0x213: {  	v3 =	vld [tilespmem:s29+$0xDF0]  }
0x214: {  	v0 =	vadd.f32 v1, v0  }
0x215: {  	v1 =	vld [tilespmem:s29+$0xE30]  }
0x216: {  	v0 =	vadd.f32 v2, v0  }
0x217: {  	v2 =	vld [tilespmem:s29+$0xE70]  }
0x218: {  	v0 =	vadd.f32 v3, v0  }
0x219: {  	v3 =	vld [tilespmem:s29+$0xEB0]  }
0x21a: {  	v0 =	vadd.f32 v1, v0  }
0x21b: {  	v1 =	vld [tilespmem:s29+$0xEF0]  }
0x21c: {  	v0 =	vadd.f32 v2, v0  }
0x21d: {  	v2 =	vld [tilespmem:s29+$0xF30]  }
0x21e: {  	v0 =	vadd.f32 v3, v0  }
0x21f: {  	v3 =	vld [tilespmem:s29+$0xF70]  }
0x220: {  	v0 =	vadd.f32 v1, v0  }
0x221: {  	v1 =	vld [tilespmem:s29+$0xFB0]  }
0x222: {  	v0 =	vadd.f32 v2, v0  }
0x223: {  	v2 =	vld [tilespmem:s29+$0xFF0]  }
0x224: {  	v0 =	vadd.f32 v3, v0  }
0x225: {  	v3 =	vld [tilespmem:s29+$0x1030]  }
0x226: {  	v0 =	vadd.f32 v1, v0  }
0x227: {  	v1 =	vld [tilespmem:s29+$0x1070]  }
0x228: {  	v0 =	vadd.f32 v2, v0  }
0x229: {  	v2 =	vld [tilespmem:s29+$0x10B0]  }
0x22a: {  	v0 =	vadd.f32 v3, v0  }
0x22b: {  	v3 =	vld [tilespmem:s29+$0x10F0]  }
0x22c: {  	v0 =	vadd.f32 v1, v0  }
0x22d: {  	v1 =	vld [tilespmem:s29+$0x1130]  }
0x22e: {  	v0 =	vadd.f32 v2, v0  }
0x22f: {  	v2 =	vld [tilespmem:s29+$0x1170]  }
0x230: {  	v0 =	vadd.f32 v3, v0  }
0x231: {  	v3 =	vld [tilespmem:s29+$0x11B0]  }
0x232: {  	v0 =	vadd.f32 v1, v0  }
0x233: {  	v1 =	vld [tilespmem:s29+$0x11F0]  }
0x234: {  	v0 =	vadd.f32 v2, v0  }
0x235: {  	v2 =	vld [tilespmem:s29+$0x1230]  }
0x236: {  	v0 =	vadd.f32 v3, v0  }
0x237: {  	v3 =	vld [tilespmem:s29+$0x1270]  }
0x238: {  	v0 =	vadd.f32 v1, v0  }
0x239: {  	v1 =	vld [tilespmem:s29+$0x12B0]  }
0x23a: {  	v0 =	vadd.f32 v2, v0;
	_ =	sdelay $0x1  }
0x23b: {  	v2 =	vld [tilespmem:s29+$0x12F0];
	v0 =	vadd.f32 v3, v0;
	_ =	sdelay $0x1  }
0x23c: {  	v3 =	vadd.f32 v1, v0;
	v1 =	vld [tilespmem:s29+$0x1330];
	_ =	sdelay $0x1  }
0x23d: {  	v0 =	vld [tilespmem:s29+$0x1370]  }
0x23e: {  	s29 =	simm.s32 $0x1;
	v2 =	vadd.f32 v2, v3  }
.LBB2_2:
0x23f: {  	p0 =	sne.s32 s29, $0x1F;
	s31 =	smov.u32 s29;
	s29 =	sadd.s32 $0x1, s29  }
0x240: {  	v1 =	vadd.f32 v1, v2  }
0x241: {  	s30 =	smul.u32 $0x3200, s31  }
0x242: {  	v0 =	vadd.f32 v0, v1  }
0x243: {  	s30 =	sshra.s32 s30, $0x2  }
0x244: {  	[tilespmem:s28+$0x19730] =	vst v0  }
0x245: {  	v0 =	vld [tilespmem:s30+$0x700]  }
0x246: {  	v1 =	vld [tilespmem:s30+$0x740];
	_ =	sdelay $0x1  }
0x247: {  	v2 =	vld [tilespmem:s30+$0x780];
	_ =	sdelay $0x1  }
0x248: {  	v3 =	vld [tilespmem:s30+$0x7C0]  }
0x249: {  	v0 =	vadd.f32 v1, v0  }
0x24a: {  	v1 =	vld [tilespmem:s30+$0x800]  }
0x24b: {  	v0 =	vadd.f32 v2, v0  }
0x24c: {  	v2 =	vld [tilespmem:s30+$0x840]  }
0x24d: {  	v0 =	vadd.f32 v3, v0  }
0x24e: {  	v3 =	vld [tilespmem:s30+$0x880]  }
0x24f: {  	v0 =	vadd.f32 v1, v0  }
0x250: {  	v1 =	vld [tilespmem:s30+$0x8C0]  }
0x251: {  	v0 =	vadd.f32 v2, v0  }
0x252: {  	v2 =	vld [tilespmem:s30+$0x900]  }
0x253: {  	v0 =	vadd.f32 v3, v0  }
0x254: {  	v3 =	vld [tilespmem:s30+$0x940]  }
0x255: {  	v0 =	vadd.f32 v1, v0  }
0x256: {  	v1 =	vld [tilespmem:s30+$0x980]  }
0x257: {  	v0 =	vadd.f32 v2, v0  }
0x258: {  	v2 =	vld [tilespmem:s30+$0x9C0]  }
0x259: {  	v0 =	vadd.f32 v3, v0  }
0x25a: {  	v3 =	vld [tilespmem:s30+$0xA00]  }
0x25b: {  	v0 =	vadd.f32 v1, v0  }
0x25c: {  	v1 =	vld [tilespmem:s30+$0xA40]  }
0x25d: {  	v0 =	vadd.f32 v2, v0  }
0x25e: {  	v2 =	vld [tilespmem:s30+$0xA80]  }
0x25f: {  	v0 =	vadd.f32 v3, v0  }
0x260: {  	v3 =	vld [tilespmem:s30+$0xAC0]  }
0x261: {  	v0 =	vadd.f32 v1, v0  }
0x262: {  	v1 =	vld [tilespmem:s30+$0xB00]  }
0x263: {  	v0 =	vadd.f32 v2, v0  }
0x264: {  	v2 =	vld [tilespmem:s30+$0xB40]  }
0x265: {  	v0 =	vadd.f32 v3, v0  }
0x266: {  	v3 =	vld [tilespmem:s30+$0xB80]  }
0x267: {  	v0 =	vadd.f32 v1, v0  }
0x268: {  	v1 =	vld [tilespmem:s30+$0xBC0]  }
0x269: {  	v0 =	vadd.f32 v2, v0  }
0x26a: {  	v2 =	vld [tilespmem:s30+$0xC00]  }
0x26b: {  	v0 =	vadd.f32 v3, v0  }
0x26c: {  	v3 =	vld [tilespmem:s30+$0xC40]  }
0x26d: {  	v0 =	vadd.f32 v1, v0  }
0x26e: {  	v1 =	vld [tilespmem:s30+$0xC80]  }
0x26f: {  	v0 =	vadd.f32 v2, v0  }
0x270: {  	v2 =	vld [tilespmem:s30+$0xCC0]  }
0x271: {  	v0 =	vadd.f32 v3, v0  }
0x272: {  	v3 =	vld [tilespmem:s30+$0xD00]  }
0x273: {  	v0 =	vadd.f32 v1, v0  }
0x274: {  	v1 =	vld [tilespmem:s30+$0xD40]  }
0x275: {  	v0 =	vadd.f32 v2, v0  }
0x276: {  	v2 =	vld [tilespmem:s30+$0xD80]  }
0x277: {  	v0 =	vadd.f32 v3, v0  }
0x278: {  	v3 =	vld [tilespmem:s30+$0xDC0]  }
0x279: {  	v0 =	vadd.f32 v1, v0  }
0x27a: {  	v1 =	vld [tilespmem:s30+$0xE00]  }
0x27b: {  	v0 =	vadd.f32 v2, v0  }
0x27c: {  	v2 =	vld [tilespmem:s30+$0xE40]  }
0x27d: {  	v0 =	vadd.f32 v3, v0  }
0x27e: {  	v3 =	vld [tilespmem:s30+$0xE80]  }
0x27f: {  	v0 =	vadd.f32 v1, v0  }
0x280: {  	v1 =	vld [tilespmem:s30+$0xEC0]  }
0x281: {  	v0 =	vadd.f32 v2, v0  }
0x282: {  	v2 =	vld [tilespmem:s30+$0xF00]  }
0x283: {  	v0 =	vadd.f32 v3, v0  }
0x284: {  	v3 =	vld [tilespmem:s30+$0xF40]  }
0x285: {  	v0 =	vadd.f32 v1, v0  }
0x286: {  	v1 =	vld [tilespmem:s30+$0xF80]  }
0x287: {  	v0 =	vadd.f32 v2, v0  }
0x288: {  	v2 =	vld [tilespmem:s30+$0xFC0]  }
0x289: {  	v0 =	vadd.f32 v3, v0  }
0x28a: {  	v3 =	vld [tilespmem:s30+$0x1000]  }
0x28b: {  	v0 =	vadd.f32 v1, v0  }
0x28c: {  	v1 =	vld [tilespmem:s30+$0x1040]  }
0x28d: {  	v0 =	vadd.f32 v2, v0  }
0x28e: {  	v2 =	vld [tilespmem:s30+$0x1080]  }
0x28f: {  	v0 =	vadd.f32 v3, v0  }
0x290: {  	v3 =	vld [tilespmem:s30+$0x10C0]  }
0x291: {  	v0 =	vadd.f32 v1, v0  }
0x292: {  	v1 =	vld [tilespmem:s30+$0x1100]  }
0x293: {  	v0 =	vadd.f32 v2, v0  }
0x294: {  	v2 =	vld [tilespmem:s30+$0x1140]  }
0x295: {  	v0 =	vadd.f32 v3, v0  }
0x296: {  	v3 =	vld [tilespmem:s30+$0x1180]  }
0x297: {  	v0 =	vadd.f32 v1, v0  }
0x298: {  	v1 =	vld [tilespmem:s30+$0x11C0]  }
0x299: {  	v0 =	vadd.f32 v2, v0  }
0x29a: {  	v2 =	vld [tilespmem:s30+$0x1200]  }
0x29b: {  	v0 =	vadd.f32 v3, v0  }
0x29c: {  	v3 =	vld [tilespmem:s30+$0x1240]  }
0x29d: {  	v0 =	vadd.f32 v1, v0  }
0x29e: {  	v1 =	vld [tilespmem:s30+$0x1280]  }
0x29f: {  	v0 =	vadd.f32 v2, v0  }
0x2a0: {  	v2 =	vld [tilespmem:s30+$0x12C0]  }
0x2a1: {  	v0 =	vadd.f32 v3, v0  }
0x2a2: {  	v3 =	vld [tilespmem:s30+$0x1300]  }
0x2a3: {  	v0 =	vadd.f32 v1, v0  }
0x2a4: {  	v1 =	vld [tilespmem:s30+$0x1340]  }
0x2a5: {  	v0 =	vadd.f32 v2, v0;
	_ =	sdelay $0x1  }
0x2a6: {  	v0 =	vadd.f32 v3, v0;
	_ =	sdelay $0x1  }
0x2a7: {  	s28 =	sshll.u32 s31, $0x6;
	v0 =	vadd.f32 v1, v0  }
0x2a8: {  	s28 =	sand.u32 $0x3FFFFFC0, s28  }
0x2a9: {  	[tilespmem:s28+$0x19700] =	vst v0  }
0x2aa: {  	v0 =	vld [tilespmem:s30+$0x710]  }
0x2ab: {  	v1 =	vld [tilespmem:s30+$0x750];
	_ =	sdelay $0x1  }
0x2ac: {  	v2 =	vld [tilespmem:s30+$0x790];
	_ =	sdelay $0x1  }
0x2ad: {  	v3 =	vld [tilespmem:s30+$0x7D0]  }
0x2ae: {  	v0 =	vadd.f32 v1, v0  }
0x2af: {  	v1 =	vld [tilespmem:s30+$0x810]  }
0x2b0: {  	v0 =	vadd.f32 v2, v0  }
0x2b1: {  	v2 =	vld [tilespmem:s30+$0x850]  }
0x2b2: {  	v0 =	vadd.f32 v3, v0  }
0x2b3: {  	v3 =	vld [tilespmem:s30+$0x890]  }
0x2b4: {  	v0 =	vadd.f32 v1, v0  }
0x2b5: {  	v1 =	vld [tilespmem:s30+$0x8D0]  }
0x2b6: {  	v0 =	vadd.f32 v2, v0  }
0x2b7: {  	v2 =	vld [tilespmem:s30+$0x910]  }
0x2b8: {  	v0 =	vadd.f32 v3, v0  }
0x2b9: {  	v3 =	vld [tilespmem:s30+$0x950]  }
0x2ba: {  	v0 =	vadd.f32 v1, v0  }
0x2bb: {  	v1 =	vld [tilespmem:s30+$0x990]  }
0x2bc: {  	v0 =	vadd.f32 v2, v0  }
0x2bd: {  	v2 =	vld [tilespmem:s30+$0x9D0]  }
0x2be: {  	v0 =	vadd.f32 v3, v0  }
0x2bf: {  	v3 =	vld [tilespmem:s30+$0xA10]  }
0x2c0: {  	v0 =	vadd.f32 v1, v0  }
0x2c1: {  	v1 =	vld [tilespmem:s30+$0xA50]  }
0x2c2: {  	v0 =	vadd.f32 v2, v0  }
0x2c3: {  	v2 =	vld [tilespmem:s30+$0xA90]  }
0x2c4: {  	v0 =	vadd.f32 v3, v0  }
0x2c5: {  	v3 =	vld [tilespmem:s30+$0xAD0]  }
0x2c6: {  	v0 =	vadd.f32 v1, v0  }
0x2c7: {  	v1 =	vld [tilespmem:s30+$0xB10]  }
0x2c8: {  	v0 =	vadd.f32 v2, v0  }
0x2c9: {  	v2 =	vld [tilespmem:s30+$0xB50]  }
0x2ca: {  	v0 =	vadd.f32 v3, v0  }
0x2cb: {  	v3 =	vld [tilespmem:s30+$0xB90]  }
0x2cc: {  	v0 =	vadd.f32 v1, v0  }
0x2cd: {  	v1 =	vld [tilespmem:s30+$0xBD0]  }
0x2ce: {  	v0 =	vadd.f32 v2, v0  }
0x2cf: {  	v2 =	vld [tilespmem:s30+$0xC10]  }
0x2d0: {  	v0 =	vadd.f32 v3, v0  }
0x2d1: {  	v3 =	vld [tilespmem:s30+$0xC50]  }
0x2d2: {  	v0 =	vadd.f32 v1, v0  }
0x2d3: {  	v1 =	vld [tilespmem:s30+$0xC90]  }
0x2d4: {  	v0 =	vadd.f32 v2, v0  }
0x2d5: {  	v2 =	vld [tilespmem:s30+$0xCD0]  }
0x2d6: {  	v0 =	vadd.f32 v3, v0  }
0x2d7: {  	v3 =	vld [tilespmem:s30+$0xD10]  }
0x2d8: {  	v0 =	vadd.f32 v1, v0  }
0x2d9: {  	v1 =	vld [tilespmem:s30+$0xD50]  }
0x2da: {  	v0 =	vadd.f32 v2, v0  }
0x2db: {  	v2 =	vld [tilespmem:s30+$0xD90]  }
0x2dc: {  	v0 =	vadd.f32 v3, v0  }
0x2dd: {  	v3 =	vld [tilespmem:s30+$0xDD0]  }
0x2de: {  	v0 =	vadd.f32 v1, v0  }
0x2df: {  	v1 =	vld [tilespmem:s30+$0xE10]  }
0x2e0: {  	v0 =	vadd.f32 v2, v0  }
0x2e1: {  	v2 =	vld [tilespmem:s30+$0xE50]  }
0x2e2: {  	v0 =	vadd.f32 v3, v0  }
0x2e3: {  	v3 =	vld [tilespmem:s30+$0xE90]  }
0x2e4: {  	v0 =	vadd.f32 v1, v0  }
0x2e5: {  	v1 =	vld [tilespmem:s30+$0xED0]  }
0x2e6: {  	v0 =	vadd.f32 v2, v0  }
0x2e7: {  	v2 =	vld [tilespmem:s30+$0xF10]  }
0x2e8: {  	v0 =	vadd.f32 v3, v0  }
0x2e9: {  	v3 =	vld [tilespmem:s30+$0xF50]  }
0x2ea: {  	v0 =	vadd.f32 v1, v0  }
0x2eb: {  	v1 =	vld [tilespmem:s30+$0xF90]  }
0x2ec: {  	v0 =	vadd.f32 v2, v0  }
0x2ed: {  	v2 =	vld [tilespmem:s30+$0xFD0]  }
0x2ee: {  	v0 =	vadd.f32 v3, v0  }
0x2ef: {  	v3 =	vld [tilespmem:s30+$0x1010]  }
0x2f0: {  	v0 =	vadd.f32 v1, v0  }
0x2f1: {  	v1 =	vld [tilespmem:s30+$0x1050]  }
0x2f2: {  	v0 =	vadd.f32 v2, v0  }
0x2f3: {  	v2 =	vld [tilespmem:s30+$0x1090]  }
0x2f4: {  	v0 =	vadd.f32 v3, v0  }
0x2f5: {  	v3 =	vld [tilespmem:s30+$0x10D0]  }
0x2f6: {  	v0 =	vadd.f32 v1, v0  }
0x2f7: {  	v1 =	vld [tilespmem:s30+$0x1110]  }
0x2f8: {  	v0 =	vadd.f32 v2, v0  }
0x2f9: {  	v2 =	vld [tilespmem:s30+$0x1150]  }
0x2fa: {  	v0 =	vadd.f32 v3, v0  }
0x2fb: {  	v3 =	vld [tilespmem:s30+$0x1190]  }
0x2fc: {  	v0 =	vadd.f32 v1, v0  }
0x2fd: {  	v1 =	vld [tilespmem:s30+$0x11D0]  }
0x2fe: {  	v0 =	vadd.f32 v2, v0  }
0x2ff: {  	v2 =	vld [tilespmem:s30+$0x1210]  }
0x300: {  	v0 =	vadd.f32 v3, v0  }
0x301: {  	v3 =	vld [tilespmem:s30+$0x1250]  }
0x302: {  	v0 =	vadd.f32 v1, v0  }
0x303: {  	v1 =	vld [tilespmem:s30+$0x1290]  }
0x304: {  	v0 =	vadd.f32 v2, v0  }
0x305: {  	v2 =	vld [tilespmem:s30+$0x12D0]  }
0x306: {  	v0 =	vadd.f32 v3, v0  }
0x307: {  	v3 =	vld [tilespmem:s30+$0x1310]  }
0x308: {  	v0 =	vadd.f32 v1, v0  }
0x309: {  	v1 =	vld [tilespmem:s30+$0x1350]  }
0x30a: {  	v0 =	vadd.f32 v2, v0;
	_ =	sdelay $0x1  }
0x30b: {  	v0 =	vadd.f32 v3, v0;
	_ =	sdelay $0x1  }
0x30c: {  	v0 =	vadd.f32 v1, v0;
	_ =	sdelay $0x1  }
0x30d: {  	[tilespmem:s28+$0x19710] =	vst v0  }
0x30e: {  	v0 =	vld [tilespmem:s30+$0x720]  }
0x30f: {  	v1 =	vld [tilespmem:s30+$0x760];
	_ =	sdelay $0x1  }
0x310: {  	v2 =	vld [tilespmem:s30+$0x7A0];
	_ =	sdelay $0x1  }
0x311: {  	v3 =	vld [tilespmem:s30+$0x7E0]  }
0x312: {  	v0 =	vadd.f32 v1, v0  }
0x313: {  	v1 =	vld [tilespmem:s30+$0x820]  }
0x314: {  	v0 =	vadd.f32 v2, v0  }
0x315: {  	v2 =	vld [tilespmem:s30+$0x860]  }
0x316: {  	v0 =	vadd.f32 v3, v0  }
0x317: {  	v3 =	vld [tilespmem:s30+$0x8A0]  }
0x318: {  	v0 =	vadd.f32 v1, v0  }
0x319: {  	v1 =	vld [tilespmem:s30+$0x8E0]  }
0x31a: {  	v0 =	vadd.f32 v2, v0  }
0x31b: {  	v2 =	vld [tilespmem:s30+$0x920]  }
0x31c: {  	v0 =	vadd.f32 v3, v0  }
0x31d: {  	v3 =	vld [tilespmem:s30+$0x960]  }
0x31e: {  	v0 =	vadd.f32 v1, v0  }
0x31f: {  	v1 =	vld [tilespmem:s30+$0x9A0]  }
0x320: {  	v0 =	vadd.f32 v2, v0  }
0x321: {  	v2 =	vld [tilespmem:s30+$0x9E0]  }
0x322: {  	v0 =	vadd.f32 v3, v0  }
0x323: {  	v3 =	vld [tilespmem:s30+$0xA20]  }
0x324: {  	v0 =	vadd.f32 v1, v0  }
0x325: {  	v1 =	vld [tilespmem:s30+$0xA60]  }
0x326: {  	v0 =	vadd.f32 v2, v0  }
0x327: {  	v2 =	vld [tilespmem:s30+$0xAA0]  }
0x328: {  	v0 =	vadd.f32 v3, v0  }
0x329: {  	v3 =	vld [tilespmem:s30+$0xAE0]  }
0x32a: {  	v0 =	vadd.f32 v1, v0  }
0x32b: {  	v1 =	vld [tilespmem:s30+$0xB20]  }
0x32c: {  	v0 =	vadd.f32 v2, v0  }
0x32d: {  	v2 =	vld [tilespmem:s30+$0xB60]  }
0x32e: {  	v0 =	vadd.f32 v3, v0  }
0x32f: {  	v3 =	vld [tilespmem:s30+$0xBA0]  }
0x330: {  	v0 =	vadd.f32 v1, v0  }
0x331: {  	v1 =	vld [tilespmem:s30+$0xBE0]  }
0x332: {  	v0 =	vadd.f32 v2, v0  }
0x333: {  	v2 =	vld [tilespmem:s30+$0xC20]  }
0x334: {  	v0 =	vadd.f32 v3, v0  }
0x335: {  	v3 =	vld [tilespmem:s30+$0xC60]  }
0x336: {  	v0 =	vadd.f32 v1, v0  }
0x337: {  	v1 =	vld [tilespmem:s30+$0xCA0]  }
0x338: {  	v0 =	vadd.f32 v2, v0  }
0x339: {  	v2 =	vld [tilespmem:s30+$0xCE0]  }
0x33a: {  	v0 =	vadd.f32 v3, v0  }
0x33b: {  	v3 =	vld [tilespmem:s30+$0xD20]  }
0x33c: {  	v0 =	vadd.f32 v1, v0  }
0x33d: {  	v1 =	vld [tilespmem:s30+$0xD60]  }
0x33e: {  	v0 =	vadd.f32 v2, v0  }
0x33f: {  	v2 =	vld [tilespmem:s30+$0xDA0]  }
0x340: {  	v0 =	vadd.f32 v3, v0  }
0x341: {  	v3 =	vld [tilespmem:s30+$0xDE0]  }
0x342: {  	v0 =	vadd.f32 v1, v0  }
0x343: {  	v1 =	vld [tilespmem:s30+$0xE20]  }
0x344: {  	v0 =	vadd.f32 v2, v0  }
0x345: {  	v2 =	vld [tilespmem:s30+$0xE60]  }
0x346: {  	v0 =	vadd.f32 v3, v0  }
0x347: {  	v3 =	vld [tilespmem:s30+$0xEA0]  }
0x348: {  	v0 =	vadd.f32 v1, v0  }
0x349: {  	v1 =	vld [tilespmem:s30+$0xEE0]  }
0x34a: {  	v0 =	vadd.f32 v2, v0  }
0x34b: {  	v2 =	vld [tilespmem:s30+$0xF20]  }
0x34c: {  	v0 =	vadd.f32 v3, v0  }
0x34d: {  	v3 =	vld [tilespmem:s30+$0xF60]  }
0x34e: {  	v0 =	vadd.f32 v1, v0  }
0x34f: {  	v1 =	vld [tilespmem:s30+$0xFA0]  }
0x350: {  	v0 =	vadd.f32 v2, v0  }
0x351: {  	v2 =	vld [tilespmem:s30+$0xFE0]  }
0x352: {  	v0 =	vadd.f32 v3, v0  }
0x353: {  	v3 =	vld [tilespmem:s30+$0x1020]  }
0x354: {  	v0 =	vadd.f32 v1, v0  }
0x355: {  	v1 =	vld [tilespmem:s30+$0x1060]  }
0x356: {  	v0 =	vadd.f32 v2, v0  }
0x357: {  	v2 =	vld [tilespmem:s30+$0x10A0]  }
0x358: {  	v0 =	vadd.f32 v3, v0  }
0x359: {  	v3 =	vld [tilespmem:s30+$0x10E0]  }
0x35a: {  	v0 =	vadd.f32 v1, v0  }
0x35b: {  	v1 =	vld [tilespmem:s30+$0x1120]  }
0x35c: {  	v0 =	vadd.f32 v2, v0  }
0x35d: {  	v2 =	vld [tilespmem:s30+$0x1160]  }
0x35e: {  	v0 =	vadd.f32 v3, v0  }
0x35f: {  	v3 =	vld [tilespmem:s30+$0x11A0]  }
0x360: {  	v0 =	vadd.f32 v1, v0  }
0x361: {  	v1 =	vld [tilespmem:s30+$0x11E0]  }
0x362: {  	v0 =	vadd.f32 v2, v0  }
0x363: {  	v2 =	vld [tilespmem:s30+$0x1220]  }
0x364: {  	v0 =	vadd.f32 v3, v0  }
0x365: {  	v3 =	vld [tilespmem:s30+$0x1260]  }
0x366: {  	v0 =	vadd.f32 v1, v0  }
0x367: {  	v1 =	vld [tilespmem:s30+$0x12A0]  }
0x368: {  	v0 =	vadd.f32 v2, v0  }
0x369: {  	v2 =	vld [tilespmem:s30+$0x12E0]  }
0x36a: {  	v0 =	vadd.f32 v3, v0  }
0x36b: {  	v3 =	vld [tilespmem:s30+$0x1320]  }
0x36c: {  	v0 =	vadd.f32 v1, v0  }
0x36d: {  	v1 =	vld [tilespmem:s30+$0x1360]  }
0x36e: {  	v0 =	vadd.f32 v2, v0;
	_ =	sdelay $0x1  }
0x36f: {  	v0 =	vadd.f32 v3, v0;
	_ =	sdelay $0x1  }
0x370: {  	v0 =	vadd.f32 v1, v0;
	_ =	sdelay $0x1  }
0x371: {  	[tilespmem:s28+$0x19720] =	vst v0  }
0x372: {  	v0 =	vld [tilespmem:s30+$0x730]  }
0x373: {  	v1 =	vld [tilespmem:s30+$0x770]  }
0x374: {  	v2 =	vld [tilespmem:s30+$0x7B0]  }
0x375: {  	v3 =	vld [tilespmem:s30+$0x7F0]  }
0x376: {  	v4 =	vld [tilespmem:s30+$0x830]  }
0x377: {  	v5 =	vld [tilespmem:s30+$0x870]  }
0x378: {  	v0 =	vadd.f32 v1, v0;
	v1 =	vld [tilespmem:s30+$0x8B0]  }
0x379: {  	v6 =	vld [tilespmem:s30+$0x8F0]  }
0x37a: {  	v0 =	vadd.f32 v2, v0;
	v2 =	vld [tilespmem:s30+$0x930]  }
0x37b: {  	v7 =	vld [tilespmem:s30+$0x970]  }
0x37c: {  	v0 =	vadd.f32 v3, v0;
	v3 =	vld [tilespmem:s30+$0x9B0]  }
0x37d: {  	v8 =	vld [tilespmem:s30+$0x9F0]  }
0x37e: {  	v0 =	vadd.f32 v4, v0;
	v4 =	vld [tilespmem:s30+$0xA30]  }
0x37f: {  	v9 =	vld [tilespmem:s30+$0xA70]  }
0x380: {  	v0 =	vadd.f32 v5, v0;
	v5 =	vld [tilespmem:s30+$0xAB0]  }
0x381: {  	v10 =	vld [tilespmem:s30+$0xAF0]  }
0x382: {  	v0 =	vadd.f32 v1, v0;
	v1 =	vld [tilespmem:s30+$0xB30]  }
0x383: {  	v11 =	vld [tilespmem:s30+$0xB70]  }
0x384: {  	v0 =	vadd.f32 v6, v0;
	v6 =	vld [tilespmem:s30+$0xBB0]  }
0x385: {  	v12 =	vld [tilespmem:s30+$0xBF0]  }
0x386: {  	v0 =	vadd.f32 v2, v0;
	v2 =	vld [tilespmem:s30+$0xC30]  }
0x387: {  	v13 =	vld [tilespmem:s30+$0xC70]  }
0x388: {  	v0 =	vadd.f32 v7, v0;
	v7 =	vld [tilespmem:s30+$0xCB0]  }
0x389: {  	v14 =	vld [tilespmem:s30+$0xCF0]  }
0x38a: {  	v0 =	vadd.f32 v3, v0;
	v3 =	vld [tilespmem:s30+$0xD30]  }
0x38b: {  	v15 =	vld [tilespmem:s30+$0xD70]  }
0x38c: {  	v0 =	vadd.f32 v8, v0;
	v8 =	vld [tilespmem:s30+$0xDB0]  }
0x38d: {  	v16 =	vld [tilespmem:s30+$0xDF0]  }
0x38e: {  	v0 =	vadd.f32 v4, v0;
	v4 =	vld [tilespmem:s30+$0xE30]  }
0x38f: {  	v17 =	vld [tilespmem:s30+$0xE70]  }
0x390: {  	v0 =	vadd.f32 v9, v0;
	v9 =	vld [tilespmem:s30+$0xEB0]  }
0x391: {  	v18 =	vld [tilespmem:s30+$0xEF0]  }
0x392: {  	v0 =	vadd.f32 v5, v0;
	v5 =	vld [tilespmem:s30+$0xF30]  }
0x393: {  	v19 =	vld [tilespmem:s30+$0xF70]  }
0x394: {  	v0 =	vadd.f32 v10, v0;
	v10 =	vld [tilespmem:s30+$0xFB0]  }
0x395: {  	v20 =	vld [tilespmem:s30+$0xFF0]  }
0x396: {  	v0 =	vadd.f32 v1, v0;
	v21 =	vld [tilespmem:s30+$0x1030]  }
0x397: {  	v22 =	vld [tilespmem:s30+$0x1070]  }
0x398: {  	v0 =	vadd.f32 v11, v0;
	v11 =	vld [tilespmem:s30+$0x10B0]  }
0x399: {  	v23 =	vld [tilespmem:s30+$0x10F0]  }
0x39a: {  	v0 =	vadd.f32 v6, v0;
	v6 =	vld [tilespmem:s30+$0x1130]  }
0x39b: {  	v24 =	vld [tilespmem:s30+$0x1170]  }
0x39c: {  	v0 =	vadd.f32 v12, v0;
	v12 =	vld [tilespmem:s30+$0x11B0]  }
0x39d: {  	v25 =	vld [tilespmem:s30+$0x11F0]  }
0x39e: {  	v0 =	vadd.f32 v2, v0;
	v2 =	vld [tilespmem:s30+$0x1230]  }
0x39f: {  	v26 =	vld [tilespmem:s30+$0x1270]  }
0x3a0: {  	v0 =	vadd.f32 v13, v0;
	v13 =	vld [tilespmem:s30+$0x12B0]  }
0x3a1: {  	v27 =	vld [tilespmem:s30+$0x12F0]  }
0x3a2: {  	v7 =	vadd.f32 v7, v0;
	v1 =	vld [tilespmem:s30+$0x1330]  }
0x3a3: {  	v0 =	vld [tilespmem:s30+$0x1370]  }
0x3a4: {  	v7 =	vadd.f32 v14, v7;
	_ =	sdelay $0x1  }
0x3a5: {  	v3 =	vadd.f32 v3, v7;
	_ =	sdelay $0x1  }
0x3a6: {  	v3 =	vadd.f32 v15, v3;
	_ =	sdelay $0x1  }
0x3a7: {  	v3 =	vadd.f32 v8, v3;
	_ =	sdelay $0x1  }
0x3a8: {  	v3 =	vadd.f32 v16, v3;
	_ =	sdelay $0x1  }
0x3a9: {  	v3 =	vadd.f32 v4, v3;
	_ =	sdelay $0x1  }
0x3aa: {  	v3 =	vadd.f32 v17, v3;
	_ =	sdelay $0x1  }
0x3ab: {  	v3 =	vadd.f32 v9, v3;
	_ =	sdelay $0x1  }
0x3ac: {  	v3 =	vadd.f32 v18, v3;
	_ =	sdelay $0x1  }
0x3ad: {  	v3 =	vadd.f32 v5, v3;
	_ =	sdelay $0x1  }
0x3ae: {  	v3 =	vadd.f32 v19, v3;
	_ =	sdelay $0x1  }
0x3af: {  	v3 =	vadd.f32 v10, v3;
	_ =	sdelay $0x1  }
0x3b0: {  	v3 =	vadd.f32 v20, v3;
	_ =	sdelay $0x1  }
0x3b1: {  	v3 =	vadd.f32 v21, v3;
	_ =	sdelay $0x1  }
0x3b2: {  	v3 =	vadd.f32 v22, v3;
	_ =	sdelay $0x1  }
0x3b3: {  	v3 =	vadd.f32 v11, v3;
	_ =	sdelay $0x1  }
0x3b4: {  	v3 =	vadd.f32 v23, v3;
	_ =	sdelay $0x1  }
0x3b5: {  	v3 =	vadd.f32 v6, v3;
	_ =	sdelay $0x1  }
0x3b6: {  	v3 =	vadd.f32 v24, v3;
	_ =	sdelay $0x1  }
0x3b7: {  	v3 =	vadd.f32 v12, v3;
	_ =	sdelay $0x1  }
0x3b8: {  	v3 =	vadd.f32 v25, v3;
	_ =	sdelay $0x1  }
0x3b9: {  	v2 =	vadd.f32 v2, v3;
	_ =	sdelay $0x1  }
.Ltmp0:
0x3ba: {  	v2 =	vadd.f32 v26, v2;
	(pc) =	sbr.rel @p0 .LBB2_2-.Ltmp0, $3  }
0x3bb: {  	_ = 	snop  }
0x3bc: {  	v2 =	vadd.f32 v13, v2;
	_ =	sdelay $0x1  }
0x3bd: {  	v2 =	vadd.f32 v27, v2  }
0x3be: {  	_ = 	snop  }
0x3bf: {  	v1 =	vadd.f32 v1, v2;
	_ =	sdelay $0x1  }
0x3c0: {  	s26 =	sadd.s32 $0x1, s26;
	v0 =	vadd.f32 v0, v1  }
0x3c1: {  	p0 =	sne.s32 s26, s6  }
.Ltmp1:
0x3c2: {  	[tilespmem:s28+$0x19730] =	vst v0;
	(pc) =	sbr.rel @p0 .LBB2_1-.Ltmp1, $4  }
0x3c3: {  	[hbm4b:s5+s2] =	stream.linear.scatter [tilespmem:s25], [sflag:$0x2], $0x800, $0x38;
	[tilespmem:$0x19F00] =	vst v63  }
0x3c4: {  	_ =	swait.ge [sflag:s7], $0x800  }
0x3c5: {  	[sflag:s7] =	ssyncset.done $0x0  }
0x3c6: {  	[sflag:s7] =	ssyncadd.s32 $0xFFFFF800  }
0x3c7: {  	_ =	sfence.sel $0x180000  }
0x3c8: {  	[bflag:$0x0] =	sbarrier.arrive $0xFFFF  }
0x3c9: {  	_ =	strace $0x90000047  }
0x3ca: {  	s0 =	stileid.u32;
	[bflag:$0x2] =	sbarrier.arrive $0xFFFF  }
0x3cb: {  	p0 =	sne.s32 s0, $0x0;
	s0 =	rddreg [dreg:$0x2]  }
0x3cc: {  	s0 =	sadd.s32 @!p0 $0x100000, s0  }
0x3cd: {  	[sflag:s0] =	ssyncadd.tile.s32 @!p0 $0x1;
	_ =	shalt  }
.Lfunc_end2:
_tile_overlayer_lowered:
.L_overlay_start_2:
0x3ce: {  	(tag) =	ssettag $0x2  }
0x3cf: {  	s0 =	rddreg [dreg:$0x0];
	s2 =	stileid.u32  }
0x3d0: {  	s1 =	rddreg [dreg:$0x1];
	p0 =	sne.s32 s2, $0x0  }
0x3d1: {  	s3 =	rddreg [dreg:$0x2];
	[bflag:$0x3] =	sbarrier.arrive $0xFFFF;
	s2 =	simm.s32 @!p0 $0x1C02  }
0x3d2: {  	[timem:s3], [sflag:s2] =	dma.local @!p0 [hbm:s0], s1  }
0x3d3: {  	s0 =	simm.s32 @!p0 $0x2  }
0x3d4: {  	_ =	swait.ge @!p0 [sflag:s0], s1  }
0x3d5: {  	s1 =	ssub.s32 @!p0 $0x0, s1;
	[sflag:s0] =	ssyncset.done @!p0 $0x0  }
0x3d6: {  	[sflag:s0] =	ssyncadd.s32 @!p0 s1  }
0x3d7: {  	[bflag:$0x3] =	sbarrier.arrive $0xFFFF  }
0x3d8: {  	_ =	shalt  }

</sc_bundles>
